<compile_context>
chip_gen: v7x
topology: tpu7x:2x2x1
jax: 0.10.2.dev20260603
libtpu: 0.0.44.dev20260713+nightly
codegen_flags: <defaults>
</compile_context>

<pallas_src>
import jax
import jax.numpy as jnp
from jax import lax
from jax.experimental import pallas as pl
from jax.experimental.pallas import tpu as pltpu
from jax.experimental.pallas import tpu_sc as plsc

N = 10000
D = 128
E = 320000
NC = 2
NS = 16
NW = NC * NS
EPW = E // NW
C = 125
CP = 128
NCHUNK = EPW // C
NP = N + NS
ND = 10016
RPT = 624
TAIL = N - NS * RPT
SUB = 24
NSUB = RPT // SUB
CV = CP // 16


def _make_sc_agg(with_deg):
    out_type = [jax.ShapeDtypeStruct((NC * N, D), jnp.float32)]
    scratch = [
        pltpu.VMEM_SHARED((NP, D), jnp.float32),
        pltpu.VMEM((2, CP), jnp.int32),
        pltpu.VMEM((2, CP), jnp.int32),
        pltpu.VMEM((CP, D), jnp.float32),
        pltpu.VMEM((CP, D), jnp.float32),
        pltpu.VMEM((SUB, D), jnp.float32),
        pltpu.VMEM((SUB, D), jnp.float32),
        pltpu.SemaphoreType.DMA,
        pltpu.SemaphoreType.DMA,
        pltpu.SemaphoreType.DMA,
        pltpu.SemaphoreType.DMA,
        pltpu.SemaphoreType.DMA,
    ]
    if with_deg:
        out_type.append(jax.ShapeDtypeStruct((NW, N), jnp.float32))
        scratch.append(pltpu.VMEM((ND,), jnp.float32))

    mesh = plsc.VectorSubcoreMesh(core_axis_name="c", subcore_axis_name="s")

    def body(x_hbm, sd_hbm, zrow_hbm,
             agg_out, deg_out, agg_sh, sd0, sd1,
             rows0, rows1, zbuf, zbuf2, gsem0, gsem1, isem0, isem1,
             wsem, degloc=None):
        cid = lax.axis_index("c")
        sid = lax.axis_index("s")
        wid = sid * NC + cid

        pltpu.sync_copy(sd_hbm.at[wid].at[0], sd0)
        g0 = pltpu.async_copy(x_hbm.at[sd0.at[0]], rows0, gsem0)
        pltpu.sync_copy(sd_hbm.at[wid].at[1], sd1)
        g1 = pltpu.async_copy(x_hbm.at[sd1.at[0]], rows1, gsem1)

        pltpu.sync_copy(zrow_hbm, zbuf)

        @pl.loop(0, NSUB)
        def _(j):
            pltpu.async_copy(zbuf, agg_sh.at[pl.ds(sid * RPT + j * SUB, SUB)],
                             wsem)

        @pl.when(sid == 0)
        def _():
            pltpu.sync_copy(zbuf.at[pl.ds(0, TAIL)],
                            agg_sh.at[pl.ds(NS * RPT, TAIL)])

        if with_deg:
            zv = jnp.zeros((16,), jnp.float32)

            @pl.loop(0, ND // 16)
            def _(k):
                degloc[pl.ds(k * 16, 16)] = zv

        @pl.loop(0, NSUB)
        def _(j):
            pltpu.make_async_copy(
                zbuf, agg_sh.at[pl.ds(sid * RPT, SUB)], wsem).wait()

        plsc.subcore_barrier()

        ones16 = jnp.ones((16,), jnp.float32)

        def deg_update(sd):
            for g in range(CV):
                idx = sd[1, pl.ds(g * 16, 16)]
                plsc.addupdate_scatter(degloc, [idx], ones16)

        @pl.loop(0, NCHUNK, step=2)
        def _(i):
            g0.wait()
            pltpu.sync_copy(rows0, agg_sh.at[sd0.at[1]], add=True)
            if with_deg:
                deg_update(sd0)

            @pl.when(i + 2 < NCHUNK)
            def _():
                pltpu.async_copy(sd_hbm.at[wid].at[i + 2], sd0, isem0)

            g1.wait()
            pltpu.sync_copy(rows1, agg_sh.at[sd1.at[1]], add=True)
            if with_deg:
                deg_update(sd1)

            @pl.when(i + 2 < NCHUNK)
            def _():
                pltpu.make_async_copy(sd_hbm.at[wid].at[i + 2], sd0,
                                      isem0).wait()
                pltpu.async_copy(x_hbm.at[sd0.at[0]], rows0, gsem0)

            @pl.when(i + 3 < NCHUNK)
            def _():
                pltpu.async_copy(sd_hbm.at[wid].at[i + 3], sd1, isem1)
                pltpu.make_async_copy(sd_hbm.at[wid].at[i + 3], sd1,
                                      isem1).wait()
                pltpu.async_copy(x_hbm.at[sd1.at[0]], rows1, gsem1)

        plsc.subcore_barrier()

        def wdrain():
            pltpu.make_async_copy(
                zbuf, agg_out.at[pl.ds(cid * N, SUB)], wsem).wait()

        @pl.loop(0, NSUB, step=2)
        def _(j):
            @pl.when(j > 0)
            def _():
                wdrain()
            r0 = sid * RPT + j * SUB
            pltpu.sync_copy(agg_sh.at[pl.ds(r0, SUB)], zbuf)
            pltpu.async_copy(zbuf, agg_out.at[pl.ds(cid * N + r0, SUB)],
                             wsem)
            r1 = r0 + SUB
            pltpu.sync_copy(agg_sh.at[pl.ds(r1, SUB)], zbuf2)
            wdrain()
            pltpu.async_copy(zbuf2, agg_out.at[pl.ds(cid * N + r1, SUB)],
                             wsem)

        wdrain()

        @pl.when(sid == 0)
        def _():
            t0 = NS * RPT
            pltpu.sync_copy(agg_sh.at[pl.ds(t0, TAIL)],
                            zbuf.at[pl.ds(0, TAIL)])
            pltpu.sync_copy(zbuf.at[pl.ds(0, TAIL)],
                            agg_out.at[pl.ds(cid * N + t0, TAIL)])

        if with_deg:
            pltpu.sync_copy(degloc.at[pl.ds(0, N)], deg_out.at[wid])

    if with_deg:
        def body_w(x_hbm, sd_hbm, zrow_hbm, agg_out, deg_out,
                   agg_sh, sd0, sd1, rows0, rows1, zbuf, zbuf2,
                   gsem0, gsem1, isem0, isem1, wsem, degloc):
            body(x_hbm, sd_hbm, zrow_hbm, agg_out, deg_out,
                 agg_sh, sd0, sd1, rows0, rows1, zbuf, zbuf2,
                 gsem0, gsem1, isem0, isem1, wsem, degloc)
    else:
        def body_w(x_hbm, sd_hbm, zrow_hbm, agg_out,
                   agg_sh, sd0, sd1, rows0, rows1, zbuf, zbuf2,
                   gsem0, gsem1, isem0, isem1, wsem):
            body(x_hbm, sd_hbm, zrow_hbm, agg_out, None,
                 agg_sh, sd0, sd1, rows0, rows1, zbuf, zbuf2,
                 gsem0, gsem1, isem0, isem1, wsem)

    return pl.kernel(body_w, out_type=tuple(out_type), mesh=mesh,
                     scratch_types=scratch,
                     compiler_params=pltpu.CompilerParams(
                         use_tc_tiling_on_sc=False,
                         needs_layout_passes=False))


_sc_agg_deg = _make_sc_agg(True)
_sc_agg = _make_sc_agg(False)


_TC_R = 2000


def _tc_body(agg_ref, deg_ref, x_ref, w_ref, b_ref, o_ref):
    a = agg_ref[0] + agg_ref[1]
    dg = jnp.sum(deg_ref[...], axis=1, keepdims=True)
    a = a / jnp.maximum(dg, 1.0)
    h = jnp.dot(a, w_ref[...], preferred_element_type=jnp.float32)
    o_ref[...] = jnp.maximum(h + b_ref[...], 0.0) + x_ref[...]


def _tc_layer(agg, degT, x, W, b):
    return pl.pallas_call(
        _tc_body,
        out_shape=jax.ShapeDtypeStruct((N, D), jnp.float32),
        grid=(N // _TC_R,),
        in_specs=[
            pl.BlockSpec((NC, _TC_R, D), lambda i: (0, i, 0)),
            pl.BlockSpec((_TC_R, NW), lambda i: (i, 0)),
            pl.BlockSpec((_TC_R, D), lambda i: (i, 0)),
            pl.BlockSpec((D, D), lambda i: (0, 0)),
            pl.BlockSpec((1, D), lambda i: (0, 0)),
        ],
        out_specs=pl.BlockSpec((_TC_R, D), lambda i: (i, 0)),
    )(agg, degT, x, W, b)


def kernel(x, edge_index, W1, b1, W2, b2):
    ei = edge_index.astype(jnp.int32).reshape(2, NW, NCHUNK, C)
    sd = ei.transpose(1, 2, 0, 3)
    tile = (jnp.arange(NW, dtype=jnp.int32) // NC)[:, None, None, None]
    pad_src = jnp.broadcast_to(tile * 600, (NW, NCHUNK, 1, CP - C))
    pad_dst = jnp.broadcast_to(N + tile, (NW, NCHUNK, 1, CP - C))
    pad = jnp.concatenate([pad_src, pad_dst], axis=2)
    sdp = jnp.concatenate([sd, pad], axis=3)
    zrow = jnp.zeros((SUB, D), jnp.float32)
    b1r = b1.reshape(1, D)
    b2r = b2.reshape(1, D)

    agg1, degp = _sc_agg_deg(x, sdp, zrow)
    agg1 = agg1.reshape(NC, N, D)
    degT = degp.T
    h1 = _tc_layer(agg1, degT, x, W1, b1r)

    (agg2,) = _sc_agg(h1, sdp, zrow)
    agg2 = agg2.reshape(NC, N, D)
    out = _tc_layer(agg2, degT, h1, W2, b2r)
    return out

# --- scband reference (transcript-rebuilt; emitter-appended) ---
"""Pipeline reference for scband-text-net-61349312856405 (READ-ONLY COPY).

The authoritative reference and input builder live on the scoring server;
editing this copy changes nothing except your own understanding.
"""

import jax, jax.numpy as jnp
import numpy as np

N_NODES = 10000
N_EDGES = 320000
D = 128


def setup_inputs(seed: int = 0) -> dict:
    key = jax.random.key(seed)
    k1, k2, k3, k4, k5, k6, k7 = jax.random.split(key, 7)
    x = jax.random.normal(k1, (N_NODES, D), dtype=jnp.float32)
    edge_index = jax.random.randint(k2, (2, N_EDGES), 0, N_NODES, dtype=jnp.int64)
    s = 1.0 / np.sqrt(D)
    W1 = jax.random.uniform(k3, (D, D), dtype=jnp.float32, minval=-s, maxval=s)
    b1 = jax.random.uniform(k4, (D,), dtype=jnp.float32, minval=-s, maxval=s)
    W2 = jax.random.uniform(k5, (D, D), dtype=jnp.float32, minval=-s, maxval=s)
    b2 = jax.random.uniform(k6, (D,), dtype=jnp.float32, minval=-s, maxval=s)
    return {"x": x, "edge_index": edge_index, "W1": W1, "b1": b1, "W2": W2, "b2": b2}


def _graph_res(x, edge_index, W, b):
    # GraphRes (mode='v2'): gather messages from src nodes, mean-aggregate to dst,
    # linear transform, ReLU, residual connection.
    src = edge_index[0]
    dst = edge_index[1]
    n = x.shape[0]
    msg = x[src]  # gather [E, D]
    agg = jax.ops.segment_sum(msg, dst, num_segments=n)  # scatter-add [N, D]
    deg = jax.ops.segment_sum(jnp.ones((dst.shape[0],), dtype=x.dtype), dst, num_segments=n)
    agg = agg / jnp.clip(deg, 1.0)[:, None]
    h = agg @ W + b
    return jax.nn.relu(h) + x


def reference(x, edge_index, W1, b1, W2, b2):
    # TextNet.forward: x = gcn1(x, graph); x = gcn2(x, graph); x = drop(x)
    # Dropout is identity in eval mode. norm1/norm2 are unused in forward.
    x = _graph_res(x, edge_index, W1, b1)
    x = _graph_res(x, edge_index, W2, b2)
    return x

if __name__ == "__main__":
    import jax
    _d = setup_inputs()
    print(jax.jit(kernel)(*tuple(_d.values())))

</pallas_src>

<mosaic_0001>
#map = affine_map<(d0, d1) -> (0, 0)>
#map1 = affine_map<(d0, d1) -> (0, 0, 0, 0)>
module attributes {stable_mosaic.version = 14 : i64} {
  func.func @body_w(%arg0: i32, %arg1: i32, %arg2: memref<10000x128xf32, #tpu.memory_space<hbm>>, %arg3: memref<32x80x2x128xi32, #tpu.memory_space<hbm>>, %arg4: memref<24x128xf32, #tpu.memory_space<hbm>>, %arg5: memref<20000x128xf32, #tpu.memory_space<hbm>>, %arg6: memref<32x10000xf32, #tpu.memory_space<hbm>>, %arg7: memref<10016x128xf32, #tpu.memory_space<vmem_shared>>, %arg8: memref<2x128xi32, #tpu.memory_space<vmem>>, %arg9: memref<2x128xi32, #tpu.memory_space<vmem>>, %arg10: memref<128x128xf32, #tpu.memory_space<vmem>>, %arg11: memref<128x128xf32, #tpu.memory_space<vmem>>, %arg12: memref<24x128xf32, #tpu.memory_space<vmem>>, %arg13: memref<24x128xf32, #tpu.memory_space<vmem>>, %arg14: memref<!tpu.dma_semaphore, #tpu.memory_space<semaphore_mem>>, %arg15: memref<!tpu.dma_semaphore, #tpu.memory_space<semaphore_mem>>, %arg16: memref<!tpu.dma_semaphore, #tpu.memory_space<semaphore_mem>>, %arg17: memref<!tpu.dma_semaphore, #tpu.memory_space<semaphore_mem>>, %arg18: memref<!tpu.dma_semaphore, #tpu.memory_space<semaphore_mem>>, %arg19: memref<10016xf32, #tpu.memory_space<vmem>>) attributes {dimension_semantics = [#tpu.dimension_semantics<core_parallel>, #tpu.dimension_semantics<subcore_parallel>], iteration_bounds = array<i64: 2, 16>, scalar_prefetch = 0 : i64, scratch_operands = 13 : i64, tpu.core_type = #tpu.core_type<sc_vector_subcore>, window_params = [{transform_indices = #map}, {transform_indices = #map1}, {transform_indices = #map}, {transform_indices = #map}, {transform_indices = #map}]} {
    %mul3A = arith.constant 2 : i32
    %mul3A_0 = arith.muli %arg1, %mul3A : i32
    %add3A = arith.addi %mul3A_0, %arg0 : i32
    %run_scoped3A = arith.constant 0 : i32
    "tpu.region"() ({
      %run_scoped3A_57 = tpu.sem_alloc : memref<!tpu.dma_semaphore, #tpu.memory_space<semaphore_mem>>
      %dma_start3A_58 = arith.constant 0 : i32
      %dma_start3A_59 = arith.constant 0 : i32
      %dma_start3A_60 = arith.constant 0 : i32
      %dma_start3A_61 = tpu.memref_slice %arg3[%add3A, %dma_start3A_58, %dma_start3A_59, %dma_start3A_60] : memref<32x80x2x128xi32, #tpu.memory_space<hbm>> -> memref<1x80x2x128xi32, #tpu.memory_space<hbm>>
      %dma_start3A_62 = tpu.memref_squeeze %dma_start3A_61 : memref<1x80x2x128xi32, #tpu.memory_space<hbm>> -> memref<80x2x128xi32, #tpu.memory_space<hbm>>
      %dma_start3A_63 = arith.constant 0 : i32
      %dma_start3A_64 = arith.constant 0 : i32
      %dma_start3A_65 = tpu.memref_slice %dma_start3A_62[%run_scoped3A, %dma_start3A_63, %dma_start3A_64] : memref<80x2x128xi32, #tpu.memory_space<hbm>> -> memref<1x2x128xi32, #tpu.memory_space<hbm>>
      %dma_start3A_66 = tpu.memref_squeeze %dma_start3A_65 : memref<1x2x128xi32, #tpu.memory_space<hbm>> -> memref<2x128xi32, #tpu.memory_space<hbm>>
      %dma_start3A_67 = arith.constant 0 : i32
      %dma_start3A_68 = arith.constant 0 : i32
      %dma_start3A_69 = arith.constant 0 : i32
      %dma_start3A_70 = tpu.memref_slice %arg3[%add3A, %dma_start3A_67, %dma_start3A_68, %dma_start3A_69] : memref<32x80x2x128xi32, #tpu.memory_space<hbm>> -> memref<1x80x2x128xi32, #tpu.memory_space<hbm>>
      %dma_start3A_71 = tpu.memref_squeeze %dma_start3A_70 : memref<1x80x2x128xi32, #tpu.memory_space<hbm>> -> memref<80x2x128xi32, #tpu.memory_space<hbm>>
      %dma_start3A_72 = arith.constant 0 : i32
      %dma_start3A_73 = arith.constant 0 : i32
      %dma_start3A_74 = tpu.memref_slice %dma_start3A_71[%run_scoped3A, %dma_start3A_72, %dma_start3A_73] : memref<80x2x128xi32, #tpu.memory_space<hbm>> -> memref<1x2x128xi32, #tpu.memory_space<hbm>>
      %dma_start3A_75 = tpu.memref_squeeze %dma_start3A_74 : memref<1x2x128xi32, #tpu.memory_space<hbm>> -> memref<2x128xi32, #tpu.memory_space<hbm>>
      tpu.enqueue_dma source(%dma_start3A_75 : memref<2x128xi32, #tpu.memory_space<hbm>>) target(%arg8 : memref<2x128xi32, #tpu.memory_space<vmem>>) target_semaphore(%run_scoped3A_57 : memref<!tpu.dma_semaphore, #tpu.memory_space<semaphore_mem>>)
      %dma_wait3A_76 = arith.constant 0 : i32
      %dma_wait3A_77 = arith.constant 0 : i32
      %dma_wait3A_78 = arith.constant 0 : i32
      %dma_wait3A_79 = tpu.memref_slice %arg3[%add3A, %dma_wait3A_76, %dma_wait3A_77, %dma_wait3A_78] : memref<32x80x2x128xi32, #tpu.memory_space<hbm>> -> memref<1x80x2x128xi32, #tpu.memory_space<hbm>>
      %dma_wait3A_80 = tpu.memref_squeeze %dma_wait3A_79 : memref<1x80x2x128xi32, #tpu.memory_space<hbm>> -> memref<80x2x128xi32, #tpu.memory_space<hbm>>
      %dma_wait3A_81 = arith.constant 0 : i32
      %dma_wait3A_82 = arith.constant 0 : i32
      %dma_wait3A_83 = tpu.memref_slice %dma_wait3A_80[%run_scoped3A, %dma_wait3A_81, %dma_wait3A_82] : memref<80x2x128xi32, #tpu.memory_space<hbm>> -> memref<1x2x128xi32, #tpu.memory_space<hbm>>
      %dma_wait3A_84 = tpu.memref_squeeze %dma_wait3A_83 : memref<1x2x128xi32, #tpu.memory_space<hbm>> -> memref<2x128xi32, #tpu.memory_space<hbm>>
      %dma_wait3A_85 = arith.constant 0 : i32
      %dma_wait3A_86 = arith.constant 0 : i32
      %dma_wait3A_87 = arith.constant 0 : i32
      %dma_wait3A_88 = tpu.memref_slice %arg3[%add3A, %dma_wait3A_85, %dma_wait3A_86, %dma_wait3A_87] : memref<32x80x2x128xi32, #tpu.memory_space<hbm>> -> memref<1x80x2x128xi32, #tpu.memory_space<hbm>>
      %dma_wait3A_89 = tpu.memref_squeeze %dma_wait3A_88 : memref<1x80x2x128xi32, #tpu.memory_space<hbm>> -> memref<80x2x128xi32, #tpu.memory_space<hbm>>
      %dma_wait3A_90 = arith.constant 0 : i32
      %dma_wait3A_91 = arith.constant 0 : i32
      %dma_wait3A_92 = tpu.memref_slice %dma_wait3A_89[%run_scoped3A, %dma_wait3A_90, %dma_wait3A_91] : memref<80x2x128xi32, #tpu.memory_space<hbm>> -> memref<1x2x128xi32, #tpu.memory_space<hbm>>
      %dma_wait3A_93 = tpu.memref_squeeze %dma_wait3A_92 : memref<1x2x128xi32, #tpu.memory_space<hbm>> -> memref<2x128xi32, #tpu.memory_space<hbm>>
      tpu.wait_dma2 semaphore(%run_scoped3A_57 : memref<!tpu.dma_semaphore, #tpu.memory_space<semaphore_mem>>) src(%dma_wait3A_93 : memref<2x128xi32, #tpu.memory_space<hbm>>) dst(%arg8 : memref<2x128xi32, #tpu.memory_space<vmem>>)
      tpu.yield
    }) : () -> ()
    %dma_start3A = arith.constant 0 : i32
    %dma_start3A_1 = arith.constant 0 : i32
    %dma_start3A_2 = tpu.memref_slice %arg8[%dma_start3A, %dma_start3A_1] : memref<2x128xi32, #tpu.memory_space<vmem>> -> memref<1x128xi32, #tpu.memory_space<vmem>>
    %dma_start3A_3 = tpu.memref_squeeze %dma_start3A_2 : memref<1x128xi32, #tpu.memory_space<vmem>> -> memref<128xi32, #tpu.memory_space<vmem>>
    %dma_start3A_4 = arith.constant 0 : i32
    %dma_start3A_5 = arith.constant 0 : i32
    %dma_start3A_6 = tpu.memref_slice %arg2[%dma_start3A_4, %dma_start3A_5] : memref<10000x128xf32, #tpu.memory_space<hbm>> -> memref<10000x128xf32, #tpu.memory_space<hbm>>
    tpu.enqueue_indirect_dma source(%dma_start3A_6 : memref<10000x128xf32, #tpu.memory_space<hbm>>) target(%arg10 : memref<128x128xf32, #tpu.memory_space<vmem>>) offsets(%dma_start3A_3 : memref<128xi32, #tpu.memory_space<vmem>>) semaphore(%arg14 : memref<!tpu.dma_semaphore, #tpu.memory_space<semaphore_mem>>)
    %run_scoped3A_7 = arith.constant 1 : i32
    "tpu.region"() ({
      %run_scoped3A_57 = tpu.sem_alloc : memref<!tpu.dma_semaphore, #tpu.memory_space<semaphore_mem>>
      %dma_start3A_58 = arith.constant 0 : i32
      %dma_start3A_59 = arith.constant 0 : i32
      %dma_start3A_60 = arith.constant 0 : i32
      %dma_start3A_61 = tpu.memref_slice %arg3[%add3A, %dma_start3A_58, %dma_start3A_59, %dma_start3A_60] : memref<32x80x2x128xi32, #tpu.memory_space<hbm>> -> memref<1x80x2x128xi32, #tpu.memory_space<hbm>>
      %dma_start3A_62 = tpu.memref_squeeze %dma_start3A_61 : memref<1x80x2x128xi32, #tpu.memory_space<hbm>> -> memref<80x2x128xi32, #tpu.memory_space<hbm>>
      %dma_start3A_63 = arith.constant 0 : i32
      %dma_start3A_64 = arith.constant 0 : i32
      %dma_start3A_65 = tpu.memref_slice %dma_start3A_62[%run_scoped3A_7, %dma_start3A_63, %dma_start3A_64] : memref<80x2x128xi32, #tpu.memory_space<hbm>> -> memref<1x2x128xi32, #tpu.memory_space<hbm>>
      %dma_start3A_66 = tpu.memref_squeeze %dma_start3A_65 : memref<1x2x128xi32, #tpu.memory_space<hbm>> -> memref<2x128xi32, #tpu.memory_space<hbm>>
      %dma_start3A_67 = arith.constant 0 : i32
      %dma_start3A_68 = arith.constant 0 : i32
      %dma_start3A_69 = arith.constant 0 : i32
      %dma_start3A_70 = tpu.memref_slice %arg3[%add3A, %dma_start3A_67, %dma_start3A_68, %dma_start3A_69] : memref<32x80x2x128xi32, #tpu.memory_space<hbm>> -> memref<1x80x2x128xi32, #tpu.memory_space<hbm>>
      %dma_start3A_71 = tpu.memref_squeeze %dma_start3A_70 : memref<1x80x2x128xi32, #tpu.memory_space<hbm>> -> memref<80x2x128xi32, #tpu.memory_space<hbm>>
      %dma_start3A_72 = arith.constant 0 : i32
      %dma_start3A_73 = arith.constant 0 : i32
      %dma_start3A_74 = tpu.memref_slice %dma_start3A_71[%run_scoped3A_7, %dma_start3A_72, %dma_start3A_73] : memref<80x2x128xi32, #tpu.memory_space<hbm>> -> memref<1x2x128xi32, #tpu.memory_space<hbm>>
      %dma_start3A_75 = tpu.memref_squeeze %dma_start3A_74 : memref<1x2x128xi32, #tpu.memory_space<hbm>> -> memref<2x128xi32, #tpu.memory_space<hbm>>
      tpu.enqueue_dma source(%dma_start3A_75 : memref<2x128xi32, #tpu.memory_space<hbm>>) target(%arg9 : memref<2x128xi32, #tpu.memory_space<vmem>>) target_semaphore(%run_scoped3A_57 : memref<!tpu.dma_semaphore, #tpu.memory_space<semaphore_mem>>)
      %dma_wait3A_76 = arith.constant 0 : i32
      %dma_wait3A_77 = arith.constant 0 : i32
      %dma_wait3A_78 = arith.constant 0 : i32
      %dma_wait3A_79 = tpu.memref_slice %arg3[%add3A, %dma_wait3A_76, %dma_wait3A_77, %dma_wait3A_78] : memref<32x80x2x128xi32, #tpu.memory_space<hbm>> -> memref<1x80x2x128xi32, #tpu.memory_space<hbm>>
      %dma_wait3A_80 = tpu.memref_squeeze %dma_wait3A_79 : memref<1x80x2x128xi32, #tpu.memory_space<hbm>> -> memref<80x2x128xi32, #tpu.memory_space<hbm>>
      %dma_wait3A_81 = arith.constant 0 : i32
      %dma_wait3A_82 = arith.constant 0 : i32
      %dma_wait3A_83 = tpu.memref_slice %dma_wait3A_80[%run_scoped3A_7, %dma_wait3A_81, %dma_wait3A_82] : memref<80x2x128xi32, #tpu.memory_space<hbm>> -> memref<1x2x128xi32, #tpu.memory_space<hbm>>
      %dma_wait3A_84 = tpu.memref_squeeze %dma_wait3A_83 : memref<1x2x128xi32, #tpu.memory_space<hbm>> -> memref<2x128xi32, #tpu.memory_space<hbm>>
      %dma_wait3A_85 = arith.constant 0 : i32
      %dma_wait3A_86 = arith.constant 0 : i32
      %dma_wait3A_87 = arith.constant 0 : i32
      %dma_wait3A_88 = tpu.memref_slice %arg3[%add3A, %dma_wait3A_85, %dma_wait3A_86, %dma_wait3A_87] : memref<32x80x2x128xi32, #tpu.memory_space<hbm>> -> memref<1x80x2x128xi32, #tpu.memory_space<hbm>>
      %dma_wait3A_89 = tpu.memref_squeeze %dma_wait3A_88 : memref<1x80x2x128xi32, #tpu.memory_space<hbm>> -> memref<80x2x128xi32, #tpu.memory_space<hbm>>
      %dma_wait3A_90 = arith.constant 0 : i32
      %dma_wait3A_91 = arith.constant 0 : i32
      %dma_wait3A_92 = tpu.memref_slice %dma_wait3A_89[%run_scoped3A_7, %dma_wait3A_90, %dma_wait3A_91] : memref<80x2x128xi32, #tpu.memory_space<hbm>> -> memref<1x2x128xi32, #tpu.memory_space<hbm>>
      %dma_wait3A_93 = tpu.memref_squeeze %dma_wait3A_92 : memref<1x2x128xi32, #tpu.memory_space<hbm>> -> memref<2x128xi32, #tpu.memory_space<hbm>>
      tpu.wait_dma2 semaphore(%run_scoped3A_57 : memref<!tpu.dma_semaphore, #tpu.memory_space<semaphore_mem>>) src(%dma_wait3A_93 : memref<2x128xi32, #tpu.memory_space<hbm>>) dst(%arg9 : memref<2x128xi32, #tpu.memory_space<vmem>>)
      tpu.yield
    }) : () -> ()
    %dma_start3A_8 = arith.constant 0 : i32
    %dma_start3A_9 = arith.constant 0 : i32
    %dma_start3A_10 = tpu.memref_slice %arg9[%dma_start3A_8, %dma_start3A_9] : memref<2x128xi32, #tpu.memory_space<vmem>> -> memref<1x128xi32, #tpu.memory_space<vmem>>
    %dma_start3A_11 = tpu.memref_squeeze %dma_start3A_10 : memref<1x128xi32, #tpu.memory_space<vmem>> -> memref<128xi32, #tpu.memory_space<vmem>>
    %dma_start3A_12 = arith.constant 0 : i32
    %dma_start3A_13 = arith.constant 0 : i32
    %dma_start3A_14 = tpu.memref_slice %arg2[%dma_start3A_12, %dma_start3A_13] : memref<10000x128xf32, #tpu.memory_space<hbm>> -> memref<10000x128xf32, #tpu.memory_space<hbm>>
    tpu.enqueue_indirect_dma source(%dma_start3A_14 : memref<10000x128xf32, #tpu.memory_space<hbm>>) target(%arg11 : memref<128x128xf32, #tpu.memory_space<vmem>>) offsets(%dma_start3A_11 : memref<128xi32, #tpu.memory_space<vmem>>) semaphore(%arg15 : memref<!tpu.dma_semaphore, #tpu.memory_space<semaphore_mem>>)
    "tpu.region"() ({
      %run_scoped3A_57 = tpu.sem_alloc : memref<!tpu.dma_semaphore, #tpu.memory_space<semaphore_mem>>
      tpu.enqueue_dma source(%arg4 : memref<24x128xf32, #tpu.memory_space<hbm>>) target(%arg12 : memref<24x128xf32, #tpu.memory_space<vmem>>) target_semaphore(%run_scoped3A_57 : memref<!tpu.dma_semaphore, #tpu.memory_space<semaphore_mem>>)
      tpu.wait_dma2 semaphore(%run_scoped3A_57 : memref<!tpu.dma_semaphore, #tpu.memory_space<semaphore_mem>>) src(%arg4 : memref<24x128xf32, #tpu.memory_space<hbm>>) dst(%arg12 : memref<24x128xf32, #tpu.memory_space<vmem>>)
      tpu.yield
    }) : () -> ()
    %scan3A = arith.constant 0 : i32
    %scan3A_15 = arith.constant 26 : i32
    %scan3A_16 = arith.addi %scan3A, %scan3A_15 : i32
    %scan3A_17 = arith.constant 1 : i32
    scf.for %scan3A_57 = %scan3A to %scan3A_16 step %scan3A_17  : i32 {
      %mul3A_58 = arith.constant 1 : i32
      %mul3A_59 = arith.muli %scan3A_57, %mul3A_58 : i32
      %add3A_60 = arith.constant 0 : i32
      %add3A_61 = arith.addi %add3A_60, %mul3A_59 : i32
      %mul3A_62 = arith.constant 624 : i32
      %mul3A_63 = arith.muli %arg1, %mul3A_62 : i32
      %mul3A_64 = arith.constant 24 : i32
      %mul3A_65 = arith.muli %add3A_61, %mul3A_64 : i32
      %add3A_66 = arith.addi %mul3A_63, %mul3A_65 : i32
      %dma_start3A_67 = arith.constant 0 : i32
      %dma_start3A_68 = tpu.memref_slice %arg7[%add3A_66, %dma_start3A_67] : memref<10016x128xf32, #tpu.memory_space<vmem_shared>> -> memref<24x128xf32, #tpu.memory_space<vmem_shared>>
      %dma_start3A_69 = arith.constant 0 : i32
      %dma_start3A_70 = tpu.memref_slice %arg7[%add3A_66, %dma_start3A_69] : memref<10016x128xf32, #tpu.memory_space<vmem_shared>> -> memref<24x128xf32, #tpu.memory_space<vmem_shared>>
      tpu.enqueue_dma source(%arg12 : memref<24x128xf32, #tpu.memory_space<vmem>>) target(%dma_start3A_70 : memref<24x128xf32, #tpu.memory_space<vmem_shared>>) target_semaphore(%arg18 : memref<!tpu.dma_semaphore, #tpu.memory_space<semaphore_mem>>)
    }
    %scan3A_18 = arith.constant 26 : i32
    %eq3A = arith.constant 0 : i32
    %eq3A_19 = arith.cmpi eq, %arg1, %eq3A : i32
    %convert_element_type3A = arith.extui %eq3A_19 : i1 to i32
    %cond3A = arith.constant 0 : i32
    %cond3A_20 = arith.cmpi ne, %convert_element_type3A, %cond3A : i32
    scf.if %cond3A_20 {
      "tpu.region"() ({
        %run_scoped3A_57 = tpu.sem_alloc : memref<!tpu.dma_semaphore, #tpu.memory_space<semaphore_mem>>
        %dma_start3A_58 = arith.constant 0 : i32
        %dma_start3A_59 = arith.constant 0 : i32
        %dma_start3A_60 = tpu.memref_slice %arg12[%dma_start3A_58, %dma_start3A_59] : memref<24x128xf32, #tpu.memory_space<vmem>> -> memref<16x128xf32, #tpu.memory_space<vmem>>
        %dma_start3A_61 = arith.constant 9984 : i32
        %dma_start3A_62 = arith.constant 0 : i32
        %dma_start3A_63 = tpu.memref_slice %arg7[%dma_start3A_61, %dma_start3A_62] : memref<10016x128xf32, #tpu.memory_space<vmem_shared>> -> memref<16x128xf32, #tpu.memory_space<vmem_shared>>
        %dma_start3A_64 = arith.constant 9984 : i32
        %dma_start3A_65 = arith.constant 0 : i32
        %dma_start3A_66 = tpu.memref_slice %arg7[%dma_start3A_64, %dma_start3A_65] : memref<10016x128xf32, #tpu.memory_space<vmem_shared>> -> memref<16x128xf32, #tpu.memory_space<vmem_shared>>
        %dma_start3A_67 = arith.constant 0 : i32
        %dma_start3A_68 = arith.constant 0 : i32
        %dma_start3A_69 = tpu.memref_slice %arg12[%dma_start3A_67, %dma_start3A_68] : memref<24x128xf32, #tpu.memory_space<vmem>> -> memref<16x128xf32, #tpu.memory_space<vmem>>
        tpu.enqueue_dma source(%dma_start3A_69 : memref<16x128xf32, #tpu.memory_space<vmem>>) target(%dma_start3A_66 : memref<16x128xf32, #tpu.memory_space<vmem_shared>>) target_semaphore(%run_scoped3A_57 : memref<!tpu.dma_semaphore, #tpu.memory_space<semaphore_mem>>)
        %dma_wait3A_70 = arith.constant 0 : i32
        %dma_wait3A_71 = arith.constant 0 : i32
        %dma_wait3A_72 = tpu.memref_slice %arg12[%dma_wait3A_70, %dma_wait3A_71] : memref<24x128xf32, #tpu.memory_space<vmem>> -> memref<16x128xf32, #tpu.memory_space<vmem>>
        %dma_wait3A_73 = arith.constant 9984 : i32
        %dma_wait3A_74 = arith.constant 0 : i32
        %dma_wait3A_75 = tpu.memref_slice %arg7[%dma_wait3A_73, %dma_wait3A_74] : memref<10016x128xf32, #tpu.memory_space<vmem_shared>> -> memref<16x128xf32, #tpu.memory_space<vmem_shared>>
        %dma_wait3A_76 = arith.constant 9984 : i32
        %dma_wait3A_77 = arith.constant 0 : i32
        %dma_wait3A_78 = tpu.memref_slice %arg7[%dma_wait3A_76, %dma_wait3A_77] : memref<10016x128xf32, #tpu.memory_space<vmem_shared>> -> memref<16x128xf32, #tpu.memory_space<vmem_shared>>
        %dma_wait3A_79 = arith.constant 0 : i32
        %dma_wait3A_80 = arith.constant 0 : i32
        %dma_wait3A_81 = tpu.memref_slice %arg12[%dma_wait3A_79, %dma_wait3A_80] : memref<24x128xf32, #tpu.memory_space<vmem>> -> memref<16x128xf32, #tpu.memory_space<vmem>>
        tpu.wait_dma2 semaphore(%run_scoped3A_57 : memref<!tpu.dma_semaphore, #tpu.memory_space<semaphore_mem>>) src(%dma_wait3A_81 : memref<16x128xf32, #tpu.memory_space<vmem>>) dst(%dma_wait3A_78 : memref<16x128xf32, #tpu.memory_space<vmem_shared>>)
        tpu.yield
      }) : () -> ()
    } else {
    }
    %broadcast_in_dim3A = arith.constant 0.000000e+00 : f32
    %broadcast_in_dim3A_21 = vector.broadcast %broadcast_in_dim3A : f32 to vector<16xf32>
    %scan3A_22 = arith.constant 0 : i32
    %scan3A_23 = arith.constant 626 : i32
    %scan3A_24 = arith.addi %scan3A_22, %scan3A_23 : i32
    %scan3A_25 = arith.constant 1 : i32
    scf.for %scan3A_57 = %scan3A_22 to %scan3A_24 step %scan3A_25  : i32 {
      %mul3A_58 = arith.constant 1 : i32
      %mul3A_59 = arith.muli %scan3A_57, %mul3A_58 : i32
      %add3A_60 = arith.constant 0 : i32
      %add3A_61 = arith.addi %add3A_60, %mul3A_59 : i32
      %mul3A_62 = arith.constant 16 : i32
      %mul3A_63 = arith.muli %add3A_61, %mul3A_62 : i32
      %swap3A = arith.index_cast %mul3A_63 : i32 to index
      %swap3A_64 = tpu.vector_load %arg19[%swap3A] {strides = array<i32>} : memref<10016xf32, #tpu.memory_space<vmem>>, vector<16xf32>,
      tpu.vector_store %arg19[%swap3A], %broadcast_in_dim3A_21 {strides = array<i32>} : memref<10016xf32, #tpu.memory_space<vmem>>, vector<16xf32>,
    }
    %scan3A_26 = arith.constant 626 : i32
    %scan3A_27 = arith.constant 0 : i32
    %scan3A_28 = arith.constant 26 : i32
    %scan3A_29 = arith.addi %scan3A_27, %scan3A_28 : i32
    %scan3A_30 = arith.constant 1 : i32
    scf.for %scan3A_57 = %scan3A_27 to %scan3A_29 step %scan3A_30  : i32 {
      %mul3A_58 = arith.constant 1 : i32
      %mul3A_59 = arith.muli %scan3A_57, %mul3A_58 : i32
      %add3A_60 = arith.constant 0 : i32
      %add3A_61 = arith.addi %add3A_60, %mul3A_59 : i32
      %mul3A_62 = arith.constant 624 : i32
      %mul3A_63 = arith.muli %arg1, %mul3A_62 : i32
      %dma_wait3A_64 = arith.constant 0 : i32
      %dma_wait3A_65 = tpu.memref_slice %arg7[%mul3A_63, %dma_wait3A_64] : memref<10016x128xf32, #tpu.memory_space<vmem_shared>> -> memref<24x128xf32, #tpu.memory_space<vmem_shared>>
      %dma_wait3A_66 = arith.constant 0 : i32
      %dma_wait3A_67 = tpu.memref_slice %arg7[%mul3A_63, %dma_wait3A_66] : memref<10016x128xf32, #tpu.memory_space<vmem_shared>> -> memref<24x128xf32, #tpu.memory_space<vmem_shared>>
      tpu.wait_dma2 semaphore(%arg18 : memref<!tpu.dma_semaphore, #tpu.memory_space<semaphore_mem>>) src(%arg12 : memref<24x128xf32, #tpu.memory_space<vmem>>) dst(%dma_wait3A_67 : memref<24x128xf32, #tpu.memory_space<vmem_shared>>)
    }
    %scan3A_31 = arith.constant 26 : i32
    %barrier3A = arith.constant 0 : index
    tpu.barrier barrier_id(%barrier3A)
    %broadcast_in_dim3A_32 = arith.constant 1.000000e+00 : f32
    %broadcast_in_dim3A_33 = vector.broadcast %broadcast_in_dim3A_32 : f32 to vector<16xf32>
    %scan3A_34 = arith.constant 0 : i32
    %scan3A_35 = arith.constant 0 : i32
    %scan3A_36 = arith.constant 0 : i32
    %scan3A_37 = arith.constant 40 : i32
    %scan3A_38 = arith.addi %scan3A_36, %scan3A_37 : i32
    %scan3A_39 = arith.constant 1 : i32
    scf.for %scan3A_57 = %scan3A_36 to %scan3A_38 step %scan3A_39  : i32 {
      %mul3A_58 = arith.constant 2 : i32
      %mul3A_59 = arith.muli %scan3A_57, %mul3A_58 : i32
      %add3A_60 = arith.constant 0 : i32
      %add3A_61 = arith.addi %add3A_60, %mul3A_59 : i32
      %dma_wait3A_62 = arith.constant 0 : i32
      %dma_wait3A_63 = tpu.memref_slice %arg8[%scan3A_34, %dma_wait3A_62] : memref<2x128xi32, #tpu.memory_space<vmem>> -> memref<1x128xi32, #tpu.memory_space<vmem>>
      %dma_wait3A_64 = tpu.memref_squeeze %dma_wait3A_63 : memref<1x128xi32, #tpu.memory_space<vmem>> -> memref<128xi32, #tpu.memory_space<vmem>>
      %dma_wait3A_65 = arith.constant 0 : i32
      %dma_wait3A_66 = arith.constant 0 : i32
      %dma_wait3A_67 = tpu.memref_slice %arg2[%dma_wait3A_65, %dma_wait3A_66] : memref<10000x128xf32, #tpu.memory_space<hbm>> -> memref<10000x128xf32, #tpu.memory_space<hbm>>
      tpu.wait_indirect_dma semaphore(%arg14 : memref<!tpu.dma_semaphore, #tpu.memory_space<semaphore_mem>>) src(%dma_wait3A_67 : memref<10000x128xf32, #tpu.memory_space<hbm>>) dst(%arg10 : memref<128x128xf32, #tpu.memory_space<vmem>>)
      %run_scoped3A_68 = arith.constant 1 : i32
      "tpu.region"() ({
        %run_scoped3A_159 = tpu.sem_alloc : memref<!tpu.dma_semaphore, #tpu.memory_space<semaphore_mem>>
        %dma_start3A_160 = arith.constant 0 : i32
        %dma_start3A_161 = tpu.memref_slice %arg8[%run_scoped3A_68, %dma_start3A_160] : memref<2x128xi32, #tpu.memory_space<vmem>> -> memref<1x128xi32, #tpu.memory_space<vmem>>
        %dma_start3A_162 = tpu.memref_squeeze %dma_start3A_161 : memref<1x128xi32, #tpu.memory_space<vmem>> -> memref<128xi32, #tpu.memory_space<vmem>>
        %dma_start3A_163 = arith.constant 0 : i32
        %dma_start3A_164 = arith.constant 0 : i32
        %dma_start3A_165 = tpu.memref_slice %arg7[%dma_start3A_163, %dma_start3A_164] : memref<10016x128xf32, #tpu.memory_space<vmem_shared>> -> memref<10016x128xf32, #tpu.memory_space<vmem_shared>>
        tpu.enqueue_indirect_dma source(%arg10 : memref<128x128xf32, #tpu.memory_space<vmem>>) target(%dma_start3A_165 : memref<10016x128xf32, #tpu.memory_space<vmem_shared>>) offsets(%dma_start3A_162 : memref<128xi32, #tpu.memory_space<vmem>>) semaphore(%run_scoped3A_159 : memref<!tpu.dma_semaphore, #tpu.memory_space<semaphore_mem>>) {add = true}
        %dma_wait3A_166 = arith.constant 0 : i32
        %dma_wait3A_167 = tpu.memref_slice %arg8[%run_scoped3A_68, %dma_wait3A_166] : memref<2x128xi32, #tpu.memory_space<vmem>> -> memref<1x128xi32, #tpu.memory_space<vmem>>
        %dma_wait3A_168 = tpu.memref_squeeze %dma_wait3A_167 : memref<1x128xi32, #tpu.memory_space<vmem>> -> memref<128xi32, #tpu.memory_space<vmem>>
        %dma_wait3A_169 = arith.constant 0 : i32
        %dma_wait3A_170 = arith.constant 0 : i32
        %dma_wait3A_171 = tpu.memref_slice %arg7[%dma_wait3A_169, %dma_wait3A_170] : memref<10016x128xf32, #tpu.memory_space<vmem_shared>> -> memref<10016x128xf32, #tpu.memory_space<vmem_shared>>
        tpu.wait_indirect_dma semaphore(%run_scoped3A_159 : memref<!tpu.dma_semaphore, #tpu.memory_space<semaphore_mem>>) src(%arg10 : memref<128x128xf32, #tpu.memory_space<vmem>>) dst(%dma_wait3A_171 : memref<10016x128xf32, #tpu.memory_space<vmem_shared>>)
        tpu.yield
      }) : () -> ()
      %get3A = arith.constant 1 : i32
      %get3A_69 = arith.index_cast %get3A : i32 to index
      %get3A_70 = arith.constant 0 : index
      %get3A_71 = tpu.vector_load %arg8[%get3A_69, %get3A_70] {strides = array<i32>} : memref<2x128xi32, #tpu.memory_space<vmem>>, vector<16xi32>,
      tpu.vector_store_idx %arg19[%get3A_71], %broadcast_in_dim3A_33 {add = true} : memref<10016xf32, #tpu.memory_space<vmem>>[vector<16xi32>], vector<16xf32>,
      %get3A_72 = arith.constant 1 : i32
      %get3A_73 = arith.index_cast %get3A_72 : i32 to index
      %get3A_74 = arith.constant 16 : index
      %get3A_75 = tpu.vector_load %arg8[%get3A_73, %get3A_74] {strides = array<i32>} : memref<2x128xi32, #tpu.memory_space<vmem>>, vector<16xi32>,
      tpu.vector_store_idx %arg19[%get3A_75], %broadcast_in_dim3A_33 {add = true} : memref<10016xf32, #tpu.memory_space<vmem>>[vector<16xi32>], vector<16xf32>,
      %get3A_76 = arith.constant 1 : i32
      %get3A_77 = arith.index_cast %get3A_76 : i32 to index
      %get3A_78 = arith.constant 32 : index
      %get3A_79 = tpu.vector_load %arg8[%get3A_77, %get3A_78] {strides = array<i32>} : memref<2x128xi32, #tpu.memory_space<vmem>>, vector<16xi32>,
      tpu.vector_store_idx %arg19[%get3A_79], %broadcast_in_dim3A_33 {add = true} : memref<10016xf32, #tpu.memory_space<vmem>>[vector<16xi32>], vector<16xf32>,
      %get3A_80 = arith.constant 1 : i32
      %get3A_81 = arith.index_cast %get3A_80 : i32 to index
      %get3A_82 = arith.constant 48 : index
      %get3A_83 = tpu.vector_load %arg8[%get3A_81, %get3A_82] {strides = array<i32>} : memref<2x128xi32, #tpu.memory_space<vmem>>, vector<16xi32>,
      tpu.vector_store_idx %arg19[%get3A_83], %broadcast_in_dim3A_33 {add = true} : memref<10016xf32, #tpu.memory_space<vmem>>[vector<16xi32>], vector<16xf32>,
      %get3A_84 = arith.constant 1 : i32
      %get3A_85 = arith.index_cast %get3A_84 : i32 to index
      %get3A_86 = arith.constant 64 : index
      %get3A_87 = tpu.vector_load %arg8[%get3A_85, %get3A_86] {strides = array<i32>} : memref<2x128xi32, #tpu.memory_space<vmem>>, vector<16xi32>,
      tpu.vector_store_idx %arg19[%get3A_87], %broadcast_in_dim3A_33 {add = true} : memref<10016xf32, #tpu.memory_space<vmem>>[vector<16xi32>], vector<16xf32>,
      %get3A_88 = arith.constant 1 : i32
      %get3A_89 = arith.index_cast %get3A_88 : i32 to index
      %get3A_90 = arith.constant 80 : index
      %get3A_91 = tpu.vector_load %arg8[%get3A_89, %get3A_90] {strides = array<i32>} : memref<2x128xi32, #tpu.memory_space<vmem>>, vector<16xi32>,
      tpu.vector_store_idx %arg19[%get3A_91], %broadcast_in_dim3A_33 {add = true} : memref<10016xf32, #tpu.memory_space<vmem>>[vector<16xi32>], vector<16xf32>,
      %get3A_92 = arith.constant 1 : i32
      %get3A_93 = arith.index_cast %get3A_92 : i32 to index
      %get3A_94 = arith.constant 96 : index
      %get3A_95 = tpu.vector_load %arg8[%get3A_93, %get3A_94] {strides = array<i32>} : memref<2x128xi32, #tpu.memory_space<vmem>>, vector<16xi32>,
      tpu.vector_store_idx %arg19[%get3A_95], %broadcast_in_dim3A_33 {add = true} : memref<10016xf32, #tpu.memory_space<vmem>>[vector<16xi32>], vector<16xf32>,
      %get3A_96 = arith.constant 1 : i32
      %get3A_97 = arith.index_cast %get3A_96 : i32 to index
      %get3A_98 = arith.constant 112 : index
      %get3A_99 = tpu.vector_load %arg8[%get3A_97, %get3A_98] {strides = array<i32>} : memref<2x128xi32, #tpu.memory_space<vmem>>, vector<16xi32>,
      tpu.vector_store_idx %arg19[%get3A_99], %broadcast_in_dim3A_33 {add = true} : memref<10016xf32, #tpu.memory_space<vmem>>[vector<16xi32>], vector<16xf32>,
      %add3A_100 = arith.constant 2 : i32
      %add3A_101 = arith.addi %add3A_61, %add3A_100 : i32
      %lt3A = arith.constant 80 : i32
      %lt3A_102 = arith.cmpi slt, %add3A_101, %lt3A : i32
      %convert_element_type3A_103 = arith.extui %lt3A_102 : i1 to i32
      %cond3A_104 = arith.constant 0 : i32
      %cond3A_105 = arith.cmpi ne, %convert_element_type3A_103, %cond3A_104 : i32
      scf.if %cond3A_105 {
        %add3A_159 = arith.constant 2 : i32
        %add3A_160 = arith.addi %add3A_61, %add3A_159 : i32
        %dma_start3A_161 = arith.constant 0 : i32
        %dma_start3A_162 = arith.constant 0 : i32
        %dma_start3A_163 = arith.constant 0 : i32
        %dma_start3A_164 = tpu.memref_slice %arg3[%add3A, %dma_start3A_161, %dma_start3A_162, %dma_start3A_163] : memref<32x80x2x128xi32, #tpu.memory_space<hbm>> -> memref<1x80x2x128xi32, #tpu.memory_space<hbm>>
        %dma_start3A_165 = tpu.memref_squeeze %dma_start3A_164 : memref<1x80x2x128xi32, #tpu.memory_space<hbm>> -> memref<80x2x128xi32, #tpu.memory_space<hbm>>
        %dma_start3A_166 = arith.constant 0 : i32
        %dma_start3A_167 = arith.constant 0 : i32
        %dma_start3A_168 = tpu.memref_slice %dma_start3A_165[%add3A_160, %dma_start3A_166, %dma_start3A_167] : memref<80x2x128xi32, #tpu.memory_space<hbm>> -> memref<1x2x128xi32, #tpu.memory_space<hbm>>
        %dma_start3A_169 = tpu.memref_squeeze %dma_start3A_168 : memref<1x2x128xi32, #tpu.memory_space<hbm>> -> memref<2x128xi32, #tpu.memory_space<hbm>>
        %dma_start3A_170 = arith.constant 0 : i32
        %dma_start3A_171 = arith.constant 0 : i32
        %dma_start3A_172 = arith.constant 0 : i32
        %dma_start3A_173 = tpu.memref_slice %arg3[%add3A, %dma_start3A_170, %dma_start3A_171, %dma_start3A_172] : memref<32x80x2x128xi32, #tpu.memory_space<hbm>> -> memref<1x80x2x128xi32, #tpu.memory_space<hbm>>
        %dma_start3A_174 = tpu.memref_squeeze %dma_start3A_173 : memref<1x80x2x128xi32, #tpu.memory_space<hbm>> -> memref<80x2x128xi32, #tpu.memory_space<hbm>>
        %dma_start3A_175 = arith.constant 0 : i32
        %dma_start3A_176 = arith.constant 0 : i32
        %dma_start3A_177 = tpu.memref_slice %dma_start3A_174[%add3A_160, %dma_start3A_175, %dma_start3A_176] : memref<80x2x128xi32, #tpu.memory_space<hbm>> -> memref<1x2x128xi32, #tpu.memory_space<hbm>>
        %dma_start3A_178 = tpu.memref_squeeze %dma_start3A_177 : memref<1x2x128xi32, #tpu.memory_space<hbm>> -> memref<2x128xi32, #tpu.memory_space<hbm>>
        tpu.enqueue_dma source(%dma_start3A_178 : memref<2x128xi32, #tpu.memory_space<hbm>>) target(%arg8 : memref<2x128xi32, #tpu.memory_space<vmem>>) target_semaphore(%arg16 : memref<!tpu.dma_semaphore, #tpu.memory_space<semaphore_mem>>)
      } else {
      }
      %dma_wait3A_106 = arith.constant 0 : i32
      %dma_wait3A_107 = tpu.memref_slice %arg9[%scan3A_35, %dma_wait3A_106] : memref<2x128xi32, #tpu.memory_space<vmem>> -> memref<1x128xi32, #tpu.memory_space<vmem>>
      %dma_wait3A_108 = tpu.memref_squeeze %dma_wait3A_107 : memref<1x128xi32, #tpu.memory_space<vmem>> -> memref<128xi32, #tpu.memory_space<vmem>>
      %dma_wait3A_109 = arith.constant 0 : i32
      %dma_wait3A_110 = arith.constant 0 : i32
      %dma_wait3A_111 = tpu.memref_slice %arg2[%dma_wait3A_109, %dma_wait3A_110] : memref<10000x128xf32, #tpu.memory_space<hbm>> -> memref<10000x128xf32, #tpu.memory_space<hbm>>
      tpu.wait_indirect_dma semaphore(%arg15 : memref<!tpu.dma_semaphore, #tpu.memory_space<semaphore_mem>>) src(%dma_wait3A_111 : memref<10000x128xf32, #tpu.memory_space<hbm>>) dst(%arg11 : memref<128x128xf32, #tpu.memory_space<vmem>>)
      %run_scoped3A_112 = arith.constant 1 : i32
      "tpu.region"() ({
        %run_scoped3A_159 = tpu.sem_alloc : memref<!tpu.dma_semaphore, #tpu.memory_space<semaphore_mem>>
        %dma_start3A_160 = arith.constant 0 : i32
        %dma_start3A_161 = tpu.memref_slice %arg9[%run_scoped3A_112, %dma_start3A_160] : memref<2x128xi32, #tpu.memory_space<vmem>> -> memref<1x128xi32, #tpu.memory_space<vmem>>
        %dma_start3A_162 = tpu.memref_squeeze %dma_start3A_161 : memref<1x128xi32, #tpu.memory_space<vmem>> -> memref<128xi32, #tpu.memory_space<vmem>>
        %dma_start3A_163 = arith.constant 0 : i32
        %dma_start3A_164 = arith.constant 0 : i32
        %dma_start3A_165 = tpu.memref_slice %arg7[%dma_start3A_163, %dma_start3A_164] : memref<10016x128xf32, #tpu.memory_space<vmem_shared>> -> memref<10016x128xf32, #tpu.memory_space<vmem_shared>>
        tpu.enqueue_indirect_dma source(%arg11 : memref<128x128xf32, #tpu.memory_space<vmem>>) target(%dma_start3A_165 : memref<10016x128xf32, #tpu.memory_space<vmem_shared>>) offsets(%dma_start3A_162 : memref<128xi32, #tpu.memory_space<vmem>>) semaphore(%run_scoped3A_159 : memref<!tpu.dma_semaphore, #tpu.memory_space<semaphore_mem>>) {add = true}
        %dma_wait3A_166 = arith.constant 0 : i32
        %dma_wait3A_167 = tpu.memref_slice %arg9[%run_scoped3A_112, %dma_wait3A_166] : memref<2x128xi32, #tpu.memory_space<vmem>> -> memref<1x128xi32, #tpu.memory_space<vmem>>
        %dma_wait3A_168 = tpu.memref_squeeze %dma_wait3A_167 : memref<1x128xi32, #tpu.memory_space<vmem>> -> memref<128xi32, #tpu.memory_space<vmem>>
        %dma_wait3A_169 = arith.constant 0 : i32
        %dma_wait3A_170 = arith.constant 0 : i32
        %dma_wait3A_171 = tpu.memref_slice %arg7[%dma_wait3A_169, %dma_wait3A_170] : memref<10016x128xf32, #tpu.memory_space<vmem_shared>> -> memref<10016x128xf32, #tpu.memory_space<vmem_shared>>
        tpu.wait_indirect_dma semaphore(%run_scoped3A_159 : memref<!tpu.dma_semaphore, #tpu.memory_space<semaphore_mem>>) src(%arg11 : memref<128x128xf32, #tpu.memory_space<vmem>>) dst(%dma_wait3A_171 : memref<10016x128xf32, #tpu.memory_space<vmem_shared>>)
        tpu.yield
      }) : () -> ()
      %get3A_113 = arith.constant 1 : i32
      %get3A_114 = arith.index_cast %get3A_113 : i32 to index
      %get3A_115 = arith.constant 0 : index
      %get3A_116 = tpu.vector_load %arg9[%get3A_114, %get3A_115] {strides = array<i32>} : memref<2x128xi32, #tpu.memory_space<vmem>>, vector<16xi32>,
      tpu.vector_store_idx %arg19[%get3A_116], %broadcast_in_dim3A_33 {add = true} : memref<10016xf32, #tpu.memory_space<vmem>>[vector<16xi32>], vector<16xf32>,
      %get3A_117 = arith.constant 1 : i32
      %get3A_118 = arith.index_cast %get3A_117 : i32 to index
      %get3A_119 = arith.constant 16 : index
      %get3A_120 = tpu.vector_load %arg9[%get3A_118, %get3A_119] {strides = array<i32>} : memref<2x128xi32, #tpu.memory_space<vmem>>, vector<16xi32>,
      tpu.vector_store_idx %arg19[%get3A_120], %broadcast_in_dim3A_33 {add = true} : memref<10016xf32, #tpu.memory_space<vmem>>[vector<16xi32>], vector<16xf32>,
      %get3A_121 = arith.constant 1 : i32
      %get3A_122 = arith.index_cast %get3A_121 : i32 to index
      %get3A_123 = arith.constant 32 : index
      %get3A_124 = tpu.vector_load %arg9[%get3A_122, %get3A_123] {strides = array<i32>} : memref<2x128xi32, #tpu.memory_space<vmem>>, vector<16xi32>,
      tpu.vector_store_idx %arg19[%get3A_124], %broadcast_in_dim3A_33 {add = true} : memref<10016xf32, #tpu.memory_space<vmem>>[vector<16xi32>], vector<16xf32>,
      %get3A_125 = arith.constant 1 : i32
      %get3A_126 = arith.index_cast %get3A_125 : i32 to index
      %get3A_127 = arith.constant 48 : index
      %get3A_128 = tpu.vector_load %arg9[%get3A_126, %get3A_127] {strides = array<i32>} : memref<2x128xi32, #tpu.memory_space<vmem>>, vector<16xi32>,
      tpu.vector_store_idx %arg19[%get3A_128], %broadcast_in_dim3A_33 {add = true} : memref<10016xf32, #tpu.memory_space<vmem>>[vector<16xi32>], vector<16xf32>,
      %get3A_129 = arith.constant 1 : i32
      %get3A_130 = arith.index_cast %get3A_129 : i32 to index
      %get3A_131 = arith.constant 64 : index
      %get3A_132 = tpu.vector_load %arg9[%get3A_130, %get3A_131] {strides = array<i32>} : memref<2x128xi32, #tpu.memory_space<vmem>>, vector<16xi32>,
      tpu.vector_store_idx %arg19[%get3A_132], %broadcast_in_dim3A_33 {add = true} : memref<10016xf32, #tpu.memory_space<vmem>>[vector<16xi32>], vector<16xf32>,
      %get3A_133 = arith.constant 1 : i32
      %get3A_134 = arith.index_cast %get3A_133 : i32 to index
      %get3A_135 = arith.constant 80 : index
      %get3A_136 = tpu.vector_load %arg9[%get3A_134, %get3A_135] {strides = array<i32>} : memref<2x128xi32, #tpu.memory_space<vmem>>, vector<16xi32>,
      tpu.vector_store_idx %arg19[%get3A_136], %broadcast_in_dim3A_33 {add = true} : memref<10016xf32, #tpu.memory_space<vmem>>[vector<16xi32>], vector<16xf32>,
      %get3A_137 = arith.constant 1 : i32
      %get3A_138 = arith.index_cast %get3A_137 : i32 to index
      %get3A_139 = arith.constant 96 : index
      %get3A_140 = tpu.vector_load %arg9[%get3A_138, %get3A_139] {strides = array<i32>} : memref<2x128xi32, #tpu.memory_space<vmem>>, vector<16xi32>,
      tpu.vector_store_idx %arg19[%get3A_140], %broadcast_in_dim3A_33 {add = true} : memref<10016xf32, #tpu.memory_space<vmem>>[vector<16xi32>], vector<16xf32>,
      %get3A_141 = arith.constant 1 : i32
      %get3A_142 = arith.index_cast %get3A_141 : i32 to index
      %get3A_143 = arith.constant 112 : index
      %get3A_144 = tpu.vector_load %arg9[%get3A_142, %get3A_143] {strides = array<i32>} : memref<2x128xi32, #tpu.memory_space<vmem>>, vector<16xi32>,
      tpu.vector_store_idx %arg19[%get3A_144], %broadcast_in_dim3A_33 {add = true} : memref<10016xf32, #tpu.memory_space<vmem>>[vector<16xi32>], vector<16xf32>,
      %add3A_145 = arith.constant 2 : i32
      %add3A_146 = arith.addi %add3A_61, %add3A_145 : i32
      %lt3A_147 = arith.constant 80 : i32
      %lt3A_148 = arith.cmpi slt, %add3A_146, %lt3A_147 : i32
      %convert_element_type3A_149 = arith.extui %lt3A_148 : i1 to i32
      %cond3A_150 = arith.constant 0 : i32
      %cond3A_151 = arith.cmpi ne, %convert_element_type3A_149, %cond3A_150 : i32
      scf.if %cond3A_151 {
        %add3A_159 = arith.constant 2 : i32
        %add3A_160 = arith.addi %add3A_61, %add3A_159 : i32
        %dma_wait3A_161 = arith.constant 0 : i32
        %dma_wait3A_162 = arith.constant 0 : i32
        %dma_wait3A_163 = arith.constant 0 : i32
        %dma_wait3A_164 = tpu.memref_slice %arg3[%add3A, %dma_wait3A_161, %dma_wait3A_162, %dma_wait3A_163] : memref<32x80x2x128xi32, #tpu.memory_space<hbm>> -> memref<1x80x2x128xi32, #tpu.memory_space<hbm>>
        %dma_wait3A_165 = tpu.memref_squeeze %dma_wait3A_164 : memref<1x80x2x128xi32, #tpu.memory_space<hbm>> -> memref<80x2x128xi32, #tpu.memory_space<hbm>>
        %dma_wait3A_166 = arith.constant 0 : i32
        %dma_wait3A_167 = arith.constant 0 : i32
        %dma_wait3A_168 = tpu.memref_slice %dma_wait3A_165[%add3A_160, %dma_wait3A_166, %dma_wait3A_167] : memref<80x2x128xi32, #tpu.memory_space<hbm>> -> memref<1x2x128xi32, #tpu.memory_space<hbm>>
        %dma_wait3A_169 = tpu.memref_squeeze %dma_wait3A_168 : memref<1x2x128xi32, #tpu.memory_space<hbm>> -> memref<2x128xi32, #tpu.memory_space<hbm>>
        %dma_wait3A_170 = arith.constant 0 : i32
        %dma_wait3A_171 = arith.constant 0 : i32
        %dma_wait3A_172 = arith.constant 0 : i32
        %dma_wait3A_173 = tpu.memref_slice %arg3[%add3A, %dma_wait3A_170, %dma_wait3A_171, %dma_wait3A_172] : memref<32x80x2x128xi32, #tpu.memory_space<hbm>> -> memref<1x80x2x128xi32, #tpu.memory_space<hbm>>
        %dma_wait3A_174 = tpu.memref_squeeze %dma_wait3A_173 : memref<1x80x2x128xi32, #tpu.memory_space<hbm>> -> memref<80x2x128xi32, #tpu.memory_space<hbm>>
        %dma_wait3A_175 = arith.constant 0 : i32
        %dma_wait3A_176 = arith.constant 0 : i32
        %dma_wait3A_177 = tpu.memref_slice %dma_wait3A_174[%add3A_160, %dma_wait3A_175, %dma_wait3A_176] : memref<80x2x128xi32, #tpu.memory_space<hbm>> -> memref<1x2x128xi32, #tpu.memory_space<hbm>>
        %dma_wait3A_178 = tpu.memref_squeeze %dma_wait3A_177 : memref<1x2x128xi32, #tpu.memory_space<hbm>> -> memref<2x128xi32, #tpu.memory_space<hbm>>
        tpu.wait_dma2 semaphore(%arg16 : memref<!tpu.dma_semaphore, #tpu.memory_space<semaphore_mem>>) src(%dma_wait3A_178 : memref<2x128xi32, #tpu.memory_space<hbm>>) dst(%arg8 : memref<2x128xi32, #tpu.memory_space<vmem>>)
        %dma_start3A_179 = arith.constant 0 : i32
        %dma_start3A_180 = arith.constant 0 : i32
        %dma_start3A_181 = tpu.memref_slice %arg8[%dma_start3A_179, %dma_start3A_180] : memref<2x128xi32, #tpu.memory_space<vmem>> -> memref<1x128xi32, #tpu.memory_space<vmem>>
        %dma_start3A_182 = tpu.memref_squeeze %dma_start3A_181 : memref<1x128xi32, #tpu.memory_space<vmem>> -> memref<128xi32, #tpu.memory_space<vmem>>
        %dma_start3A_183 = arith.constant 0 : i32
        %dma_start3A_184 = arith.constant 0 : i32
        %dma_start3A_185 = tpu.memref_slice %arg2[%dma_start3A_183, %dma_start3A_184] : memref<10000x128xf32, #tpu.memory_space<hbm>> -> memref<10000x128xf32, #tpu.memory_space<hbm>>
        tpu.enqueue_indirect_dma source(%dma_start3A_185 : memref<10000x128xf32, #tpu.memory_space<hbm>>) target(%arg10 : memref<128x128xf32, #tpu.memory_space<vmem>>) offsets(%dma_start3A_182 : memref<128xi32, #tpu.memory_space<vmem>>) semaphore(%arg14 : memref<!tpu.dma_semaphore, #tpu.memory_space<semaphore_mem>>)
      } else {
      }
      %add3A_152 = arith.constant 3 : i32
      %add3A_153 = arith.addi %add3A_61, %add3A_152 : i32
      %lt3A_154 = arith.constant 80 : i32
      %lt3A_155 = arith.cmpi slt, %add3A_153, %lt3A_154 : i32
      %convert_element_type3A_156 = arith.extui %lt3A_155 : i1 to i32
      %cond3A_157 = arith.constant 0 : i32
      %cond3A_158 = arith.cmpi ne, %convert_element_type3A_156, %cond3A_157 : i32
      scf.if %cond3A_158 {
        %add3A_159 = arith.constant 3 : i32
        %add3A_160 = arith.addi %add3A_61, %add3A_159 : i32
        %dma_start3A_161 = arith.constant 0 : i32
        %dma_start3A_162 = arith.constant 0 : i32
        %dma_start3A_163 = arith.constant 0 : i32
        %dma_start3A_164 = tpu.memref_slice %arg3[%add3A, %dma_start3A_161, %dma_start3A_162, %dma_start3A_163] : memref<32x80x2x128xi32, #tpu.memory_space<hbm>> -> memref<1x80x2x128xi32, #tpu.memory_space<hbm>>
        %dma_start3A_165 = tpu.memref_squeeze %dma_start3A_164 : memref<1x80x2x128xi32, #tpu.memory_space<hbm>> -> memref<80x2x128xi32, #tpu.memory_space<hbm>>
        %dma_start3A_166 = arith.constant 0 : i32
        %dma_start3A_167 = arith.constant 0 : i32
        %dma_start3A_168 = tpu.memref_slice %dma_start3A_165[%add3A_160, %dma_start3A_166, %dma_start3A_167] : memref<80x2x128xi32, #tpu.memory_space<hbm>> -> memref<1x2x128xi32, #tpu.memory_space<hbm>>
        %dma_start3A_169 = tpu.memref_squeeze %dma_start3A_168 : memref<1x2x128xi32, #tpu.memory_space<hbm>> -> memref<2x128xi32, #tpu.memory_space<hbm>>
        %dma_start3A_170 = arith.constant 0 : i32
        %dma_start3A_171 = arith.constant 0 : i32
        %dma_start3A_172 = arith.constant 0 : i32
        %dma_start3A_173 = tpu.memref_slice %arg3[%add3A, %dma_start3A_170, %dma_start3A_171, %dma_start3A_172] : memref<32x80x2x128xi32, #tpu.memory_space<hbm>> -> memref<1x80x2x128xi32, #tpu.memory_space<hbm>>
        %dma_start3A_174 = tpu.memref_squeeze %dma_start3A_173 : memref<1x80x2x128xi32, #tpu.memory_space<hbm>> -> memref<80x2x128xi32, #tpu.memory_space<hbm>>
        %dma_start3A_175 = arith.constant 0 : i32
        %dma_start3A_176 = arith.constant 0 : i32
        %dma_start3A_177 = tpu.memref_slice %dma_start3A_174[%add3A_160, %dma_start3A_175, %dma_start3A_176] : memref<80x2x128xi32, #tpu.memory_space<hbm>> -> memref<1x2x128xi32, #tpu.memory_space<hbm>>
        %dma_start3A_178 = tpu.memref_squeeze %dma_start3A_177 : memref<1x2x128xi32, #tpu.memory_space<hbm>> -> memref<2x128xi32, #tpu.memory_space<hbm>>
        tpu.enqueue_dma source(%dma_start3A_178 : memref<2x128xi32, #tpu.memory_space<hbm>>) target(%arg9 : memref<2x128xi32, #tpu.memory_space<vmem>>) target_semaphore(%arg17 : memref<!tpu.dma_semaphore, #tpu.memory_space<semaphore_mem>>)
        %add3A_179 = arith.constant 3 : i32
        %add3A_180 = arith.addi %add3A_61, %add3A_179 : i32
        %dma_wait3A_181 = arith.constant 0 : i32
        %dma_wait3A_182 = arith.constant 0 : i32
        %dma_wait3A_183 = arith.constant 0 : i32
        %dma_wait3A_184 = tpu.memref_slice %arg3[%add3A, %dma_wait3A_181, %dma_wait3A_182, %dma_wait3A_183] : memref<32x80x2x128xi32, #tpu.memory_space<hbm>> -> memref<1x80x2x128xi32, #tpu.memory_space<hbm>>
        %dma_wait3A_185 = tpu.memref_squeeze %dma_wait3A_184 : memref<1x80x2x128xi32, #tpu.memory_space<hbm>> -> memref<80x2x128xi32, #tpu.memory_space<hbm>>
        %dma_wait3A_186 = arith.constant 0 : i32
        %dma_wait3A_187 = arith.constant 0 : i32
        %dma_wait3A_188 = tpu.memref_slice %dma_wait3A_185[%add3A_180, %dma_wait3A_186, %dma_wait3A_187] : memref<80x2x128xi32, #tpu.memory_space<hbm>> -> memref<1x2x128xi32, #tpu.memory_space<hbm>>
        %dma_wait3A_189 = tpu.memref_squeeze %dma_wait3A_188 : memref<1x2x128xi32, #tpu.memory_space<hbm>> -> memref<2x128xi32, #tpu.memory_space<hbm>>
        %dma_wait3A_190 = arith.constant 0 : i32
        %dma_wait3A_191 = arith.constant 0 : i32
        %dma_wait3A_192 = arith.constant 0 : i32
        %dma_wait3A_193 = tpu.memref_slice %arg3[%add3A, %dma_wait3A_190, %dma_wait3A_191, %dma_wait3A_192] : memref<32x80x2x128xi32, #tpu.memory_space<hbm>> -> memref<1x80x2x128xi32, #tpu.memory_space<hbm>>
        %dma_wait3A_194 = tpu.memref_squeeze %dma_wait3A_193 : memref<1x80x2x128xi32, #tpu.memory_space<hbm>> -> memref<80x2x128xi32, #tpu.memory_space<hbm>>
        %dma_wait3A_195 = arith.constant 0 : i32
        %dma_wait3A_196 = arith.constant 0 : i32
        %dma_wait3A_197 = tpu.memref_slice %dma_wait3A_194[%add3A_180, %dma_wait3A_195, %dma_wait3A_196] : memref<80x2x128xi32, #tpu.memory_space<hbm>> -> memref<1x2x128xi32, #tpu.memory_space<hbm>>
        %dma_wait3A_198 = tpu.memref_squeeze %dma_wait3A_197 : memref<1x2x128xi32, #tpu.memory_space<hbm>> -> memref<2x128xi32, #tpu.memory_space<hbm>>
        tpu.wait_dma2 semaphore(%arg17 : memref<!tpu.dma_semaphore, #tpu.memory_space<semaphore_mem>>) src(%dma_wait3A_198 : memref<2x128xi32, #tpu.memory_space<hbm>>) dst(%arg9 : memref<2x128xi32, #tpu.memory_space<vmem>>)
        %dma_start3A_199 = arith.constant 0 : i32
        %dma_start3A_200 = arith.constant 0 : i32
        %dma_start3A_201 = tpu.memref_slice %arg9[%dma_start3A_199, %dma_start3A_200] : memref<2x128xi32, #tpu.memory_space<vmem>> -> memref<1x128xi32, #tpu.memory_space<vmem>>
        %dma_start3A_202 = tpu.memref_squeeze %dma_start3A_201 : memref<1x128xi32, #tpu.memory_space<vmem>> -> memref<128xi32, #tpu.memory_space<vmem>>
        %dma_start3A_203 = arith.constant 0 : i32
        %dma_start3A_204 = arith.constant 0 : i32
        %dma_start3A_205 = tpu.memref_slice %arg2[%dma_start3A_203, %dma_start3A_204] : memref<10000x128xf32, #tpu.memory_space<hbm>> -> memref<10000x128xf32, #tpu.memory_space<hbm>>
        tpu.enqueue_indirect_dma source(%dma_start3A_205 : memref<10000x128xf32, #tpu.memory_space<hbm>>) target(%arg11 : memref<128x128xf32, #tpu.memory_space<vmem>>) offsets(%dma_start3A_202 : memref<128xi32, #tpu.memory_space<vmem>>) semaphore(%arg15 : memref<!tpu.dma_semaphore, #tpu.memory_space<semaphore_mem>>)
      } else {
      }
    }
    %scan3A_40 = arith.constant 40 : i32
    %barrier3A_41 = arith.constant 0 : index
    tpu.barrier barrier_id(%barrier3A_41)
    %scan3A_42 = arith.constant 0 : i32
    %scan3A_43 = arith.constant 13 : i32
    %scan3A_44 = arith.addi %scan3A_42, %scan3A_43 : i32
    %scan3A_45 = arith.constant 1 : i32
    scf.for %scan3A_57 = %scan3A_42 to %scan3A_44 step %scan3A_45  : i32 {
      %mul3A_58 = arith.constant 2 : i32
      %mul3A_59 = arith.muli %scan3A_57, %mul3A_58 : i32
      %add3A_60 = arith.constant 0 : i32
      %add3A_61 = arith.addi %add3A_60, %mul3A_59 : i32
      %gt3A = arith.constant 0 : i32
      %gt3A_62 = arith.cmpi sgt, %add3A_61, %gt3A : i32
      %convert_element_type3A_63 = arith.extui %gt3A_62 : i1 to i32
      %cond3A_64 = arith.constant 0 : i32
      %cond3A_65 = arith.cmpi ne, %convert_element_type3A_63, %cond3A_64 : i32
      scf.if %cond3A_65 {
        %mul3A_93 = arith.constant 10000 : i32
        %mul3A_94 = arith.muli %arg0, %mul3A_93 : i32
        %dma_wait3A_95 = arith.constant 0 : i32
        %dma_wait3A_96 = tpu.memref_slice %arg5[%mul3A_94, %dma_wait3A_95] : memref<20000x128xf32, #tpu.memory_space<hbm>> -> memref<24x128xf32, #tpu.memory_space<hbm>>
        %dma_wait3A_97 = arith.constant 0 : i32
        %dma_wait3A_98 = tpu.memref_slice %arg5[%mul3A_94, %dma_wait3A_97] : memref<20000x128xf32, #tpu.memory_space<hbm>> -> memref<24x128xf32, #tpu.memory_space<hbm>>
        tpu.wait_dma2 semaphore(%arg18 : memref<!tpu.dma_semaphore, #tpu.memory_space<semaphore_mem>>) src(%arg12 : memref<24x128xf32, #tpu.memory_space<vmem>>) dst(%dma_wait3A_98 : memref<24x128xf32, #tpu.memory_space<hbm>>)
      } else {
      }
      %mul3A_66 = arith.constant 624 : i32
      %mul3A_67 = arith.muli %arg1, %mul3A_66 : i32
      %mul3A_68 = arith.constant 24 : i32
      %mul3A_69 = arith.muli %add3A_61, %mul3A_68 : i32
      %add3A_70 = arith.addi %mul3A_67, %mul3A_69 : i32
      "tpu.region"() ({
        %run_scoped3A_93 = tpu.sem_alloc : memref<!tpu.dma_semaphore, #tpu.memory_space<semaphore_mem>>
        %dma_start3A_94 = arith.constant 0 : i32
        %dma_start3A_95 = tpu.memref_slice %arg7[%add3A_70, %dma_start3A_94] : memref<10016x128xf32, #tpu.memory_space<vmem_shared>> -> memref<24x128xf32, #tpu.memory_space<vmem_shared>>
        %dma_start3A_96 = arith.constant 0 : i32
        %dma_start3A_97 = tpu.memref_slice %arg7[%add3A_70, %dma_start3A_96] : memref<10016x128xf32, #tpu.memory_space<vmem_shared>> -> memref<24x128xf32, #tpu.memory_space<vmem_shared>>
        tpu.enqueue_dma source(%dma_start3A_97 : memref<24x128xf32, #tpu.memory_space<vmem_shared>>) target(%arg12 : memref<24x128xf32, #tpu.memory_space<vmem>>) target_semaphore(%run_scoped3A_93 : memref<!tpu.dma_semaphore, #tpu.memory_space<semaphore_mem>>)
        %dma_wait3A_98 = arith.constant 0 : i32
        %dma_wait3A_99 = tpu.memref_slice %arg7[%add3A_70, %dma_wait3A_98] : memref<10016x128xf32, #tpu.memory_space<vmem_shared>> -> memref<24x128xf32, #tpu.memory_space<vmem_shared>>
        %dma_wait3A_100 = arith.constant 0 : i32
        %dma_wait3A_101 = tpu.memref_slice %arg7[%add3A_70, %dma_wait3A_100] : memref<10016x128xf32, #tpu.memory_space<vmem_shared>> -> memref<24x128xf32, #tpu.memory_space<vmem_shared>>
        tpu.wait_dma2 semaphore(%run_scoped3A_93 : memref<!tpu.dma_semaphore, #tpu.memory_space<semaphore_mem>>) src(%dma_wait3A_101 : memref<24x128xf32, #tpu.memory_space<vmem_shared>>) dst(%arg12 : memref<24x128xf32, #tpu.memory_space<vmem>>)
        tpu.yield
      }) : () -> ()
      %mul3A_71 = arith.constant 10000 : i32
      %mul3A_72 = arith.muli %arg0, %mul3A_71 : i32
      %add3A_73 = arith.addi %mul3A_72, %add3A_70 : i32
      %dma_start3A_74 = arith.constant 0 : i32
      %dma_start3A_75 = tpu.memref_slice %arg5[%add3A_73, %dma_start3A_74] : memref<20000x128xf32, #tpu.memory_space<hbm>> -> memref<24x128xf32, #tpu.memory_space<hbm>>
      %dma_start3A_76 = arith.constant 0 : i32
      %dma_start3A_77 = tpu.memref_slice %arg5[%add3A_73, %dma_start3A_76] : memref<20000x128xf32, #tpu.memory_space<hbm>> -> memref<24x128xf32, #tpu.memory_space<hbm>>
      tpu.enqueue_dma source(%arg12 : memref<24x128xf32, #tpu.memory_space<vmem>>) target(%dma_start3A_77 : memref<24x128xf32, #tpu.memory_space<hbm>>) target_semaphore(%arg18 : memref<!tpu.dma_semaphore, #tpu.memory_space<semaphore_mem>>)
      %add3A_78 = arith.constant 24 : i32
      %add3A_79 = arith.addi %add3A_70, %add3A_78 : i32
      "tpu.region"() ({
        %run_scoped3A_93 = tpu.sem_alloc : memref<!tpu.dma_semaphore, #tpu.memory_space<semaphore_mem>>
        %dma_start3A_94 = arith.constant 0 : i32
        %dma_start3A_95 = tpu.memref_slice %arg7[%add3A_79, %dma_start3A_94] : memref<10016x128xf32, #tpu.memory_space<vmem_shared>> -> memref<24x128xf32, #tpu.memory_space<vmem_shared>>
        %dma_start3A_96 = arith.constant 0 : i32
        %dma_start3A_97 = tpu.memref_slice %arg7[%add3A_79, %dma_start3A_96] : memref<10016x128xf32, #tpu.memory_space<vmem_shared>> -> memref<24x128xf32, #tpu.memory_space<vmem_shared>>
        tpu.enqueue_dma source(%dma_start3A_97 : memref<24x128xf32, #tpu.memory_space<vmem_shared>>) target(%arg13 : memref<24x128xf32, #tpu.memory_space<vmem>>) target_semaphore(%run_scoped3A_93 : memref<!tpu.dma_semaphore, #tpu.memory_space<semaphore_mem>>)
        %dma_wait3A_98 = arith.constant 0 : i32
        %dma_wait3A_99 = tpu.memref_slice %arg7[%add3A_79, %dma_wait3A_98] : memref<10016x128xf32, #tpu.memory_space<vmem_shared>> -> memref<24x128xf32, #tpu.memory_space<vmem_shared>>
        %dma_wait3A_100 = arith.constant 0 : i32
        %dma_wait3A_101 = tpu.memref_slice %arg7[%add3A_79, %dma_wait3A_100] : memref<10016x128xf32, #tpu.memory_space<vmem_shared>> -> memref<24x128xf32, #tpu.memory_space<vmem_shared>>
        tpu.wait_dma2 semaphore(%run_scoped3A_93 : memref<!tpu.dma_semaphore, #tpu.memory_space<semaphore_mem>>) src(%dma_wait3A_101 : memref<24x128xf32, #tpu.memory_space<vmem_shared>>) dst(%arg13 : memref<24x128xf32, #tpu.memory_space<vmem>>)
        tpu.yield
      }) : () -> ()
      %mul3A_80 = arith.constant 10000 : i32
      %mul3A_81 = arith.muli %arg0, %mul3A_80 : i32
      %dma_wait3A_82 = arith.constant 0 : i32
      %dma_wait3A_83 = tpu.memref_slice %arg5[%mul3A_81, %dma_wait3A_82] : memref<20000x128xf32, #tpu.memory_space<hbm>> -> memref<24x128xf32, #tpu.memory_space<hbm>>
      %dma_wait3A_84 = arith.constant 0 : i32
      %dma_wait3A_85 = tpu.memref_slice %arg5[%mul3A_81, %dma_wait3A_84] : memref<20000x128xf32, #tpu.memory_space<hbm>> -> memref<24x128xf32, #tpu.memory_space<hbm>>
      tpu.wait_dma2 semaphore(%arg18 : memref<!tpu.dma_semaphore, #tpu.memory_space<semaphore_mem>>) src(%arg12 : memref<24x128xf32, #tpu.memory_space<vmem>>) dst(%dma_wait3A_85 : memref<24x128xf32, #tpu.memory_space<hbm>>)
      %mul3A_86 = arith.constant 10000 : i32
      %mul3A_87 = arith.muli %arg0, %mul3A_86 : i32
      %add3A_88 = arith.addi %mul3A_87, %add3A_79 : i32
      %dma_start3A_89 = arith.constant 0 : i32
      %dma_start3A_90 = tpu.memref_slice %arg5[%add3A_88, %dma_start3A_89] : memref<20000x128xf32, #tpu.memory_space<hbm>> -> memref<24x128xf32, #tpu.memory_space<hbm>>
      %dma_start3A_91 = arith.constant 0 : i32
      %dma_start3A_92 = tpu.memref_slice %arg5[%add3A_88, %dma_start3A_91] : memref<20000x128xf32, #tpu.memory_space<hbm>> -> memref<24x128xf32, #tpu.memory_space<hbm>>
      tpu.enqueue_dma source(%arg13 : memref<24x128xf32, #tpu.memory_space<vmem>>) target(%dma_start3A_92 : memref<24x128xf32, #tpu.memory_space<hbm>>) target_semaphore(%arg18 : memref<!tpu.dma_semaphore, #tpu.memory_space<semaphore_mem>>)
    }
    %scan3A_46 = arith.constant 13 : i32
    %mul3A_47 = arith.constant 10000 : i32
    %mul3A_48 = arith.muli %arg0, %mul3A_47 : i32
    %dma_wait3A = arith.constant 0 : i32
    %dma_wait3A_49 = tpu.memref_slice %arg5[%mul3A_48, %dma_wait3A] : memref<20000x128xf32, #tpu.memory_space<hbm>> -> memref<24x128xf32, #tpu.memory_space<hbm>>
    %dma_wait3A_50 = arith.constant 0 : i32
    %dma_wait3A_51 = tpu.memref_slice %arg5[%mul3A_48, %dma_wait3A_50] : memref<20000x128xf32, #tpu.memory_space<hbm>> -> memref<24x128xf32, #tpu.memory_space<hbm>>
    tpu.wait_dma2 semaphore(%arg18 : memref<!tpu.dma_semaphore, #tpu.memory_space<semaphore_mem>>) src(%arg12 : memref<24x128xf32, #tpu.memory_space<vmem>>) dst(%dma_wait3A_51 : memref<24x128xf32, #tpu.memory_space<hbm>>)
    %eq3A_52 = arith.constant 0 : i32
    %eq3A_53 = arith.cmpi eq, %arg1, %eq3A_52 : i32
    %convert_element_type3A_54 = arith.extui %eq3A_53 : i1 to i32
    %cond3A_55 = arith.constant 0 : i32
    %cond3A_56 = arith.cmpi ne, %convert_element_type3A_54, %cond3A_55 : i32
    scf.if %cond3A_56 {
      "tpu.region"() ({
        %run_scoped3A_61 = tpu.sem_alloc : memref<!tpu.dma_semaphore, #tpu.memory_space<semaphore_mem>>
        %dma_start3A_62 = arith.constant 0 : i32
        %dma_start3A_63 = arith.constant 0 : i32
        %dma_start3A_64 = tpu.memref_slice %arg12[%dma_start3A_62, %dma_start3A_63] : memref<24x128xf32, #tpu.memory_space<vmem>> -> memref<16x128xf32, #tpu.memory_space<vmem>>
        %dma_start3A_65 = arith.constant 9984 : i32
        %dma_start3A_66 = arith.constant 0 : i32
        %dma_start3A_67 = tpu.memref_slice %arg7[%dma_start3A_65, %dma_start3A_66] : memref<10016x128xf32, #tpu.memory_space<vmem_shared>> -> memref<16x128xf32, #tpu.memory_space<vmem_shared>>
        %dma_start3A_68 = arith.constant 0 : i32
        %dma_start3A_69 = arith.constant 0 : i32
        %dma_start3A_70 = tpu.memref_slice %arg12[%dma_start3A_68, %dma_start3A_69] : memref<24x128xf32, #tpu.memory_space<vmem>> -> memref<16x128xf32, #tpu.memory_space<vmem>>
        %dma_start3A_71 = arith.constant 9984 : i32
        %dma_start3A_72 = arith.constant 0 : i32
        %dma_start3A_73 = tpu.memref_slice %arg7[%dma_start3A_71, %dma_start3A_72] : memref<10016x128xf32, #tpu.memory_space<vmem_shared>> -> memref<16x128xf32, #tpu.memory_space<vmem_shared>>
        tpu.enqueue_dma source(%dma_start3A_73 : memref<16x128xf32, #tpu.memory_space<vmem_shared>>) target(%dma_start3A_70 : memref<16x128xf32, #tpu.memory_space<vmem>>) target_semaphore(%run_scoped3A_61 : memref<!tpu.dma_semaphore, #tpu.memory_space<semaphore_mem>>)
        %dma_wait3A_74 = arith.constant 0 : i32
        %dma_wait3A_75 = arith.constant 0 : i32
        %dma_wait3A_76 = tpu.memref_slice %arg12[%dma_wait3A_74, %dma_wait3A_75] : memref<24x128xf32, #tpu.memory_space<vmem>> -> memref<16x128xf32, #tpu.memory_space<vmem>>
        %dma_wait3A_77 = arith.constant 9984 : i32
        %dma_wait3A_78 = arith.constant 0 : i32
        %dma_wait3A_79 = tpu.memref_slice %arg7[%dma_wait3A_77, %dma_wait3A_78] : memref<10016x128xf32, #tpu.memory_space<vmem_shared>> -> memref<16x128xf32, #tpu.memory_space<vmem_shared>>
        %dma_wait3A_80 = arith.constant 0 : i32
        %dma_wait3A_81 = arith.constant 0 : i32
        %dma_wait3A_82 = tpu.memref_slice %arg12[%dma_wait3A_80, %dma_wait3A_81] : memref<24x128xf32, #tpu.memory_space<vmem>> -> memref<16x128xf32, #tpu.memory_space<vmem>>
        %dma_wait3A_83 = arith.constant 9984 : i32
        %dma_wait3A_84 = arith.constant 0 : i32
        %dma_wait3A_85 = tpu.memref_slice %arg7[%dma_wait3A_83, %dma_wait3A_84] : memref<10016x128xf32, #tpu.memory_space<vmem_shared>> -> memref<16x128xf32, #tpu.memory_space<vmem_shared>>
        tpu.wait_dma2 semaphore(%run_scoped3A_61 : memref<!tpu.dma_semaphore, #tpu.memory_space<semaphore_mem>>) src(%dma_wait3A_85 : memref<16x128xf32, #tpu.memory_space<vmem_shared>>) dst(%dma_wait3A_82 : memref<16x128xf32, #tpu.memory_space<vmem>>)
        tpu.yield
      }) : () -> ()
      %mul3A_57 = arith.constant 10000 : i32
      %mul3A_58 = arith.muli %arg0, %mul3A_57 : i32
      %add3A_59 = arith.constant 9984 : i32
      %add3A_60 = arith.addi %mul3A_58, %add3A_59 : i32
      "tpu.region"() ({
        %run_scoped3A_61 = tpu.sem_alloc : memref<!tpu.dma_semaphore, #tpu.memory_space<semaphore_mem>>
        %dma_start3A_62 = arith.constant 0 : i32
        %dma_start3A_63 = arith.constant 0 : i32
        %dma_start3A_64 = tpu.memref_slice %arg12[%dma_start3A_62, %dma_start3A_63] : memref<24x128xf32, #tpu.memory_space<vmem>> -> memref<16x128xf32, #tpu.memory_space<vmem>>
        %dma_start3A_65 = arith.constant 0 : i32
        %dma_start3A_66 = tpu.memref_slice %arg5[%add3A_60, %dma_start3A_65] : memref<20000x128xf32, #tpu.memory_space<hbm>> -> memref<16x128xf32, #tpu.memory_space<hbm>>
        %dma_start3A_67 = arith.constant 0 : i32
        %dma_start3A_68 = tpu.memref_slice %arg5[%add3A_60, %dma_start3A_67] : memref<20000x128xf32, #tpu.memory_space<hbm>> -> memref<16x128xf32, #tpu.memory_space<hbm>>
        %dma_start3A_69 = arith.constant 0 : i32
        %dma_start3A_70 = arith.constant 0 : i32
        %dma_start3A_71 = tpu.memref_slice %arg12[%dma_start3A_69, %dma_start3A_70] : memref<24x128xf32, #tpu.memory_space<vmem>> -> memref<16x128xf32, #tpu.memory_space<vmem>>
        tpu.enqueue_dma source(%dma_start3A_71 : memref<16x128xf32, #tpu.memory_space<vmem>>) target(%dma_start3A_68 : memref<16x128xf32, #tpu.memory_space<hbm>>) target_semaphore(%run_scoped3A_61 : memref<!tpu.dma_semaphore, #tpu.memory_space<semaphore_mem>>)
        %dma_wait3A_72 = arith.constant 0 : i32
        %dma_wait3A_73 = arith.constant 0 : i32
        %dma_wait3A_74 = tpu.memref_slice %arg12[%dma_wait3A_72, %dma_wait3A_73] : memref<24x128xf32, #tpu.memory_space<vmem>> -> memref<16x128xf32, #tpu.memory_space<vmem>>
        %dma_wait3A_75 = arith.constant 0 : i32
        %dma_wait3A_76 = tpu.memref_slice %arg5[%add3A_60, %dma_wait3A_75] : memref<20000x128xf32, #tpu.memory_space<hbm>> -> memref<16x128xf32, #tpu.memory_space<hbm>>
        %dma_wait3A_77 = arith.constant 0 : i32
        %dma_wait3A_78 = tpu.memref_slice %arg5[%add3A_60, %dma_wait3A_77] : memref<20000x128xf32, #tpu.memory_space<hbm>> -> memref<16x128xf32, #tpu.memory_space<hbm>>
        %dma_wait3A_79 = arith.constant 0 : i32
        %dma_wait3A_80 = arith.constant 0 : i32
        %dma_wait3A_81 = tpu.memref_slice %arg12[%dma_wait3A_79, %dma_wait3A_80] : memref<24x128xf32, #tpu.memory_space<vmem>> -> memref<16x128xf32, #tpu.memory_space<vmem>>
        tpu.wait_dma2 semaphore(%run_scoped3A_61 : memref<!tpu.dma_semaphore, #tpu.memory_space<semaphore_mem>>) src(%dma_wait3A_81 : memref<16x128xf32, #tpu.memory_space<vmem>>) dst(%dma_wait3A_78 : memref<16x128xf32, #tpu.memory_space<hbm>>)
        tpu.yield
      }) : () -> ()
    } else {
    }
    "tpu.region"() ({
      %run_scoped3A_57 = tpu.sem_alloc : memref<!tpu.dma_semaphore, #tpu.memory_space<semaphore_mem>>
      %dma_start3A_58 = arith.constant 0 : i32
      %dma_start3A_59 = tpu.memref_slice %arg19[%dma_start3A_58] : memref<10016xf32, #tpu.memory_space<vmem>> -> memref<10000xf32, #tpu.memory_space<vmem>>
      %dma_start3A_60 = arith.constant 0 : i32
      %dma_start3A_61 = tpu.memref_slice %arg6[%add3A, %dma_start3A_60] : memref<32x10000xf32, #tpu.memory_space<hbm>> -> memref<1x10000xf32, #tpu.memory_space<hbm>>
      %dma_start3A_62 = tpu.memref_squeeze %dma_start3A_61 : memref<1x10000xf32, #tpu.memory_space<hbm>> -> memref<10000xf32, #tpu.memory_space<hbm>>
      %dma_start3A_63 = arith.constant 0 : i32
      %dma_start3A_64 = tpu.memref_slice %arg6[%add3A, %dma_start3A_63] : memref<32x10000xf32, #tpu.memory_space<hbm>> -> memref<1x10000xf32, #tpu.memory_space<hbm>>
      %dma_start3A_65 = tpu.memref_squeeze %dma_start3A_64 : memref<1x10000xf32, #tpu.memory_space<hbm>> -> memref<10000xf32, #tpu.memory_space<hbm>>
      %dma_start3A_66 = arith.constant 0 : i32
      %dma_start3A_67 = tpu.memref_slice %arg19[%dma_start3A_66] : memref<10016xf32, #tpu.memory_space<vmem>> -> memref<10000xf32, #tpu.memory_space<vmem>>
      tpu.enqueue_dma source(%dma_start3A_67 : memref<10000xf32, #tpu.memory_space<vmem>>) target(%dma_start3A_65 : memref<10000xf32, #tpu.memory_space<hbm>>) target_semaphore(%run_scoped3A_57 : memref<!tpu.dma_semaphore, #tpu.memory_space<semaphore_mem>>)
      %dma_wait3A_68 = arith.constant 0 : i32
      %dma_wait3A_69 = tpu.memref_slice %arg19[%dma_wait3A_68] : memref<10016xf32, #tpu.memory_space<vmem>> -> memref<10000xf32, #tpu.memory_space<vmem>>
      %dma_wait3A_70 = arith.constant 0 : i32
      %dma_wait3A_71 = tpu.memref_slice %arg6[%add3A, %dma_wait3A_70] : memref<32x10000xf32, #tpu.memory_space<hbm>> -> memref<1x10000xf32, #tpu.memory_space<hbm>>
      %dma_wait3A_72 = tpu.memref_squeeze %dma_wait3A_71 : memref<1x10000xf32, #tpu.memory_space<hbm>> -> memref<10000xf32, #tpu.memory_space<hbm>>
      %dma_wait3A_73 = arith.constant 0 : i32
      %dma_wait3A_74 = tpu.memref_slice %arg6[%add3A, %dma_wait3A_73] : memref<32x10000xf32, #tpu.memory_space<hbm>> -> memref<1x10000xf32, #tpu.memory_space<hbm>>
      %dma_wait3A_75 = tpu.memref_squeeze %dma_wait3A_74 : memref<1x10000xf32, #tpu.memory_space<hbm>> -> memref<10000xf32, #tpu.memory_space<hbm>>
      %dma_wait3A_76 = arith.constant 0 : i32
      %dma_wait3A_77 = tpu.memref_slice %arg19[%dma_wait3A_76] : memref<10016xf32, #tpu.memory_space<vmem>> -> memref<10000xf32, #tpu.memory_space<vmem>>
      tpu.wait_dma2 semaphore(%run_scoped3A_57 : memref<!tpu.dma_semaphore, #tpu.memory_space<semaphore_mem>>) src(%dma_wait3A_77 : memref<10000xf32, #tpu.memory_space<vmem>>) dst(%dma_wait3A_75 : memref<10000xf32, #tpu.memory_space<hbm>>)
      tpu.yield
    }) : () -> ()
    return
  }
}

#map = affine_map<(d0, d1) -> (0, 0)>
#map1 = affine_map<(d0, d1) -> (0, 0, 0, 0)>
module attributes {stable_mosaic.version = 14 : i64} {
  func.func @body_w(%arg0: i32, %arg1: i32, %arg2: memref<10000x128xf32, #tpu.memory_space<hbm>>, %arg3: memref<32x80x2x128xi32, #tpu.memory_space<hbm>>, %arg4: memref<24x128xf32, #tpu.memory_space<hbm>>, %arg5: memref<20000x128xf32, #tpu.memory_space<hbm>>, %arg6: memref<10016x128xf32, #tpu.memory_space<vmem_shared>>, %arg7: memref<2x128xi32, #tpu.memory_space<vmem>>, %arg8: memref<2x128xi32, #tpu.memory_space<vmem>>, %arg9: memref<128x128xf32, #tpu.memory_space<vmem>>, %arg10: memref<128x128xf32, #tpu.memory_space<vmem>>, %arg11: memref<24x128xf32, #tpu.memory_space<vmem>>, %arg12: memref<24x128xf32, #tpu.memory_space<vmem>>, %arg13: memref<!tpu.dma_semaphore, #tpu.memory_space<semaphore_mem>>, %arg14: memref<!tpu.dma_semaphore, #tpu.memory_space<semaphore_mem>>, %arg15: memref<!tpu.dma_semaphore, #tpu.memory_space<semaphore_mem>>, %arg16: memref<!tpu.dma_semaphore, #tpu.memory_space<semaphore_mem>>, %arg17: memref<!tpu.dma_semaphore, #tpu.memory_space<semaphore_mem>>) attributes {dimension_semantics = [#tpu.dimension_semantics<core_parallel>, #tpu.dimension_semantics<subcore_parallel>], iteration_bounds = array<i64: 2, 16>, scalar_prefetch = 0 : i64, scratch_operands = 12 : i64, tpu.core_type = #tpu.core_type<sc_vector_subcore>, window_params = [{transform_indices = #map}, {transform_indices = #map1}, {transform_indices = #map}, {transform_indices = #map}]} {
    %mul3A = arith.constant 2 : i32
    %mul3A_0 = arith.muli %arg1, %mul3A : i32
    %add3A = arith.addi %mul3A_0, %arg0 : i32
    %run_scoped3A = arith.constant 0 : i32
    "tpu.region"() ({
      %run_scoped3A_50 = tpu.sem_alloc : memref<!tpu.dma_semaphore, #tpu.memory_space<semaphore_mem>>
      %dma_start3A_51 = arith.constant 0 : i32
      %dma_start3A_52 = arith.constant 0 : i32
      %dma_start3A_53 = arith.constant 0 : i32
      %dma_start3A_54 = tpu.memref_slice %arg3[%add3A, %dma_start3A_51, %dma_start3A_52, %dma_start3A_53] : memref<32x80x2x128xi32, #tpu.memory_space<hbm>> -> memref<1x80x2x128xi32, #tpu.memory_space<hbm>>
      %dma_start3A_55 = tpu.memref_squeeze %dma_start3A_54 : memref<1x80x2x128xi32, #tpu.memory_space<hbm>> -> memref<80x2x128xi32, #tpu.memory_space<hbm>>
      %dma_start3A_56 = arith.constant 0 : i32
      %dma_start3A_57 = arith.constant 0 : i32
      %dma_start3A_58 = tpu.memref_slice %dma_start3A_55[%run_scoped3A, %dma_start3A_56, %dma_start3A_57] : memref<80x2x128xi32, #tpu.memory_space<hbm>> -> memref<1x2x128xi32, #tpu.memory_space<hbm>>
      %dma_start3A_59 = tpu.memref_squeeze %dma_start3A_58 : memref<1x2x128xi32, #tpu.memory_space<hbm>> -> memref<2x128xi32, #tpu.memory_space<hbm>>
      %dma_start3A_60 = arith.constant 0 : i32
      %dma_start3A_61 = arith.constant 0 : i32
      %dma_start3A_62 = arith.constant 0 : i32
      %dma_start3A_63 = tpu.memref_slice %arg3[%add3A, %dma_start3A_60, %dma_start3A_61, %dma_start3A_62] : memref<32x80x2x128xi32, #tpu.memory_space<hbm>> -> memref<1x80x2x128xi32, #tpu.memory_space<hbm>>
      %dma_start3A_64 = tpu.memref_squeeze %dma_start3A_63 : memref<1x80x2x128xi32, #tpu.memory_space<hbm>> -> memref<80x2x128xi32, #tpu.memory_space<hbm>>
      %dma_start3A_65 = arith.constant 0 : i32
      %dma_start3A_66 = arith.constant 0 : i32
      %dma_start3A_67 = tpu.memref_slice %dma_start3A_64[%run_scoped3A, %dma_start3A_65, %dma_start3A_66] : memref<80x2x128xi32, #tpu.memory_space<hbm>> -> memref<1x2x128xi32, #tpu.memory_space<hbm>>
      %dma_start3A_68 = tpu.memref_squeeze %dma_start3A_67 : memref<1x2x128xi32, #tpu.memory_space<hbm>> -> memref<2x128xi32, #tpu.memory_space<hbm>>
      tpu.enqueue_dma source(%dma_start3A_68 : memref<2x128xi32, #tpu.memory_space<hbm>>) target(%arg7 : memref<2x128xi32, #tpu.memory_space<vmem>>) target_semaphore(%run_scoped3A_50 : memref<!tpu.dma_semaphore, #tpu.memory_space<semaphore_mem>>)
      %dma_wait3A_69 = arith.constant 0 : i32
      %dma_wait3A_70 = arith.constant 0 : i32
      %dma_wait3A_71 = arith.constant 0 : i32
      %dma_wait3A_72 = tpu.memref_slice %arg3[%add3A, %dma_wait3A_69, %dma_wait3A_70, %dma_wait3A_71] : memref<32x80x2x128xi32, #tpu.memory_space<hbm>> -> memref<1x80x2x128xi32, #tpu.memory_space<hbm>>
      %dma_wait3A_73 = tpu.memref_squeeze %dma_wait3A_72 : memref<1x80x2x128xi32, #tpu.memory_space<hbm>> -> memref<80x2x128xi32, #tpu.memory_space<hbm>>
      %dma_wait3A_74 = arith.constant 0 : i32
      %dma_wait3A_75 = arith.constant 0 : i32
      %dma_wait3A_76 = tpu.memref_slice %dma_wait3A_73[%run_scoped3A, %dma_wait3A_74, %dma_wait3A_75] : memref<80x2x128xi32, #tpu.memory_space<hbm>> -> memref<1x2x128xi32, #tpu.memory_space<hbm>>
      %dma_wait3A_77 = tpu.memref_squeeze %dma_wait3A_76 : memref<1x2x128xi32, #tpu.memory_space<hbm>> -> memref<2x128xi32, #tpu.memory_space<hbm>>
      %dma_wait3A_78 = arith.constant 0 : i32
      %dma_wait3A_79 = arith.constant 0 : i32
      %dma_wait3A_80 = arith.constant 0 : i32
      %dma_wait3A_81 = tpu.memref_slice %arg3[%add3A, %dma_wait3A_78, %dma_wait3A_79, %dma_wait3A_80] : memref<32x80x2x128xi32, #tpu.memory_space<hbm>> -> memref<1x80x2x128xi32, #tpu.memory_space<hbm>>
      %dma_wait3A_82 = tpu.memref_squeeze %dma_wait3A_81 : memref<1x80x2x128xi32, #tpu.memory_space<hbm>> -> memref<80x2x128xi32, #tpu.memory_space<hbm>>
      %dma_wait3A_83 = arith.constant 0 : i32
      %dma_wait3A_84 = arith.constant 0 : i32
      %dma_wait3A_85 = tpu.memref_slice %dma_wait3A_82[%run_scoped3A, %dma_wait3A_83, %dma_wait3A_84] : memref<80x2x128xi32, #tpu.memory_space<hbm>> -> memref<1x2x128xi32, #tpu.memory_space<hbm>>
      %dma_wait3A_86 = tpu.memref_squeeze %dma_wait3A_85 : memref<1x2x128xi32, #tpu.memory_space<hbm>> -> memref<2x128xi32, #tpu.memory_space<hbm>>
      tpu.wait_dma2 semaphore(%run_scoped3A_50 : memref<!tpu.dma_semaphore, #tpu.memory_space<semaphore_mem>>) src(%dma_wait3A_86 : memref<2x128xi32, #tpu.memory_space<hbm>>) dst(%arg7 : memref<2x128xi32, #tpu.memory_space<vmem>>)
      tpu.yield
    }) : () -> ()
    %dma_start3A = arith.constant 0 : i32
    %dma_start3A_1 = arith.constant 0 : i32
    %dma_start3A_2 = tpu.memref_slice %arg7[%dma_start3A, %dma_start3A_1] : memref<2x128xi32, #tpu.memory_space<vmem>> -> memref<1x128xi32, #tpu.memory_space<vmem>>
    %dma_start3A_3 = tpu.memref_squeeze %dma_start3A_2 : memref<1x128xi32, #tpu.memory_space<vmem>> -> memref<128xi32, #tpu.memory_space<vmem>>
    %dma_start3A_4 = arith.constant 0 : i32
    %dma_start3A_5 = arith.constant 0 : i32
    %dma_start3A_6 = tpu.memref_slice %arg2[%dma_start3A_4, %dma_start3A_5] : memref<10000x128xf32, #tpu.memory_space<hbm>> -> memref<10000x128xf32, #tpu.memory_space<hbm>>
    tpu.enqueue_indirect_dma source(%dma_start3A_6 : memref<10000x128xf32, #tpu.memory_space<hbm>>) target(%arg9 : memref<128x128xf32, #tpu.memory_space<vmem>>) offsets(%dma_start3A_3 : memref<128xi32, #tpu.memory_space<vmem>>) semaphore(%arg13 : memref<!tpu.dma_semaphore, #tpu.memory_space<semaphore_mem>>)
    %run_scoped3A_7 = arith.constant 1 : i32
    "tpu.region"() ({
      %run_scoped3A_50 = tpu.sem_alloc : memref<!tpu.dma_semaphore, #tpu.memory_space<semaphore_mem>>
      %dma_start3A_51 = arith.constant 0 : i32
      %dma_start3A_52 = arith.constant 0 : i32
      %dma_start3A_53 = arith.constant 0 : i32
      %dma_start3A_54 = tpu.memref_slice %arg3[%add3A, %dma_start3A_51, %dma_start3A_52, %dma_start3A_53] : memref<32x80x2x128xi32, #tpu.memory_space<hbm>> -> memref<1x80x2x128xi32, #tpu.memory_space<hbm>>
      %dma_start3A_55 = tpu.memref_squeeze %dma_start3A_54 : memref<1x80x2x128xi32, #tpu.memory_space<hbm>> -> memref<80x2x128xi32, #tpu.memory_space<hbm>>
      %dma_start3A_56 = arith.constant 0 : i32
      %dma_start3A_57 = arith.constant 0 : i32
      %dma_start3A_58 = tpu.memref_slice %dma_start3A_55[%run_scoped3A_7, %dma_start3A_56, %dma_start3A_57] : memref<80x2x128xi32, #tpu.memory_space<hbm>> -> memref<1x2x128xi32, #tpu.memory_space<hbm>>
      %dma_start3A_59 = tpu.memref_squeeze %dma_start3A_58 : memref<1x2x128xi32, #tpu.memory_space<hbm>> -> memref<2x128xi32, #tpu.memory_space<hbm>>
      %dma_start3A_60 = arith.constant 0 : i32
      %dma_start3A_61 = arith.constant 0 : i32
      %dma_start3A_62 = arith.constant 0 : i32
      %dma_start3A_63 = tpu.memref_slice %arg3[%add3A, %dma_start3A_60, %dma_start3A_61, %dma_start3A_62] : memref<32x80x2x128xi32, #tpu.memory_space<hbm>> -> memref<1x80x2x128xi32, #tpu.memory_space<hbm>>
      %dma_start3A_64 = tpu.memref_squeeze %dma_start3A_63 : memref<1x80x2x128xi32, #tpu.memory_space<hbm>> -> memref<80x2x128xi32, #tpu.memory_space<hbm>>
      %dma_start3A_65 = arith.constant 0 : i32
      %dma_start3A_66 = arith.constant 0 : i32
      %dma_start3A_67 = tpu.memref_slice %dma_start3A_64[%run_scoped3A_7, %dma_start3A_65, %dma_start3A_66] : memref<80x2x128xi32, #tpu.memory_space<hbm>> -> memref<1x2x128xi32, #tpu.memory_space<hbm>>
      %dma_start3A_68 = tpu.memref_squeeze %dma_start3A_67 : memref<1x2x128xi32, #tpu.memory_space<hbm>> -> memref<2x128xi32, #tpu.memory_space<hbm>>
      tpu.enqueue_dma source(%dma_start3A_68 : memref<2x128xi32, #tpu.memory_space<hbm>>) target(%arg8 : memref<2x128xi32, #tpu.memory_space<vmem>>) target_semaphore(%run_scoped3A_50 : memref<!tpu.dma_semaphore, #tpu.memory_space<semaphore_mem>>)
      %dma_wait3A_69 = arith.constant 0 : i32
      %dma_wait3A_70 = arith.constant 0 : i32
      %dma_wait3A_71 = arith.constant 0 : i32
      %dma_wait3A_72 = tpu.memref_slice %arg3[%add3A, %dma_wait3A_69, %dma_wait3A_70, %dma_wait3A_71] : memref<32x80x2x128xi32, #tpu.memory_space<hbm>> -> memref<1x80x2x128xi32, #tpu.memory_space<hbm>>
      %dma_wait3A_73 = tpu.memref_squeeze %dma_wait3A_72 : memref<1x80x2x128xi32, #tpu.memory_space<hbm>> -> memref<80x2x128xi32, #tpu.memory_space<hbm>>
      %dma_wait3A_74 = arith.constant 0 : i32
      %dma_wait3A_75 = arith.constant 0 : i32
      %dma_wait3A_76 = tpu.memref_slice %dma_wait3A_73[%run_scoped3A_7, %dma_wait3A_74, %dma_wait3A_75] : memref<80x2x128xi32, #tpu.memory_space<hbm>> -> memref<1x2x128xi32, #tpu.memory_space<hbm>>
      %dma_wait3A_77 = tpu.memref_squeeze %dma_wait3A_76 : memref<1x2x128xi32, #tpu.memory_space<hbm>> -> memref<2x128xi32, #tpu.memory_space<hbm>>
      %dma_wait3A_78 = arith.constant 0 : i32
      %dma_wait3A_79 = arith.constant 0 : i32
      %dma_wait3A_80 = arith.constant 0 : i32
      %dma_wait3A_81 = tpu.memref_slice %arg3[%add3A, %dma_wait3A_78, %dma_wait3A_79, %dma_wait3A_80] : memref<32x80x2x128xi32, #tpu.memory_space<hbm>> -> memref<1x80x2x128xi32, #tpu.memory_space<hbm>>
      %dma_wait3A_82 = tpu.memref_squeeze %dma_wait3A_81 : memref<1x80x2x128xi32, #tpu.memory_space<hbm>> -> memref<80x2x128xi32, #tpu.memory_space<hbm>>
      %dma_wait3A_83 = arith.constant 0 : i32
      %dma_wait3A_84 = arith.constant 0 : i32
      %dma_wait3A_85 = tpu.memref_slice %dma_wait3A_82[%run_scoped3A_7, %dma_wait3A_83, %dma_wait3A_84] : memref<80x2x128xi32, #tpu.memory_space<hbm>> -> memref<1x2x128xi32, #tpu.memory_space<hbm>>
      %dma_wait3A_86 = tpu.memref_squeeze %dma_wait3A_85 : memref<1x2x128xi32, #tpu.memory_space<hbm>> -> memref<2x128xi32, #tpu.memory_space<hbm>>
      tpu.wait_dma2 semaphore(%run_scoped3A_50 : memref<!tpu.dma_semaphore, #tpu.memory_space<semaphore_mem>>) src(%dma_wait3A_86 : memref<2x128xi32, #tpu.memory_space<hbm>>) dst(%arg8 : memref<2x128xi32, #tpu.memory_space<vmem>>)
      tpu.yield
    }) : () -> ()
    %dma_start3A_8 = arith.constant 0 : i32
    %dma_start3A_9 = arith.constant 0 : i32
    %dma_start3A_10 = tpu.memref_slice %arg8[%dma_start3A_8, %dma_start3A_9] : memref<2x128xi32, #tpu.memory_space<vmem>> -> memref<1x128xi32, #tpu.memory_space<vmem>>
    %dma_start3A_11 = tpu.memref_squeeze %dma_start3A_10 : memref<1x128xi32, #tpu.memory_space<vmem>> -> memref<128xi32, #tpu.memory_space<vmem>>
    %dma_start3A_12 = arith.constant 0 : i32
    %dma_start3A_13 = arith.constant 0 : i32
    %dma_start3A_14 = tpu.memref_slice %arg2[%dma_start3A_12, %dma_start3A_13] : memref<10000x128xf32, #tpu.memory_space<hbm>> -> memref<10000x128xf32, #tpu.memory_space<hbm>>
    tpu.enqueue_indirect_dma source(%dma_start3A_14 : memref<10000x128xf32, #tpu.memory_space<hbm>>) target(%arg10 : memref<128x128xf32, #tpu.memory_space<vmem>>) offsets(%dma_start3A_11 : memref<128xi32, #tpu.memory_space<vmem>>) semaphore(%arg14 : memref<!tpu.dma_semaphore, #tpu.memory_space<semaphore_mem>>)
    "tpu.region"() ({
      %run_scoped3A_50 = tpu.sem_alloc : memref<!tpu.dma_semaphore, #tpu.memory_space<semaphore_mem>>
      tpu.enqueue_dma source(%arg4 : memref<24x128xf32, #tpu.memory_space<hbm>>) target(%arg11 : memref<24x128xf32, #tpu.memory_space<vmem>>) target_semaphore(%run_scoped3A_50 : memref<!tpu.dma_semaphore, #tpu.memory_space<semaphore_mem>>)
      tpu.wait_dma2 semaphore(%run_scoped3A_50 : memref<!tpu.dma_semaphore, #tpu.memory_space<semaphore_mem>>) src(%arg4 : memref<24x128xf32, #tpu.memory_space<hbm>>) dst(%arg11 : memref<24x128xf32, #tpu.memory_space<vmem>>)
      tpu.yield
    }) : () -> ()
    %scan3A = arith.constant 0 : i32
    %scan3A_15 = arith.constant 26 : i32
    %scan3A_16 = arith.addi %scan3A, %scan3A_15 : i32
    %scan3A_17 = arith.constant 1 : i32
    scf.for %scan3A_50 = %scan3A to %scan3A_16 step %scan3A_17  : i32 {
      %mul3A_51 = arith.constant 1 : i32
      %mul3A_52 = arith.muli %scan3A_50, %mul3A_51 : i32
      %add3A_53 = arith.constant 0 : i32
      %add3A_54 = arith.addi %add3A_53, %mul3A_52 : i32
      %mul3A_55 = arith.constant 624 : i32
      %mul3A_56 = arith.muli %arg1, %mul3A_55 : i32
      %mul3A_57 = arith.constant 24 : i32
      %mul3A_58 = arith.muli %add3A_54, %mul3A_57 : i32
      %add3A_59 = arith.addi %mul3A_56, %mul3A_58 : i32
      %dma_start3A_60 = arith.constant 0 : i32
      %dma_start3A_61 = tpu.memref_slice %arg6[%add3A_59, %dma_start3A_60] : memref<10016x128xf32, #tpu.memory_space<vmem_shared>> -> memref<24x128xf32, #tpu.memory_space<vmem_shared>>
      %dma_start3A_62 = arith.constant 0 : i32
      %dma_start3A_63 = tpu.memref_slice %arg6[%add3A_59, %dma_start3A_62] : memref<10016x128xf32, #tpu.memory_space<vmem_shared>> -> memref<24x128xf32, #tpu.memory_space<vmem_shared>>
      tpu.enqueue_dma source(%arg11 : memref<24x128xf32, #tpu.memory_space<vmem>>) target(%dma_start3A_63 : memref<24x128xf32, #tpu.memory_space<vmem_shared>>) target_semaphore(%arg17 : memref<!tpu.dma_semaphore, #tpu.memory_space<semaphore_mem>>)
    }
    %scan3A_18 = arith.constant 26 : i32
    %eq3A = arith.constant 0 : i32
    %eq3A_19 = arith.cmpi eq, %arg1, %eq3A : i32
    %convert_element_type3A = arith.extui %eq3A_19 : i1 to i32
    %cond3A = arith.constant 0 : i32
    %cond3A_20 = arith.cmpi ne, %convert_element_type3A, %cond3A : i32
    scf.if %cond3A_20 {
      "tpu.region"() ({
        %run_scoped3A_50 = tpu.sem_alloc : memref<!tpu.dma_semaphore, #tpu.memory_space<semaphore_mem>>
        %dma_start3A_51 = arith.constant 0 : i32
        %dma_start3A_52 = arith.constant 0 : i32
        %dma_start3A_53 = tpu.memref_slice %arg11[%dma_start3A_51, %dma_start3A_52] : memref<24x128xf32, #tpu.memory_space<vmem>> -> memref<16x128xf32, #tpu.memory_space<vmem>>
        %dma_start3A_54 = arith.constant 9984 : i32
        %dma_start3A_55 = arith.constant 0 : i32
        %dma_start3A_56 = tpu.memref_slice %arg6[%dma_start3A_54, %dma_start3A_55] : memref<10016x128xf32, #tpu.memory_space<vmem_shared>> -> memref<16x128xf32, #tpu.memory_space<vmem_shared>>
        %dma_start3A_57 = arith.constant 9984 : i32
        %dma_start3A_58 = arith.constant 0 : i32
        %dma_start3A_59 = tpu.memref_slice %arg6[%dma_start3A_57, %dma_start3A_58] : memref<10016x128xf32, #tpu.memory_space<vmem_shared>> -> memref<16x128xf32, #tpu.memory_space<vmem_shared>>
        %dma_start3A_60 = arith.constant 0 : i32
        %dma_start3A_61 = arith.constant 0 : i32
        %dma_start3A_62 = tpu.memref_slice %arg11[%dma_start3A_60, %dma_start3A_61] : memref<24x128xf32, #tpu.memory_space<vmem>> -> memref<16x128xf32, #tpu.memory_space<vmem>>
        tpu.enqueue_dma source(%dma_start3A_62 : memref<16x128xf32, #tpu.memory_space<vmem>>) target(%dma_start3A_59 : memref<16x128xf32, #tpu.memory_space<vmem_shared>>) target_semaphore(%run_scoped3A_50 : memref<!tpu.dma_semaphore, #tpu.memory_space<semaphore_mem>>)
        %dma_wait3A_63 = arith.constant 0 : i32
        %dma_wait3A_64 = arith.constant 0 : i32
        %dma_wait3A_65 = tpu.memref_slice %arg11[%dma_wait3A_63, %dma_wait3A_64] : memref<24x128xf32, #tpu.memory_space<vmem>> -> memref<16x128xf32, #tpu.memory_space<vmem>>
        %dma_wait3A_66 = arith.constant 9984 : i32
        %dma_wait3A_67 = arith.constant 0 : i32
        %dma_wait3A_68 = tpu.memref_slice %arg6[%dma_wait3A_66, %dma_wait3A_67] : memref<10016x128xf32, #tpu.memory_space<vmem_shared>> -> memref<16x128xf32, #tpu.memory_space<vmem_shared>>
        %dma_wait3A_69 = arith.constant 9984 : i32
        %dma_wait3A_70 = arith.constant 0 : i32
        %dma_wait3A_71 = tpu.memref_slice %arg6[%dma_wait3A_69, %dma_wait3A_70] : memref<10016x128xf32, #tpu.memory_space<vmem_shared>> -> memref<16x128xf32, #tpu.memory_space<vmem_shared>>
        %dma_wait3A_72 = arith.constant 0 : i32
        %dma_wait3A_73 = arith.constant 0 : i32
        %dma_wait3A_74 = tpu.memref_slice %arg11[%dma_wait3A_72, %dma_wait3A_73] : memref<24x128xf32, #tpu.memory_space<vmem>> -> memref<16x128xf32, #tpu.memory_space<vmem>>
        tpu.wait_dma2 semaphore(%run_scoped3A_50 : memref<!tpu.dma_semaphore, #tpu.memory_space<semaphore_mem>>) src(%dma_wait3A_74 : memref<16x128xf32, #tpu.memory_space<vmem>>) dst(%dma_wait3A_71 : memref<16x128xf32, #tpu.memory_space<vmem_shared>>)
        tpu.yield
      }) : () -> ()
    } else {
    }
    %scan3A_21 = arith.constant 0 : i32
    %scan3A_22 = arith.constant 26 : i32
    %scan3A_23 = arith.addi %scan3A_21, %scan3A_22 : i32
    %scan3A_24 = arith.constant 1 : i32
    scf.for %scan3A_50 = %scan3A_21 to %scan3A_23 step %scan3A_24  : i32 {
      %mul3A_51 = arith.constant 1 : i32
      %mul3A_52 = arith.muli %scan3A_50, %mul3A_51 : i32
      %add3A_53 = arith.constant 0 : i32
      %add3A_54 = arith.addi %add3A_53, %mul3A_52 : i32
      %mul3A_55 = arith.constant 624 : i32
      %mul3A_56 = arith.muli %arg1, %mul3A_55 : i32
      %dma_wait3A_57 = arith.constant 0 : i32
      %dma_wait3A_58 = tpu.memref_slice %arg6[%mul3A_56, %dma_wait3A_57] : memref<10016x128xf32, #tpu.memory_space<vmem_shared>> -> memref<24x128xf32, #tpu.memory_space<vmem_shared>>
      %dma_wait3A_59 = arith.constant 0 : i32
      %dma_wait3A_60 = tpu.memref_slice %arg6[%mul3A_56, %dma_wait3A_59] : memref<10016x128xf32, #tpu.memory_space<vmem_shared>> -> memref<24x128xf32, #tpu.memory_space<vmem_shared>>
      tpu.wait_dma2 semaphore(%arg17 : memref<!tpu.dma_semaphore, #tpu.memory_space<semaphore_mem>>) src(%arg11 : memref<24x128xf32, #tpu.memory_space<vmem>>) dst(%dma_wait3A_60 : memref<24x128xf32, #tpu.memory_space<vmem_shared>>)
    }
    %scan3A_25 = arith.constant 26 : i32
    %barrier3A = arith.constant 0 : index
    tpu.barrier barrier_id(%barrier3A)
    %broadcast_in_dim3A = arith.constant 1.000000e+00 : f32
    %broadcast_in_dim3A_26 = vector.broadcast %broadcast_in_dim3A : f32 to vector<16xf32>
    %scan3A_27 = arith.constant 0 : i32
    %scan3A_28 = arith.constant 0 : i32
    %scan3A_29 = arith.constant 0 : i32
    %scan3A_30 = arith.constant 40 : i32
    %scan3A_31 = arith.addi %scan3A_29, %scan3A_30 : i32
    %scan3A_32 = arith.constant 1 : i32
    scf.for %scan3A_50 = %scan3A_29 to %scan3A_31 step %scan3A_32  : i32 {
      %mul3A_51 = arith.constant 2 : i32
      %mul3A_52 = arith.muli %scan3A_50, %mul3A_51 : i32
      %add3A_53 = arith.constant 0 : i32
      %add3A_54 = arith.addi %add3A_53, %mul3A_52 : i32
      %dma_wait3A_55 = arith.constant 0 : i32
      %dma_wait3A_56 = tpu.memref_slice %arg7[%scan3A_27, %dma_wait3A_55] : memref<2x128xi32, #tpu.memory_space<vmem>> -> memref<1x128xi32, #tpu.memory_space<vmem>>
      %dma_wait3A_57 = tpu.memref_squeeze %dma_wait3A_56 : memref<1x128xi32, #tpu.memory_space<vmem>> -> memref<128xi32, #tpu.memory_space<vmem>>
      %dma_wait3A_58 = arith.constant 0 : i32
      %dma_wait3A_59 = arith.constant 0 : i32
      %dma_wait3A_60 = tpu.memref_slice %arg2[%dma_wait3A_58, %dma_wait3A_59] : memref<10000x128xf32, #tpu.memory_space<hbm>> -> memref<10000x128xf32, #tpu.memory_space<hbm>>
      tpu.wait_indirect_dma semaphore(%arg13 : memref<!tpu.dma_semaphore, #tpu.memory_space<semaphore_mem>>) src(%dma_wait3A_60 : memref<10000x128xf32, #tpu.memory_space<hbm>>) dst(%arg9 : memref<128x128xf32, #tpu.memory_space<vmem>>)
      %run_scoped3A_61 = arith.constant 1 : i32
      "tpu.region"() ({
        %run_scoped3A_89 = tpu.sem_alloc : memref<!tpu.dma_semaphore, #tpu.memory_space<semaphore_mem>>
        %dma_start3A_90 = arith.constant 0 : i32
        %dma_start3A_91 = tpu.memref_slice %arg7[%run_scoped3A_61, %dma_start3A_90] : memref<2x128xi32, #tpu.memory_space<vmem>> -> memref<1x128xi32, #tpu.memory_space<vmem>>
        %dma_start3A_92 = tpu.memref_squeeze %dma_start3A_91 : memref<1x128xi32, #tpu.memory_space<vmem>> -> memref<128xi32, #tpu.memory_space<vmem>>
        %dma_start3A_93 = arith.constant 0 : i32
        %dma_start3A_94 = arith.constant 0 : i32
        %dma_start3A_95 = tpu.memref_slice %arg6[%dma_start3A_93, %dma_start3A_94] : memref<10016x128xf32, #tpu.memory_space<vmem_shared>> -> memref<10016x128xf32, #tpu.memory_space<vmem_shared>>
        tpu.enqueue_indirect_dma source(%arg9 : memref<128x128xf32, #tpu.memory_space<vmem>>) target(%dma_start3A_95 : memref<10016x128xf32, #tpu.memory_space<vmem_shared>>) offsets(%dma_start3A_92 : memref<128xi32, #tpu.memory_space<vmem>>) semaphore(%run_scoped3A_89 : memref<!tpu.dma_semaphore, #tpu.memory_space<semaphore_mem>>) {add = true}
        %dma_wait3A_96 = arith.constant 0 : i32
        %dma_wait3A_97 = tpu.memref_slice %arg7[%run_scoped3A_61, %dma_wait3A_96] : memref<2x128xi32, #tpu.memory_space<vmem>> -> memref<1x128xi32, #tpu.memory_space<vmem>>
        %dma_wait3A_98 = tpu.memref_squeeze %dma_wait3A_97 : memref<1x128xi32, #tpu.memory_space<vmem>> -> memref<128xi32, #tpu.memory_space<vmem>>
        %dma_wait3A_99 = arith.constant 0 : i32
        %dma_wait3A_100 = arith.constant 0 : i32
        %dma_wait3A_101 = tpu.memref_slice %arg6[%dma_wait3A_99, %dma_wait3A_100] : memref<10016x128xf32, #tpu.memory_space<vmem_shared>> -> memref<10016x128xf32, #tpu.memory_space<vmem_shared>>
        tpu.wait_indirect_dma semaphore(%run_scoped3A_89 : memref<!tpu.dma_semaphore, #tpu.memory_space<semaphore_mem>>) src(%arg9 : memref<128x128xf32, #tpu.memory_space<vmem>>) dst(%dma_wait3A_101 : memref<10016x128xf32, #tpu.memory_space<vmem_shared>>)
        tpu.yield
      }) : () -> ()
      %add3A_62 = arith.constant 2 : i32
      %add3A_63 = arith.addi %add3A_54, %add3A_62 : i32
      %lt3A = arith.constant 80 : i32
      %lt3A_64 = arith.cmpi slt, %add3A_63, %lt3A : i32
      %convert_element_type3A_65 = arith.extui %lt3A_64 : i1 to i32
      %cond3A_66 = arith.constant 0 : i32
      %cond3A_67 = arith.cmpi ne, %convert_element_type3A_65, %cond3A_66 : i32
      scf.if %cond3A_67 {
        %add3A_89 = arith.constant 2 : i32
        %add3A_90 = arith.addi %add3A_54, %add3A_89 : i32
        %dma_start3A_91 = arith.constant 0 : i32
        %dma_start3A_92 = arith.constant 0 : i32
        %dma_start3A_93 = arith.constant 0 : i32
        %dma_start3A_94 = tpu.memref_slice %arg3[%add3A, %dma_start3A_91, %dma_start3A_92, %dma_start3A_93] : memref<32x80x2x128xi32, #tpu.memory_space<hbm>> -> memref<1x80x2x128xi32, #tpu.memory_space<hbm>>
        %dma_start3A_95 = tpu.memref_squeeze %dma_start3A_94 : memref<1x80x2x128xi32, #tpu.memory_space<hbm>> -> memref<80x2x128xi32, #tpu.memory_space<hbm>>
        %dma_start3A_96 = arith.constant 0 : i32
        %dma_start3A_97 = arith.constant 0 : i32
        %dma_start3A_98 = tpu.memref_slice %dma_start3A_95[%add3A_90, %dma_start3A_96, %dma_start3A_97] : memref<80x2x128xi32, #tpu.memory_space<hbm>> -> memref<1x2x128xi32, #tpu.memory_space<hbm>>
        %dma_start3A_99 = tpu.memref_squeeze %dma_start3A_98 : memref<1x2x128xi32, #tpu.memory_space<hbm>> -> memref<2x128xi32, #tpu.memory_space<hbm>>
        %dma_start3A_100 = arith.constant 0 : i32
        %dma_start3A_101 = arith.constant 0 : i32
        %dma_start3A_102 = arith.constant 0 : i32
        %dma_start3A_103 = tpu.memref_slice %arg3[%add3A, %dma_start3A_100, %dma_start3A_101, %dma_start3A_102] : memref<32x80x2x128xi32, #tpu.memory_space<hbm>> -> memref<1x80x2x128xi32, #tpu.memory_space<hbm>>
        %dma_start3A_104 = tpu.memref_squeeze %dma_start3A_103 : memref<1x80x2x128xi32, #tpu.memory_space<hbm>> -> memref<80x2x128xi32, #tpu.memory_space<hbm>>
        %dma_start3A_105 = arith.constant 0 : i32
        %dma_start3A_106 = arith.constant 0 : i32
        %dma_start3A_107 = tpu.memref_slice %dma_start3A_104[%add3A_90, %dma_start3A_105, %dma_start3A_106] : memref<80x2x128xi32, #tpu.memory_space<hbm>> -> memref<1x2x128xi32, #tpu.memory_space<hbm>>
        %dma_start3A_108 = tpu.memref_squeeze %dma_start3A_107 : memref<1x2x128xi32, #tpu.memory_space<hbm>> -> memref<2x128xi32, #tpu.memory_space<hbm>>
        tpu.enqueue_dma source(%dma_start3A_108 : memref<2x128xi32, #tpu.memory_space<hbm>>) target(%arg7 : memref<2x128xi32, #tpu.memory_space<vmem>>) target_semaphore(%arg15 : memref<!tpu.dma_semaphore, #tpu.memory_space<semaphore_mem>>)
      } else {
      }
      %dma_wait3A_68 = arith.constant 0 : i32
      %dma_wait3A_69 = tpu.memref_slice %arg8[%scan3A_28, %dma_wait3A_68] : memref<2x128xi32, #tpu.memory_space<vmem>> -> memref<1x128xi32, #tpu.memory_space<vmem>>
      %dma_wait3A_70 = tpu.memref_squeeze %dma_wait3A_69 : memref<1x128xi32, #tpu.memory_space<vmem>> -> memref<128xi32, #tpu.memory_space<vmem>>
      %dma_wait3A_71 = arith.constant 0 : i32
      %dma_wait3A_72 = arith.constant 0 : i32
      %dma_wait3A_73 = tpu.memref_slice %arg2[%dma_wait3A_71, %dma_wait3A_72] : memref<10000x128xf32, #tpu.memory_space<hbm>> -> memref<10000x128xf32, #tpu.memory_space<hbm>>
      tpu.wait_indirect_dma semaphore(%arg14 : memref<!tpu.dma_semaphore, #tpu.memory_space<semaphore_mem>>) src(%dma_wait3A_73 : memref<10000x128xf32, #tpu.memory_space<hbm>>) dst(%arg10 : memref<128x128xf32, #tpu.memory_space<vmem>>)
      %run_scoped3A_74 = arith.constant 1 : i32
      "tpu.region"() ({
        %run_scoped3A_89 = tpu.sem_alloc : memref<!tpu.dma_semaphore, #tpu.memory_space<semaphore_mem>>
        %dma_start3A_90 = arith.constant 0 : i32
        %dma_start3A_91 = tpu.memref_slice %arg8[%run_scoped3A_74, %dma_start3A_90] : memref<2x128xi32, #tpu.memory_space<vmem>> -> memref<1x128xi32, #tpu.memory_space<vmem>>
        %dma_start3A_92 = tpu.memref_squeeze %dma_start3A_91 : memref<1x128xi32, #tpu.memory_space<vmem>> -> memref<128xi32, #tpu.memory_space<vmem>>
        %dma_start3A_93 = arith.constant 0 : i32
        %dma_start3A_94 = arith.constant 0 : i32
        %dma_start3A_95 = tpu.memref_slice %arg6[%dma_start3A_93, %dma_start3A_94] : memref<10016x128xf32, #tpu.memory_space<vmem_shared>> -> memref<10016x128xf32, #tpu.memory_space<vmem_shared>>
        tpu.enqueue_indirect_dma source(%arg10 : memref<128x128xf32, #tpu.memory_space<vmem>>) target(%dma_start3A_95 : memref<10016x128xf32, #tpu.memory_space<vmem_shared>>) offsets(%dma_start3A_92 : memref<128xi32, #tpu.memory_space<vmem>>) semaphore(%run_scoped3A_89 : memref<!tpu.dma_semaphore, #tpu.memory_space<semaphore_mem>>) {add = true}
        %dma_wait3A_96 = arith.constant 0 : i32
        %dma_wait3A_97 = tpu.memref_slice %arg8[%run_scoped3A_74, %dma_wait3A_96] : memref<2x128xi32, #tpu.memory_space<vmem>> -> memref<1x128xi32, #tpu.memory_space<vmem>>
        %dma_wait3A_98 = tpu.memref_squeeze %dma_wait3A_97 : memref<1x128xi32, #tpu.memory_space<vmem>> -> memref<128xi32, #tpu.memory_space<vmem>>
        %dma_wait3A_99 = arith.constant 0 : i32
        %dma_wait3A_100 = arith.constant 0 : i32
        %dma_wait3A_101 = tpu.memref_slice %arg6[%dma_wait3A_99, %dma_wait3A_100] : memref<10016x128xf32, #tpu.memory_space<vmem_shared>> -> memref<10016x128xf32, #tpu.memory_space<vmem_shared>>
        tpu.wait_indirect_dma semaphore(%run_scoped3A_89 : memref<!tpu.dma_semaphore, #tpu.memory_space<semaphore_mem>>) src(%arg10 : memref<128x128xf32, #tpu.memory_space<vmem>>) dst(%dma_wait3A_101 : memref<10016x128xf32, #tpu.memory_space<vmem_shared>>)
        tpu.yield
      }) : () -> ()
      %add3A_75 = arith.constant 2 : i32
      %add3A_76 = arith.addi %add3A_54, %add3A_75 : i32
      %lt3A_77 = arith.constant 80 : i32
      %lt3A_78 = arith.cmpi slt, %add3A_76, %lt3A_77 : i32
      %convert_element_type3A_79 = arith.extui %lt3A_78 : i1 to i32
      %cond3A_80 = arith.constant 0 : i32
      %cond3A_81 = arith.cmpi ne, %convert_element_type3A_79, %cond3A_80 : i32
      scf.if %cond3A_81 {
        %add3A_89 = arith.constant 2 : i32
        %add3A_90 = arith.addi %add3A_54, %add3A_89 : i32
        %dma_wait3A_91 = arith.constant 0 : i32
        %dma_wait3A_92 = arith.constant 0 : i32
        %dma_wait3A_93 = arith.constant 0 : i32
        %dma_wait3A_94 = tpu.memref_slice %arg3[%add3A, %dma_wait3A_91, %dma_wait3A_92, %dma_wait3A_93] : memref<32x80x2x128xi32, #tpu.memory_space<hbm>> -> memref<1x80x2x128xi32, #tpu.memory_space<hbm>>
        %dma_wait3A_95 = tpu.memref_squeeze %dma_wait3A_94 : memref<1x80x2x128xi32, #tpu.memory_space<hbm>> -> memref<80x2x128xi32, #tpu.memory_space<hbm>>
        %dma_wait3A_96 = arith.constant 0 : i32
        %dma_wait3A_97 = arith.constant 0 : i32
        %dma_wait3A_98 = tpu.memref_slice %dma_wait3A_95[%add3A_90, %dma_wait3A_96, %dma_wait3A_97] : memref<80x2x128xi32, #tpu.memory_space<hbm>> -> memref<1x2x128xi32, #tpu.memory_space<hbm>>
        %dma_wait3A_99 = tpu.memref_squeeze %dma_wait3A_98 : memref<1x2x128xi32, #tpu.memory_space<hbm>> -> memref<2x128xi32, #tpu.memory_space<hbm>>
        %dma_wait3A_100 = arith.constant 0 : i32
        %dma_wait3A_101 = arith.constant 0 : i32
        %dma_wait3A_102 = arith.constant 0 : i32
        %dma_wait3A_103 = tpu.memref_slice %arg3[%add3A, %dma_wait3A_100, %dma_wait3A_101, %dma_wait3A_102] : memref<32x80x2x128xi32, #tpu.memory_space<hbm>> -> memref<1x80x2x128xi32, #tpu.memory_space<hbm>>
        %dma_wait3A_104 = tpu.memref_squeeze %dma_wait3A_103 : memref<1x80x2x128xi32, #tpu.memory_space<hbm>> -> memref<80x2x128xi32, #tpu.memory_space<hbm>>
        %dma_wait3A_105 = arith.constant 0 : i32
        %dma_wait3A_106 = arith.constant 0 : i32
        %dma_wait3A_107 = tpu.memref_slice %dma_wait3A_104[%add3A_90, %dma_wait3A_105, %dma_wait3A_106] : memref<80x2x128xi32, #tpu.memory_space<hbm>> -> memref<1x2x128xi32, #tpu.memory_space<hbm>>
        %dma_wait3A_108 = tpu.memref_squeeze %dma_wait3A_107 : memref<1x2x128xi32, #tpu.memory_space<hbm>> -> memref<2x128xi32, #tpu.memory_space<hbm>>
        tpu.wait_dma2 semaphore(%arg15 : memref<!tpu.dma_semaphore, #tpu.memory_space<semaphore_mem>>) src(%dma_wait3A_108 : memref<2x128xi32, #tpu.memory_space<hbm>>) dst(%arg7 : memref<2x128xi32, #tpu.memory_space<vmem>>)
        %dma_start3A_109 = arith.constant 0 : i32
        %dma_start3A_110 = arith.constant 0 : i32
        %dma_start3A_111 = tpu.memref_slice %arg7[%dma_start3A_109, %dma_start3A_110] : memref<2x128xi32, #tpu.memory_space<vmem>> -> memref<1x128xi32, #tpu.memory_space<vmem>>
        %dma_start3A_112 = tpu.memref_squeeze %dma_start3A_111 : memref<1x128xi32, #tpu.memory_space<vmem>> -> memref<128xi32, #tpu.memory_space<vmem>>
        %dma_start3A_113 = arith.constant 0 : i32
        %dma_start3A_114 = arith.constant 0 : i32
        %dma_start3A_115 = tpu.memref_slice %arg2[%dma_start3A_113, %dma_start3A_114] : memref<10000x128xf32, #tpu.memory_space<hbm>> -> memref<10000x128xf32, #tpu.memory_space<hbm>>
        tpu.enqueue_indirect_dma source(%dma_start3A_115 : memref<10000x128xf32, #tpu.memory_space<hbm>>) target(%arg9 : memref<128x128xf32, #tpu.memory_space<vmem>>) offsets(%dma_start3A_112 : memref<128xi32, #tpu.memory_space<vmem>>) semaphore(%arg13 : memref<!tpu.dma_semaphore, #tpu.memory_space<semaphore_mem>>)
      } else {
      }
      %add3A_82 = arith.constant 3 : i32
      %add3A_83 = arith.addi %add3A_54, %add3A_82 : i32
      %lt3A_84 = arith.constant 80 : i32
      %lt3A_85 = arith.cmpi slt, %add3A_83, %lt3A_84 : i32
      %convert_element_type3A_86 = arith.extui %lt3A_85 : i1 to i32
      %cond3A_87 = arith.constant 0 : i32
      %cond3A_88 = arith.cmpi ne, %convert_element_type3A_86, %cond3A_87 : i32
      scf.if %cond3A_88 {
        %add3A_89 = arith.constant 3 : i32
        %add3A_90 = arith.addi %add3A_54, %add3A_89 : i32
        %dma_start3A_91 = arith.constant 0 : i32
        %dma_start3A_92 = arith.constant 0 : i32
        %dma_start3A_93 = arith.constant 0 : i32
        %dma_start3A_94 = tpu.memref_slice %arg3[%add3A, %dma_start3A_91, %dma_start3A_92, %dma_start3A_93] : memref<32x80x2x128xi32, #tpu.memory_space<hbm>> -> memref<1x80x2x128xi32, #tpu.memory_space<hbm>>
        %dma_start3A_95 = tpu.memref_squeeze %dma_start3A_94 : memref<1x80x2x128xi32, #tpu.memory_space<hbm>> -> memref<80x2x128xi32, #tpu.memory_space<hbm>>
        %dma_start3A_96 = arith.constant 0 : i32
        %dma_start3A_97 = arith.constant 0 : i32
        %dma_start3A_98 = tpu.memref_slice %dma_start3A_95[%add3A_90, %dma_start3A_96, %dma_start3A_97] : memref<80x2x128xi32, #tpu.memory_space<hbm>> -> memref<1x2x128xi32, #tpu.memory_space<hbm>>
        %dma_start3A_99 = tpu.memref_squeeze %dma_start3A_98 : memref<1x2x128xi32, #tpu.memory_space<hbm>> -> memref<2x128xi32, #tpu.memory_space<hbm>>
        %dma_start3A_100 = arith.constant 0 : i32
        %dma_start3A_101 = arith.constant 0 : i32
        %dma_start3A_102 = arith.constant 0 : i32
        %dma_start3A_103 = tpu.memref_slice %arg3[%add3A, %dma_start3A_100, %dma_start3A_101, %dma_start3A_102] : memref<32x80x2x128xi32, #tpu.memory_space<hbm>> -> memref<1x80x2x128xi32, #tpu.memory_space<hbm>>
        %dma_start3A_104 = tpu.memref_squeeze %dma_start3A_103 : memref<1x80x2x128xi32, #tpu.memory_space<hbm>> -> memref<80x2x128xi32, #tpu.memory_space<hbm>>
        %dma_start3A_105 = arith.constant 0 : i32
        %dma_start3A_106 = arith.constant 0 : i32
        %dma_start3A_107 = tpu.memref_slice %dma_start3A_104[%add3A_90, %dma_start3A_105, %dma_start3A_106] : memref<80x2x128xi32, #tpu.memory_space<hbm>> -> memref<1x2x128xi32, #tpu.memory_space<hbm>>
        %dma_start3A_108 = tpu.memref_squeeze %dma_start3A_107 : memref<1x2x128xi32, #tpu.memory_space<hbm>> -> memref<2x128xi32, #tpu.memory_space<hbm>>
        tpu.enqueue_dma source(%dma_start3A_108 : memref<2x128xi32, #tpu.memory_space<hbm>>) target(%arg8 : memref<2x128xi32, #tpu.memory_space<vmem>>) target_semaphore(%arg16 : memref<!tpu.dma_semaphore, #tpu.memory_space<semaphore_mem>>)
        %add3A_109 = arith.constant 3 : i32
        %add3A_110 = arith.addi %add3A_54, %add3A_109 : i32
        %dma_wait3A_111 = arith.constant 0 : i32
        %dma_wait3A_112 = arith.constant 0 : i32
        %dma_wait3A_113 = arith.constant 0 : i32
        %dma_wait3A_114 = tpu.memref_slice %arg3[%add3A, %dma_wait3A_111, %dma_wait3A_112, %dma_wait3A_113] : memref<32x80x2x128xi32, #tpu.memory_space<hbm>> -> memref<1x80x2x128xi32, #tpu.memory_space<hbm>>
        %dma_wait3A_115 = tpu.memref_squeeze %dma_wait3A_114 : memref<1x80x2x128xi32, #tpu.memory_space<hbm>> -> memref<80x2x128xi32, #tpu.memory_space<hbm>>
        %dma_wait3A_116 = arith.constant 0 : i32
        %dma_wait3A_117 = arith.constant 0 : i32
        %dma_wait3A_118 = tpu.memref_slice %dma_wait3A_115[%add3A_110, %dma_wait3A_116, %dma_wait3A_117] : memref<80x2x128xi32, #tpu.memory_space<hbm>> -> memref<1x2x128xi32, #tpu.memory_space<hbm>>
        %dma_wait3A_119 = tpu.memref_squeeze %dma_wait3A_118 : memref<1x2x128xi32, #tpu.memory_space<hbm>> -> memref<2x128xi32, #tpu.memory_space<hbm>>
        %dma_wait3A_120 = arith.constant 0 : i32
        %dma_wait3A_121 = arith.constant 0 : i32
        %dma_wait3A_122 = arith.constant 0 : i32
        %dma_wait3A_123 = tpu.memref_slice %arg3[%add3A, %dma_wait3A_120, %dma_wait3A_121, %dma_wait3A_122] : memref<32x80x2x128xi32, #tpu.memory_space<hbm>> -> memref<1x80x2x128xi32, #tpu.memory_space<hbm>>
        %dma_wait3A_124 = tpu.memref_squeeze %dma_wait3A_123 : memref<1x80x2x128xi32, #tpu.memory_space<hbm>> -> memref<80x2x128xi32, #tpu.memory_space<hbm>>
        %dma_wait3A_125 = arith.constant 0 : i32
        %dma_wait3A_126 = arith.constant 0 : i32
        %dma_wait3A_127 = tpu.memref_slice %dma_wait3A_124[%add3A_110, %dma_wait3A_125, %dma_wait3A_126] : memref<80x2x128xi32, #tpu.memory_space<hbm>> -> memref<1x2x128xi32, #tpu.memory_space<hbm>>
        %dma_wait3A_128 = tpu.memref_squeeze %dma_wait3A_127 : memref<1x2x128xi32, #tpu.memory_space<hbm>> -> memref<2x128xi32, #tpu.memory_space<hbm>>
        tpu.wait_dma2 semaphore(%arg16 : memref<!tpu.dma_semaphore, #tpu.memory_space<semaphore_mem>>) src(%dma_wait3A_128 : memref<2x128xi32, #tpu.memory_space<hbm>>) dst(%arg8 : memref<2x128xi32, #tpu.memory_space<vmem>>)
        %dma_start3A_129 = arith.constant 0 : i32
        %dma_start3A_130 = arith.constant 0 : i32
        %dma_start3A_131 = tpu.memref_slice %arg8[%dma_start3A_129, %dma_start3A_130] : memref<2x128xi32, #tpu.memory_space<vmem>> -> memref<1x128xi32, #tpu.memory_space<vmem>>
        %dma_start3A_132 = tpu.memref_squeeze %dma_start3A_131 : memref<1x128xi32, #tpu.memory_space<vmem>> -> memref<128xi32, #tpu.memory_space<vmem>>
        %dma_start3A_133 = arith.constant 0 : i32
        %dma_start3A_134 = arith.constant 0 : i32
        %dma_start3A_135 = tpu.memref_slice %arg2[%dma_start3A_133, %dma_start3A_134] : memref<10000x128xf32, #tpu.memory_space<hbm>> -> memref<10000x128xf32, #tpu.memory_space<hbm>>
        tpu.enqueue_indirect_dma source(%dma_start3A_135 : memref<10000x128xf32, #tpu.memory_space<hbm>>) target(%arg10 : memref<128x128xf32, #tpu.memory_space<vmem>>) offsets(%dma_start3A_132 : memref<128xi32, #tpu.memory_space<vmem>>) semaphore(%arg14 : memref<!tpu.dma_semaphore, #tpu.memory_space<semaphore_mem>>)
      } else {
      }
    }
    %scan3A_33 = arith.constant 40 : i32
    %barrier3A_34 = arith.constant 0 : index
    tpu.barrier barrier_id(%barrier3A_34)
    %scan3A_35 = arith.constant 0 : i32
    %scan3A_36 = arith.constant 13 : i32
    %scan3A_37 = arith.addi %scan3A_35, %scan3A_36 : i32
    %scan3A_38 = arith.constant 1 : i32
    scf.for %scan3A_50 = %scan3A_35 to %scan3A_37 step %scan3A_38  : i32 {
      %mul3A_51 = arith.constant 2 : i32
      %mul3A_52 = arith.muli %scan3A_50, %mul3A_51 : i32
      %add3A_53 = arith.constant 0 : i32
      %add3A_54 = arith.addi %add3A_53, %mul3A_52 : i32
      %gt3A = arith.constant 0 : i32
      %gt3A_55 = arith.cmpi sgt, %add3A_54, %gt3A : i32
      %convert_element_type3A_56 = arith.extui %gt3A_55 : i1 to i32
      %cond3A_57 = arith.constant 0 : i32
      %cond3A_58 = arith.cmpi ne, %convert_element_type3A_56, %cond3A_57 : i32
      scf.if %cond3A_58 {
        %mul3A_86 = arith.constant 10000 : i32
        %mul3A_87 = arith.muli %arg0, %mul3A_86 : i32
        %dma_wait3A_88 = arith.constant 0 : i32
        %dma_wait3A_89 = tpu.memref_slice %arg5[%mul3A_87, %dma_wait3A_88] : memref<20000x128xf32, #tpu.memory_space<hbm>> -> memref<24x128xf32, #tpu.memory_space<hbm>>
        %dma_wait3A_90 = arith.constant 0 : i32
        %dma_wait3A_91 = tpu.memref_slice %arg5[%mul3A_87, %dma_wait3A_90] : memref<20000x128xf32, #tpu.memory_space<hbm>> -> memref<24x128xf32, #tpu.memory_space<hbm>>
        tpu.wait_dma2 semaphore(%arg17 : memref<!tpu.dma_semaphore, #tpu.memory_space<semaphore_mem>>) src(%arg11 : memref<24x128xf32, #tpu.memory_space<vmem>>) dst(%dma_wait3A_91 : memref<24x128xf32, #tpu.memory_space<hbm>>)
      } else {
      }
      %mul3A_59 = arith.constant 624 : i32
      %mul3A_60 = arith.muli %arg1, %mul3A_59 : i32
      %mul3A_61 = arith.constant 24 : i32
      %mul3A_62 = arith.muli %add3A_54, %mul3A_61 : i32
      %add3A_63 = arith.addi %mul3A_60, %mul3A_62 : i32
      "tpu.region"() ({
        %run_scoped3A_86 = tpu.sem_alloc : memref<!tpu.dma_semaphore, #tpu.memory_space<semaphore_mem>>
        %dma_start3A_87 = arith.constant 0 : i32
        %dma_start3A_88 = tpu.memref_slice %arg6[%add3A_63, %dma_start3A_87] : memref<10016x128xf32, #tpu.memory_space<vmem_shared>> -> memref<24x128xf32, #tpu.memory_space<vmem_shared>>
        %dma_start3A_89 = arith.constant 0 : i32
        %dma_start3A_90 = tpu.memref_slice %arg6[%add3A_63, %dma_start3A_89] : memref<10016x128xf32, #tpu.memory_space<vmem_shared>> -> memref<24x128xf32, #tpu.memory_space<vmem_shared>>
        tpu.enqueue_dma source(%dma_start3A_90 : memref<24x128xf32, #tpu.memory_space<vmem_shared>>) target(%arg11 : memref<24x128xf32, #tpu.memory_space<vmem>>) target_semaphore(%run_scoped3A_86 : memref<!tpu.dma_semaphore, #tpu.memory_space<semaphore_mem>>)
        %dma_wait3A_91 = arith.constant 0 : i32
        %dma_wait3A_92 = tpu.memref_slice %arg6[%add3A_63, %dma_wait3A_91] : memref<10016x128xf32, #tpu.memory_space<vmem_shared>> -> memref<24x128xf32, #tpu.memory_space<vmem_shared>>
        %dma_wait3A_93 = arith.constant 0 : i32
        %dma_wait3A_94 = tpu.memref_slice %arg6[%add3A_63, %dma_wait3A_93] : memref<10016x128xf32, #tpu.memory_space<vmem_shared>> -> memref<24x128xf32, #tpu.memory_space<vmem_shared>>
        tpu.wait_dma2 semaphore(%run_scoped3A_86 : memref<!tpu.dma_semaphore, #tpu.memory_space<semaphore_mem>>) src(%dma_wait3A_94 : memref<24x128xf32, #tpu.memory_space<vmem_shared>>) dst(%arg11 : memref<24x128xf32, #tpu.memory_space<vmem>>)
        tpu.yield
      }) : () -> ()
      %mul3A_64 = arith.constant 10000 : i32
      %mul3A_65 = arith.muli %arg0, %mul3A_64 : i32
      %add3A_66 = arith.addi %mul3A_65, %add3A_63 : i32
      %dma_start3A_67 = arith.constant 0 : i32
      %dma_start3A_68 = tpu.memref_slice %arg5[%add3A_66, %dma_start3A_67] : memref<20000x128xf32, #tpu.memory_space<hbm>> -> memref<24x128xf32, #tpu.memory_space<hbm>>
      %dma_start3A_69 = arith.constant 0 : i32
      %dma_start3A_70 = tpu.memref_slice %arg5[%add3A_66, %dma_start3A_69] : memref<20000x128xf32, #tpu.memory_space<hbm>> -> memref<24x128xf32, #tpu.memory_space<hbm>>
      tpu.enqueue_dma source(%arg11 : memref<24x128xf32, #tpu.memory_space<vmem>>) target(%dma_start3A_70 : memref<24x128xf32, #tpu.memory_space<hbm>>) target_semaphore(%arg17 : memref<!tpu.dma_semaphore, #tpu.memory_space<semaphore_mem>>)
      %add3A_71 = arith.constant 24 : i32
      %add3A_72 = arith.addi %add3A_63, %add3A_71 : i32
      "tpu.region"() ({
        %run_scoped3A_86 = tpu.sem_alloc : memref<!tpu.dma_semaphore, #tpu.memory_space<semaphore_mem>>
        %dma_start3A_87 = arith.constant 0 : i32
        %dma_start3A_88 = tpu.memref_slice %arg6[%add3A_72, %dma_start3A_87] : memref<10016x128xf32, #tpu.memory_space<vmem_shared>> -> memref<24x128xf32, #tpu.memory_space<vmem_shared>>
        %dma_start3A_89 = arith.constant 0 : i32
        %dma_start3A_90 = tpu.memref_slice %arg6[%add3A_72, %dma_start3A_89] : memref<10016x128xf32, #tpu.memory_space<vmem_shared>> -> memref<24x128xf32, #tpu.memory_space<vmem_shared>>
        tpu.enqueue_dma source(%dma_start3A_90 : memref<24x128xf32, #tpu.memory_space<vmem_shared>>) target(%arg12 : memref<24x128xf32, #tpu.memory_space<vmem>>) target_semaphore(%run_scoped3A_86 : memref<!tpu.dma_semaphore, #tpu.memory_space<semaphore_mem>>)
        %dma_wait3A_91 = arith.constant 0 : i32
        %dma_wait3A_92 = tpu.memref_slice %arg6[%add3A_72, %dma_wait3A_91] : memref<10016x128xf32, #tpu.memory_space<vmem_shared>> -> memref<24x128xf32, #tpu.memory_space<vmem_shared>>
        %dma_wait3A_93 = arith.constant 0 : i32
        %dma_wait3A_94 = tpu.memref_slice %arg6[%add3A_72, %dma_wait3A_93] : memref<10016x128xf32, #tpu.memory_space<vmem_shared>> -> memref<24x128xf32, #tpu.memory_space<vmem_shared>>
        tpu.wait_dma2 semaphore(%run_scoped3A_86 : memref<!tpu.dma_semaphore, #tpu.memory_space<semaphore_mem>>) src(%dma_wait3A_94 : memref<24x128xf32, #tpu.memory_space<vmem_shared>>) dst(%arg12 : memref<24x128xf32, #tpu.memory_space<vmem>>)
        tpu.yield
      }) : () -> ()
      %mul3A_73 = arith.constant 10000 : i32
      %mul3A_74 = arith.muli %arg0, %mul3A_73 : i32
      %dma_wait3A_75 = arith.constant 0 : i32
      %dma_wait3A_76 = tpu.memref_slice %arg5[%mul3A_74, %dma_wait3A_75] : memref<20000x128xf32, #tpu.memory_space<hbm>> -> memref<24x128xf32, #tpu.memory_space<hbm>>
      %dma_wait3A_77 = arith.constant 0 : i32
      %dma_wait3A_78 = tpu.memref_slice %arg5[%mul3A_74, %dma_wait3A_77] : memref<20000x128xf32, #tpu.memory_space<hbm>> -> memref<24x128xf32, #tpu.memory_space<hbm>>
      tpu.wait_dma2 semaphore(%arg17 : memref<!tpu.dma_semaphore, #tpu.memory_space<semaphore_mem>>) src(%arg11 : memref<24x128xf32, #tpu.memory_space<vmem>>) dst(%dma_wait3A_78 : memref<24x128xf32, #tpu.memory_space<hbm>>)
      %mul3A_79 = arith.constant 10000 : i32
      %mul3A_80 = arith.muli %arg0, %mul3A_79 : i32
      %add3A_81 = arith.addi %mul3A_80, %add3A_72 : i32
      %dma_start3A_82 = arith.constant 0 : i32
      %dma_start3A_83 = tpu.memref_slice %arg5[%add3A_81, %dma_start3A_82] : memref<20000x128xf32, #tpu.memory_space<hbm>> -> memref<24x128xf32, #tpu.memory_space<hbm>>
      %dma_start3A_84 = arith.constant 0 : i32
      %dma_start3A_85 = tpu.memref_slice %arg5[%add3A_81, %dma_start3A_84] : memref<20000x128xf32, #tpu.memory_space<hbm>> -> memref<24x128xf32, #tpu.memory_space<hbm>>
      tpu.enqueue_dma source(%arg12 : memref<24x128xf32, #tpu.memory_space<vmem>>) target(%dma_start3A_85 : memref<24x128xf32, #tpu.memory_space<hbm>>) target_semaphore(%arg17 : memref<!tpu.dma_semaphore, #tpu.memory_space<semaphore_mem>>)
    }
    %scan3A_39 = arith.constant 13 : i32
    %mul3A_40 = arith.constant 10000 : i32
    %mul3A_41 = arith.muli %arg0, %mul3A_40 : i32
    %dma_wait3A = arith.constant 0 : i32
    %dma_wait3A_42 = tpu.memref_slice %arg5[%mul3A_41, %dma_wait3A] : memref<20000x128xf32, #tpu.memory_space<hbm>> -> memref<24x128xf32, #tpu.memory_space<hbm>>
    %dma_wait3A_43 = arith.constant 0 : i32
    %dma_wait3A_44 = tpu.memref_slice %arg5[%mul3A_41, %dma_wait3A_43] : memref<20000x128xf32, #tpu.memory_space<hbm>> -> memref<24x128xf32, #tpu.memory_space<hbm>>
    tpu.wait_dma2 semaphore(%arg17 : memref<!tpu.dma_semaphore, #tpu.memory_space<semaphore_mem>>) src(%arg11 : memref<24x128xf32, #tpu.memory_space<vmem>>) dst(%dma_wait3A_44 : memref<24x128xf32, #tpu.memory_space<hbm>>)
    %eq3A_45 = arith.constant 0 : i32
    %eq3A_46 = arith.cmpi eq, %arg1, %eq3A_45 : i32
    %convert_element_type3A_47 = arith.extui %eq3A_46 : i1 to i32
    %cond3A_48 = arith.constant 0 : i32
    %cond3A_49 = arith.cmpi ne, %convert_element_type3A_47, %cond3A_48 : i32
    scf.if %cond3A_49 {
      "tpu.region"() ({
        %run_scoped3A_54 = tpu.sem_alloc : memref<!tpu.dma_semaphore, #tpu.memory_space<semaphore_mem>>
        %dma_start3A_55 = arith.constant 0 : i32
        %dma_start3A_56 = arith.constant 0 : i32
        %dma_start3A_57 = tpu.memref_slice %arg11[%dma_start3A_55, %dma_start3A_56] : memref<24x128xf32, #tpu.memory_space<vmem>> -> memref<16x128xf32, #tpu.memory_space<vmem>>
        %dma_start3A_58 = arith.constant 9984 : i32
        %dma_start3A_59 = arith.constant 0 : i32
        %dma_start3A_60 = tpu.memref_slice %arg6[%dma_start3A_58, %dma_start3A_59] : memref<10016x128xf32, #tpu.memory_space<vmem_shared>> -> memref<16x128xf32, #tpu.memory_space<vmem_shared>>
        %dma_start3A_61 = arith.constant 0 : i32
        %dma_start3A_62 = arith.constant 0 : i32
        %dma_start3A_63 = tpu.memref_slice %arg11[%dma_start3A_61, %dma_start3A_62] : memref<24x128xf32, #tpu.memory_space<vmem>> -> memref<16x128xf32, #tpu.memory_space<vmem>>
        %dma_start3A_64 = arith.constant 9984 : i32
        %dma_start3A_65 = arith.constant 0 : i32
        %dma_start3A_66 = tpu.memref_slice %arg6[%dma_start3A_64, %dma_start3A_65] : memref<10016x128xf32, #tpu.memory_space<vmem_shared>> -> memref<16x128xf32, #tpu.memory_space<vmem_shared>>
        tpu.enqueue_dma source(%dma_start3A_66 : memref<16x128xf32, #tpu.memory_space<vmem_shared>>) target(%dma_start3A_63 : memref<16x128xf32, #tpu.memory_space<vmem>>) target_semaphore(%run_scoped3A_54 : memref<!tpu.dma_semaphore, #tpu.memory_space<semaphore_mem>>)
        %dma_wait3A_67 = arith.constant 0 : i32
        %dma_wait3A_68 = arith.constant 0 : i32
        %dma_wait3A_69 = tpu.memref_slice %arg11[%dma_wait3A_67, %dma_wait3A_68] : memref<24x128xf32, #tpu.memory_space<vmem>> -> memref<16x128xf32, #tpu.memory_space<vmem>>
        %dma_wait3A_70 = arith.constant 9984 : i32
        %dma_wait3A_71 = arith.constant 0 : i32
        %dma_wait3A_72 = tpu.memref_slice %arg6[%dma_wait3A_70, %dma_wait3A_71] : memref<10016x128xf32, #tpu.memory_space<vmem_shared>> -> memref<16x128xf32, #tpu.memory_space<vmem_shared>>
        %dma_wait3A_73 = arith.constant 0 : i32
        %dma_wait3A_74 = arith.constant 0 : i32
        %dma_wait3A_75 = tpu.memref_slice %arg11[%dma_wait3A_73, %dma_wait3A_74] : memref<24x128xf32, #tpu.memory_space<vmem>> -> memref<16x128xf32, #tpu.memory_space<vmem>>
        %dma_wait3A_76 = arith.constant 9984 : i32
        %dma_wait3A_77 = arith.constant 0 : i32
        %dma_wait3A_78 = tpu.memref_slice %arg6[%dma_wait3A_76, %dma_wait3A_77] : memref<10016x128xf32, #tpu.memory_space<vmem_shared>> -> memref<16x128xf32, #tpu.memory_space<vmem_shared>>
        tpu.wait_dma2 semaphore(%run_scoped3A_54 : memref<!tpu.dma_semaphore, #tpu.memory_space<semaphore_mem>>) src(%dma_wait3A_78 : memref<16x128xf32, #tpu.memory_space<vmem_shared>>) dst(%dma_wait3A_75 : memref<16x128xf32, #tpu.memory_space<vmem>>)
        tpu.yield
      }) : () -> ()
      %mul3A_50 = arith.constant 10000 : i32
      %mul3A_51 = arith.muli %arg0, %mul3A_50 : i32
      %add3A_52 = arith.constant 9984 : i32
      %add3A_53 = arith.addi %mul3A_51, %add3A_52 : i32
      "tpu.region"() ({
        %run_scoped3A_54 = tpu.sem_alloc : memref<!tpu.dma_semaphore, #tpu.memory_space<semaphore_mem>>
        %dma_start3A_55 = arith.constant 0 : i32
        %dma_start3A_56 = arith.constant 0 : i32
        %dma_start3A_57 = tpu.memref_slice %arg11[%dma_start3A_55, %dma_start3A_56] : memref<24x128xf32, #tpu.memory_space<vmem>> -> memref<16x128xf32, #tpu.memory_space<vmem>>
        %dma_start3A_58 = arith.constant 0 : i32
        %dma_start3A_59 = tpu.memref_slice %arg5[%add3A_53, %dma_start3A_58] : memref<20000x128xf32, #tpu.memory_space<hbm>> -> memref<16x128xf32, #tpu.memory_space<hbm>>
        %dma_start3A_60 = arith.constant 0 : i32
        %dma_start3A_61 = tpu.memref_slice %arg5[%add3A_53, %dma_start3A_60] : memref<20000x128xf32, #tpu.memory_space<hbm>> -> memref<16x128xf32, #tpu.memory_space<hbm>>
        %dma_start3A_62 = arith.constant 0 : i32
        %dma_start3A_63 = arith.constant 0 : i32
        %dma_start3A_64 = tpu.memref_slice %arg11[%dma_start3A_62, %dma_start3A_63] : memref<24x128xf32, #tpu.memory_space<vmem>> -> memref<16x128xf32, #tpu.memory_space<vmem>>
        tpu.enqueue_dma source(%dma_start3A_64 : memref<16x128xf32, #tpu.memory_space<vmem>>) target(%dma_start3A_61 : memref<16x128xf32, #tpu.memory_space<hbm>>) target_semaphore(%run_scoped3A_54 : memref<!tpu.dma_semaphore, #tpu.memory_space<semaphore_mem>>)
        %dma_wait3A_65 = arith.constant 0 : i32
        %dma_wait3A_66 = arith.constant 0 : i32
        %dma_wait3A_67 = tpu.memref_slice %arg11[%dma_wait3A_65, %dma_wait3A_66] : memref<24x128xf32, #tpu.memory_space<vmem>> -> memref<16x128xf32, #tpu.memory_space<vmem>>
        %dma_wait3A_68 = arith.constant 0 : i32
        %dma_wait3A_69 = tpu.memref_slice %arg5[%add3A_53, %dma_wait3A_68] : memref<20000x128xf32, #tpu.memory_space<hbm>> -> memref<16x128xf32, #tpu.memory_space<hbm>>
        %dma_wait3A_70 = arith.constant 0 : i32
        %dma_wait3A_71 = tpu.memref_slice %arg5[%add3A_53, %dma_wait3A_70] : memref<20000x128xf32, #tpu.memory_space<hbm>> -> memref<16x128xf32, #tpu.memory_space<hbm>>
        %dma_wait3A_72 = arith.constant 0 : i32
        %dma_wait3A_73 = arith.constant 0 : i32
        %dma_wait3A_74 = tpu.memref_slice %arg11[%dma_wait3A_72, %dma_wait3A_73] : memref<24x128xf32, #tpu.memory_space<vmem>> -> memref<16x128xf32, #tpu.memory_space<vmem>>
        tpu.wait_dma2 semaphore(%run_scoped3A_54 : memref<!tpu.dma_semaphore, #tpu.memory_space<semaphore_mem>>) src(%dma_wait3A_74 : memref<16x128xf32, #tpu.memory_space<vmem>>) dst(%dma_wait3A_71 : memref<16x128xf32, #tpu.memory_space<hbm>>)
        tpu.yield
      }) : () -> ()
    } else {
    }
    return
  }
}

module attributes {stable_mosaic.version = 14 : i64} {
  func.func @_tc_body(%arg0: i32, %arg1: memref<2x2000x128xf32, #tpu.memory_space<vmem>>, %arg2: memref<2000x32xf32, #tpu.memory_space<vmem>>, %arg3: memref<2000x128xf32, #tpu.memory_space<vmem>>, %arg4: memref<128x128xf32, #tpu.memory_space<vmem>>, %arg5: memref<1x128xf32, #tpu.memory_space<vmem>>, %arg6: memref<2000x128xf32, #tpu.memory_space<vmem>>) attributes {dimension_semantics = [#tpu.dimension_semantics<arbitrary>], iteration_bounds = array<i64: 5>, scalar_prefetch = 0 : i64, scratch_operands = 0 : i64, tpu.core_type = #tpu.core_type<tc>, window_params = [{transform_indices = @transform_0, window_bounds = array<i64: 2, 2000, 128>}, {transform_indices = @transform_1, window_bounds = array<i64: 2000, 32>}, {transform_indices = @transform_2, window_bounds = array<i64: 2000, 128>}, {pipeline_mode = #tpu.pipeline_mode<synchronous>, transform_indices = @transform_3, window_bounds = array<i64: 128, 128>}, {pipeline_mode = #tpu.pipeline_mode<synchronous>, transform_indices = @transform_4, window_bounds = array<i64: 1, 128>}, {transform_indices = @transform_5, window_bounds = array<i64: 2000, 128>}]} {
    %get3A = arith.constant 0 : index
    %get3A_0 = arith.constant 0 : index
    %get3A_1 = arith.constant 0 : index
    %get3A_2 = vector.load %arg1[%get3A, %get3A_0, %get3A_1] : memref<2x2000x128xf32, #tpu.memory_space<vmem>>, vector<1x2000x128xf32>
    %get3A_3 = vector.shape_cast %get3A_2 : vector<1x2000x128xf32> to vector<2000x128xf32>
    %get3A_4 = arith.constant 1 : index
    %get3A_5 = arith.constant 0 : index
    %get3A_6 = arith.constant 0 : index
    %get3A_7 = vector.load %arg1[%get3A_4, %get3A_5, %get3A_6] : memref<2x2000x128xf32, #tpu.memory_space<vmem>>, vector<1x2000x128xf32>
    %get3A_8 = vector.shape_cast %get3A_7 : vector<1x2000x128xf32> to vector<2000x128xf32>
    %add3A = arith.addf %get3A_3, %get3A_8 : vector<2000x128xf32>
    %get3A_9 = arith.constant 0 : index
    %get3A_10 = arith.constant 0 : index
    %get3A_11 = vector.load %arg2[%get3A_9, %get3A_10] : memref<2000x32xf32, #tpu.memory_space<vmem>>, vector<2000x32xf32>
    %reduce_sum3A = arith.constant dense<0.000000e+00> : vector<2000xf32>
    %reduce_sum3A_12 = vector.multi_reduction <add>, %get3A_11, %reduce_sum3A [1] : vector<2000x32xf32> to vector<2000xf32>
    %broadcast_in_dim3A = vector.shape_cast %reduce_sum3A_12 : vector<2000xf32> to vector<2000x1xf32>
    %max3A = arith.constant 1.000000e+00 : f32
    %max3A_13 = vector.broadcast %max3A : f32 to vector<2000x1xf32>
    %max3A_14 = arith.maximumf %broadcast_in_dim3A, %max3A_13 : vector<2000x1xf32>
    %div3A = vector.broadcast %max3A_14 : vector<2000x1xf32> to vector<2000x128xf32>
    %div3A_15 = arith.divf %add3A, %div3A : vector<2000x128xf32>
    %get3A_16 = arith.constant 0 : index
    %get3A_17 = arith.constant 0 : index
    %get3A_18 = vector.load %arg4[%get3A_16, %get3A_17] : memref<128x128xf32, #tpu.memory_space<vmem>>, vector<128x128xf32>
    %dot_general3A = arith.constant dense<0.000000e+00> : vector<2000x128xf32>
    %dot_general3A_19 = tpu.matmul %div3A_15, %get3A_18, %dot_general3A {dimension_numbers = #tpu.dot_dimension_numbers<[1], [0], [0], [1], [0, 0, 1, 1], [], []>, transpose_lhs_hint = false} : vector<2000x128xf32>, vector<128x128xf32>, vector<2000x128xf32> -> vector<2000x128xf32>
    %get3A_20 = arith.constant 0 : index
    %get3A_21 = arith.constant 0 : index
    %get3A_22 = vector.load %arg5[%get3A_20, %get3A_21] : memref<1x128xf32, #tpu.memory_space<vmem>>, vector<1x128xf32>
    %add3A_23 = vector.broadcast %get3A_22 : vector<1x128xf32> to vector<2000x128xf32>
    %add3A_24 = arith.addf %dot_general3A_19, %add3A_23 : vector<2000x128xf32>
    %max3A_25 = arith.constant 0.000000e+00 : f32
    %max3A_26 = vector.broadcast %max3A_25 : f32 to vector<2000x128xf32>
    %max3A_27 = arith.maximumf %add3A_24, %max3A_26 : vector<2000x128xf32>
    %get3A_28 = arith.constant 0 : index
    %get3A_29 = arith.constant 0 : index
    %get3A_30 = vector.load %arg3[%get3A_28, %get3A_29] : memref<2000x128xf32, #tpu.memory_space<vmem>>, vector<2000x128xf32>
    %add3A_31 = arith.addf %max3A_27, %get3A_30 : vector<2000x128xf32>
    %swap3A = arith.constant 0 : index
    %swap3A_32 = arith.constant 0 : index
    %swap3A_33 = vector.load %arg6[%swap3A, %swap3A_32] : memref<2000x128xf32, #tpu.memory_space<vmem>>, vector<2000x128xf32>
    tpu.vector_store %arg6[%swap3A, %swap3A_32], %add3A_31 {strides = array<i32>} : memref<2000x128xf32, #tpu.memory_space<vmem>>, vector<2000x128xf32>,
    return
  }
  func.func @transform_0(%arg0: i32) -> (i32, i32, i32) {
    %c0_i32 = arith.constant 0 : i32
    %c0_i32_0 = arith.constant 0 : i32
    %c0_i32_1 = arith.constant 0 : i32
    return %c0_i32, %arg0, %c0_i32_0 : i32, i32, i32
  }
  func.func @transform_1(%arg0: i32) -> (i32, i32) {
    %c0_i32 = arith.constant 0 : i32
    %c0_i32_0 = arith.constant 0 : i32
    return %arg0, %c0_i32 : i32, i32
  }
  func.func @transform_2(%arg0: i32) -> (i32, i32) {
    %c0_i32 = arith.constant 0 : i32
    %c0_i32_0 = arith.constant 0 : i32
    return %arg0, %c0_i32 : i32, i32
  }
  func.func @transform_3(%arg0: i32) -> (i32, i32) {
    %c0_i32 = arith.constant 0 : i32
    %c0_i32_0 = arith.constant 0 : i32
    %c0_i32_1 = arith.constant 0 : i32
    return %c0_i32, %c0_i32_0 : i32, i32
  }
  func.func @transform_4(%arg0: i32) -> (i32, i32) {
    %c0_i32 = arith.constant 0 : i32
    %c0_i32_0 = arith.constant 0 : i32
    %c0_i32_1 = arith.constant 0 : i32
    return %c0_i32, %c0_i32_0 : i32, i32
  }
  func.func @transform_5(%arg0: i32) -> (i32, i32) {
    %c0_i32 = arith.constant 0 : i32
    %c0_i32_0 = arith.constant 0 : i32
    return %arg0, %c0_i32 : i32, i32
  }
}

module attributes {stable_mosaic.version = 14 : i64} {
  func.func @_tc_body(%arg0: i32, %arg1: memref<2x2000x128xf32, #tpu.memory_space<vmem>>, %arg2: memref<2000x32xf32, #tpu.memory_space<vmem>>, %arg3: memref<2000x128xf32, #tpu.memory_space<vmem>>, %arg4: memref<128x128xf32, #tpu.memory_space<vmem>>, %arg5: memref<1x128xf32, #tpu.memory_space<vmem>>, %arg6: memref<2000x128xf32, #tpu.memory_space<vmem>>) attributes {dimension_semantics = [#tpu.dimension_semantics<arbitrary>], iteration_bounds = array<i64: 5>, scalar_prefetch = 0 : i64, scratch_operands = 0 : i64, tpu.core_type = #tpu.core_type<tc>, window_params = [{transform_indices = @transform_0, window_bounds = array<i64: 2, 2000, 128>}, {transform_indices = @transform_1, window_bounds = array<i64: 2000, 32>}, {transform_indices = @transform_2, window_bounds = array<i64: 2000, 128>}, {pipeline_mode = #tpu.pipeline_mode<synchronous>, transform_indices = @transform_3, window_bounds = array<i64: 128, 128>}, {pipeline_mode = #tpu.pipeline_mode<synchronous>, transform_indices = @transform_4, window_bounds = array<i64: 1, 128>}, {transform_indices = @transform_5, window_bounds = array<i64: 2000, 128>}]} {
    %get3A = arith.constant 0 : index
    %get3A_0 = arith.constant 0 : index
    %get3A_1 = arith.constant 0 : index
    %get3A_2 = vector.load %arg1[%get3A, %get3A_0, %get3A_1] : memref<2x2000x128xf32, #tpu.memory_space<vmem>>, vector<1x2000x128xf32>
    %get3A_3 = vector.shape_cast %get3A_2 : vector<1x2000x128xf32> to vector<2000x128xf32>
    %get3A_4 = arith.constant 1 : index
    %get3A_5 = arith.constant 0 : index
    %get3A_6 = arith.constant 0 : index
    %get3A_7 = vector.load %arg1[%get3A_4, %get3A_5, %get3A_6] : memref<2x2000x128xf32, #tpu.memory_space<vmem>>, vector<1x2000x128xf32>
    %get3A_8 = vector.shape_cast %get3A_7 : vector<1x2000x128xf32> to vector<2000x128xf32>
    %add3A = arith.addf %get3A_3, %get3A_8 : vector<2000x128xf32>
    %get3A_9 = arith.constant 0 : index
    %get3A_10 = arith.constant 0 : index
    %get3A_11 = vector.load %arg2[%get3A_9, %get3A_10] : memref<2000x32xf32, #tpu.memory_space<vmem>>, vector<2000x32xf32>
    %reduce_sum3A = arith.constant dense<0.000000e+00> : vector<2000xf32>
    %reduce_sum3A_12 = vector.multi_reduction <add>, %get3A_11, %reduce_sum3A [1] : vector<2000x32xf32> to vector<2000xf32>
    %broadcast_in_dim3A = vector.shape_cast %reduce_sum3A_12 : vector<2000xf32> to vector<2000x1xf32>
    %max3A = arith.constant 1.000000e+00 : f32
    %max3A_13 = vector.broadcast %max3A : f32 to vector<2000x1xf32>
    %max3A_14 = arith.maximumf %broadcast_in_dim3A, %max3A_13 : vector<2000x1xf32>
    %div3A = vector.broadcast %max3A_14 : vector<2000x1xf32> to vector<2000x128xf32>
    %div3A_15 = arith.divf %add3A, %div3A : vector<2000x128xf32>
    %get3A_16 = arith.constant 0 : index
    %get3A_17 = arith.constant 0 : index
    %get3A_18 = vector.load %arg4[%get3A_16, %get3A_17] : memref<128x128xf32, #tpu.memory_space<vmem>>, vector<128x128xf32>
    %dot_general3A = arith.constant dense<0.000000e+00> : vector<2000x128xf32>
    %dot_general3A_19 = tpu.matmul %div3A_15, %get3A_18, %dot_general3A {dimension_numbers = #tpu.dot_dimension_numbers<[1], [0], [0], [1], [0, 0, 1, 1], [], []>, transpose_lhs_hint = false} : vector<2000x128xf32>, vector<128x128xf32>, vector<2000x128xf32> -> vector<2000x128xf32>
    %get3A_20 = arith.constant 0 : index
    %get3A_21 = arith.constant 0 : index
    %get3A_22 = vector.load %arg5[%get3A_20, %get3A_21] : memref<1x128xf32, #tpu.memory_space<vmem>>, vector<1x128xf32>
    %add3A_23 = vector.broadcast %get3A_22 : vector<1x128xf32> to vector<2000x128xf32>
    %add3A_24 = arith.addf %dot_general3A_19, %add3A_23 : vector<2000x128xf32>
    %max3A_25 = arith.constant 0.000000e+00 : f32
    %max3A_26 = vector.broadcast %max3A_25 : f32 to vector<2000x128xf32>
    %max3A_27 = arith.maximumf %add3A_24, %max3A_26 : vector<2000x128xf32>
    %get3A_28 = arith.constant 0 : index
    %get3A_29 = arith.constant 0 : index
    %get3A_30 = vector.load %arg3[%get3A_28, %get3A_29] : memref<2000x128xf32, #tpu.memory_space<vmem>>, vector<2000x128xf32>
    %add3A_31 = arith.addf %max3A_27, %get3A_30 : vector<2000x128xf32>
    %swap3A = arith.constant 0 : index
    %swap3A_32 = arith.constant 0 : index
    %swap3A_33 = vector.load %arg6[%swap3A, %swap3A_32] : memref<2000x128xf32, #tpu.memory_space<vmem>>, vector<2000x128xf32>
    tpu.vector_store %arg6[%swap3A, %swap3A_32], %add3A_31 {strides = array<i32>} : memref<2000x128xf32, #tpu.memory_space<vmem>>, vector<2000x128xf32>,
    return
  }
  func.func @transform_0(%arg0: i32) -> (i32, i32, i32) {
    %c0_i32 = arith.constant 0 : i32
    %c0_i32_0 = arith.constant 0 : i32
    %c0_i32_1 = arith.constant 0 : i32
    return %c0_i32, %arg0, %c0_i32_0 : i32, i32, i32
  }
  func.func @transform_1(%arg0: i32) -> (i32, i32) {
    %c0_i32 = arith.constant 0 : i32
    %c0_i32_0 = arith.constant 0 : i32
    return %arg0, %c0_i32 : i32, i32
  }
  func.func @transform_2(%arg0: i32) -> (i32, i32) {
    %c0_i32 = arith.constant 0 : i32
    %c0_i32_0 = arith.constant 0 : i32
    return %arg0, %c0_i32 : i32, i32
  }
  func.func @transform_3(%arg0: i32) -> (i32, i32) {
    %c0_i32 = arith.constant 0 : i32
    %c0_i32_0 = arith.constant 0 : i32
    %c0_i32_1 = arith.constant 0 : i32
    return %c0_i32, %c0_i32_0 : i32, i32
  }
  func.func @transform_4(%arg0: i32) -> (i32, i32) {
    %c0_i32 = arith.constant 0 : i32
    %c0_i32_0 = arith.constant 0 : i32
    %c0_i32_1 = arith.constant 0 : i32
    return %c0_i32, %c0_i32_0 : i32, i32
  }
  func.func @transform_5(%arg0: i32) -> (i32, i32) {
    %c0_i32 = arith.constant 0 : i32
    %c0_i32_0 = arith.constant 0 : i32
    return %arg0, %c0_i32 : i32, i32
  }
}

</mosaic_0001>

<sc_bundles>
// kernel: kernel.6.cloned.1.call-start
scs
__scs_entry_jumppad:
0x0: {  	(pc) =	sbr.rel $0x88, $3  }
0x1: {  	(tag) =	ssettag $0x0;
	lr =	simm.s32 $0x1  }
0x2: {  	[smem:$0x3F9B] =	sst lr;
	_ =	strace $0xD0000000  }
0x3: {  	_ = 	snop  }
0x4: {  	_ = 	snop  }
0x5: {  	_ = 	snop  }
0x6: {  	_ = 	snop  }
0x7: {  	_ = 	snop  }
__scs_overlays_trampoline_lowered:
0x8: {  	[smem:$0x3FAA] =	sst s0  }
0x9: {  	[smem:$0x3FAB] =	sst s1  }
0xa: {  	[smem:$0x3FAC] =	sst s2  }
0xb: {  	[smem:$0x3FAD] =	sst s3  }
0xc: {  	[smem:$0x3FAE] =	sst s4  }
0xd: {  	[smem:$0x3FAF] =	sst s5  }
0xe: {  	[smem:$0x3FB0] =	sst s6  }
0xf: {  	[smem:$0x3FB1] =	sst s7  }
0x10: {  	[smem:$0x3FB2] =	sst s8  }
0x11: {  	[smem:$0x3FB3] =	sst s9;
	s0 =	simm.s32 @!p0 $0x0  }
0x12: {  	s1 =	sld [smem:$0x3F99];
	s0 =	simm.s32 @p0 $0x1  }
0x13: {  	[smem:$0x3FB4] =	sst s0;
	s0 =	simm.s32 @!p1 $0x0  }
0x14: {  	s2 =	sld [smem:$0x3F98];
	s0 =	simm.s32 @p1 $0x1  }
0x15: {  	[smem:$0x3FB5] =	sst s0;
	s0 =	simm.s32 @!p2 $0x0  }
0x16: {  	s3 =	sld [smem:$0x3FDB];
	s0 =	simm.s32 @p2 $0x1  }
0x17: {  	s4 =	simm.s32 $0x1BF5;
	[smem:$0x3FB7] =	sst s0  }
0x18: {  	s0 =	sld [smem:$0x3F9A];
	_ =	swait.ge [sflag:s4], $0x0  }
0x19: {  	s7 =	sld [smem:$0x3F9B]  }
0x1a: {  	s8 =	sadd.s32 $0xFFFFE003, lr  }
0x1b: {  	s9 =	sadd.s32 $0xFFFFFEF7, lr;
	s5 =	simm.s32 $0xFFFFFFFF;
	p2 =	slt.u32 s8, $0xFFFFF086  }
0x1c: {  	p1 =	slt.u32 s9, $0xF7A;
	s5 =	simm.s32 @!p2 $0x0  }
0x1d: {  	s5 =	simm.s32 @p1 $0x1;
	p0 =	seq.s32 s7, s2  }
0x1e: {  	s7 =	smul.u32 @!p0 $0xF7A, s2;
	p2 =	seq.s32 @!p0 s5, $0x0  }
0x1f: {  	s9 =	smul.u32 $0xF7A, s1;
	s8 =	simm.s32 @!p0 $0x1BF5;
	p2 =	por !p2, p0  }
0x20: {  	[sflag:s8] =	ssyncset.s32 @!p0 $0xFFFFF086;
	s6 =	sadd.s32 @!p0 s3, s7;
	s7 =	simm.s32 @!p0 $0x108  }
0x21: {  	s3 =	sadd.s32 s3, s9;
	s6 =	sadd.s32 @!p0 $0x88, s6;
	s7 =	simm.s32 @p2 $0x1082  }
0x22: {  	[simem:s7], [sflag:s8] =	dma.local @!p0 [hbm:s6], $0xF7A  }
0x23: {  	s9 =	sor.u32 $0xD0000000, s2;
	s6 =	simm.s32 $0x108;
	_ =	swait.ge @!p0 [sflag:s8], $0x0  }
0x24: {  	s3 =	sadd.s32 $0x88, s3;
	s6 =	simm.s32 @!p1 $0x1082;
	[sflag:s4] =	ssyncset.s32 $0xFFFFF086  }
0x25: {  	[simem:s6], [sflag:s4] =	dma.local [hbm:s3], $0xF7A  }
0x26: {  	[smem:$0x3F9B] =	sst s1;
	(tag) =	ssettag s2;
	_ =	strace s9  }
0x27: {  	s1 =	sld [smem:$0x3FAB]  }
0x28: {  	s2 =	sld [smem:$0x3FAC]  }
0x29: {  	s4 =	sld [smem:$0x3FAE]  }
0x2a: {  	p0 =	seq.s32 s5, $0x0;
	s5 =	sld [smem:$0x3FAF]  }
0x2b: {  	s6 =	sld [smem:$0x3FB0]  }
0x2c: {  	s7 =	sld [smem:$0x3FB1]  }
0x2d: {  	s3 =	simm.s32 $0x108;
	s8 =	sld [smem:$0x3FB2]  }
0x2e: {  	s3 =	simm.s32 @!p0 $0x1082;
	s9 =	sld [smem:$0x3FB3]  }
0x2f: {  	lr =	sadd.s32 s0, s3;
	s0 =	sld [smem:$0x3FAA]  }
0x30: {  	s3 =	sld [smem:$0x3FAD]  }
0x31: {  	[smem:$0x3FB6] =	sst s10  }
0x32: {  	s10 =	sld [smem:$0x3FB4];
	_ =	sdelay $0x3  }
0x33: {  	p0 =	seq.s32 s10, $0x1;
	s10 =	sld [smem:$0x3FB6];
	_ =	sdelay $0x3  }
0x34: {  	[smem:$0x3FB6] =	sst s10  }
0x35: {  	s10 =	sld [smem:$0x3FB5];
	_ =	sdelay $0x3  }
0x36: {  	p1 =	seq.s32 s10, $0x1;
	s10 =	sld [smem:$0x3FB6];
	_ =	sdelay $0x3  }
0x37: {  	[smem:$0x3FB6] =	sst s10  }
0x38: {  	s10 =	sld [smem:$0x3FB7]  }
0x39: {  	_ = 	snop;
	(pc) =	sbr.ind lr, $3  }
0x3a: {  	_ = 	snop  }
0x3b: {  	_ = 	snop  }
0x3c: {  	p2 =	seq.s32 s10, $0x1;
	s10 =	sld [smem:$0x3FB6]  }
0x3d: {  	_ =	shalt  }
0x3e: {  	_ =	shalt  }
0x3f: {  	_ =	shalt  }
0x40: {  	_ =	shalt  }
0x41: {  	_ =	shalt  }
0x42: {  	_ =	shalt  }
0x43: {  	_ =	shalt  }
0x44: {  	_ =	shalt  }
0x45: {  	_ =	shalt  }
0x46: {  	_ =	shalt  }
0x47: {  	_ =	shalt  }
0x48: {  	_ =	shalt  }
0x49: {  	_ =	shalt  }
0x4a: {  	_ =	shalt  }
0x4b: {  	_ =	shalt  }
0x4c: {  	_ =	shalt  }
0x4d: {  	_ =	shalt  }
0x4e: {  	_ =	shalt  }
0x4f: {  	_ =	shalt  }
0x50: {  	_ =	shalt  }
0x51: {  	_ =	shalt  }
0x52: {  	_ =	shalt  }
0x53: {  	_ =	shalt  }
0x54: {  	_ =	shalt  }
0x55: {  	_ =	shalt  }
0x56: {  	_ =	shalt  }
0x57: {  	_ =	shalt  }
0x58: {  	_ =	shalt  }
0x59: {  	_ =	shalt  }
0x5a: {  	_ =	shalt  }
0x5b: {  	_ =	shalt  }
0x5c: {  	_ =	shalt  }
0x5d: {  	_ =	shalt  }
0x5e: {  	_ =	shalt  }
0x5f: {  	_ =	shalt  }
0x60: {  	_ =	shalt  }
0x61: {  	_ =	shalt  }
0x62: {  	_ =	shalt  }
0x63: {  	_ =	shalt  }
0x64: {  	_ =	shalt  }
0x65: {  	_ =	shalt  }
0x66: {  	_ =	shalt  }
0x67: {  	_ =	shalt  }
0x68: {  	_ =	shalt  }
0x69: {  	_ =	shalt  }
0x6a: {  	_ =	shalt  }
0x6b: {  	_ =	shalt  }
0x6c: {  	_ =	shalt  }
0x6d: {  	_ =	shalt  }
0x6e: {  	_ =	shalt  }
0x6f: {  	_ =	shalt  }
0x70: {  	_ =	shalt  }
0x71: {  	_ =	shalt  }
0x72: {  	_ =	shalt  }
0x73: {  	_ =	shalt  }
0x74: {  	_ =	shalt  }
0x75: {  	_ =	shalt  }
0x76: {  	_ =	shalt  }
0x77: {  	_ =	shalt  }
0x78: {  	_ =	shalt  }
0x79: {  	_ =	shalt  }
0x7a: {  	_ =	shalt  }
0x7b: {  	_ =	shalt  }
0x7c: {  	_ =	shalt  }
0x7d: {  	_ =	shalt  }
0x7e: {  	_ =	shalt  }
0x7f: {  	_ =	shalt  }
0x80: {  	_ =	shalt  }
0x81: {  	_ =	shalt  }
0x82: {  	_ =	shalt  }
0x83: {  	_ =	shalt  }
0x84: {  	_ =	shalt  }
0x85: {  	_ =	shalt  }
0x86: {  	_ =	shalt  }
0x87: {  	_ =	shalt  }
.Lfunc_end0:
.L_simem_size_0:
called_computation_lowered:
.L_overlay_start_0:
0x88: {  	s2 =	sld [smem:$0x3FD9]  }
0x89: {  	s3 =	sld [smem:$0x3FFE];
	_ =	sdelay $0x1  }
0x8a: {  	s1 =	srdreg.scid  }
0x8b: {  	s0 =	sand.u32 $0x1, s1  }
0x8c: {  	s17 =	sshll.u32 s0, $0xA;
	s2 =	sadd.s32 s3, s2  }
0x8d: {  	s2 =	sadd.s32 s2, s17  }
0x8e: {  	[smem:$0x3FC2] =	sst s2  }
0x8f: {  	_ = 	snop  }
0x90: {  	s2 =	sld [smem:$0x3FC9]  }
0x91: {  	s18 =	sld [smem:$0x3FD0];
	(tm) =	ssettm $0x1  }
0x92: {  	s4 =	sld [smem:$0x3FFB];
	_ =	sdelay $0x3  }
0x93: {  	_ =	strace s4  }
0x94: {  	s4 =	sld [smem:$0x3FFC];
	_ =	sdelay $0x3  }
0x95: {  	_ =	strace s4  }
0x96: {  	s4 =	sld [smem:$0x3FFD];
	_ =	sdelay $0x3  }
0x97: {  	_ =	strace s4  }
0x98: {  	_ =	strace $0x8FFFFFFF  }
0x99: {  	s19 =	sld [smem:$0x3FDB];
	_ =	sdelay $0x1  }
0x9a: {  	s5 =	simm.s32 $_scs_section_size  }
0x9b: {  	s6 =	simm.s32 $_size__tile_overlayer_lowered;
	s7 =	simm.s32 $_tile_overlayer_lowered  }
0x9c: {  	s22 =	simm.s32 $0x1BFF;
	s21 =	sshll.u32 s7, $0x1;
	s4 =	sadd.s32 s5, s19  }
0x9d: {  	s8 =	simm.s32 $0x0;
	s20 =	sshll.u32 s6, $0x1;
	s6 =	sadd.s32 s21, s4  }
0x9e: {  	[timem:s8], [sflag:s22] =	dma.local [hbm:s6], s20  }
0x9f: {  	_ =	swait.ge [sflag:s22], s20  }
0xa0: {  	s5 =	ssub.s32 $0x0, s20;
	[sflag:s22] =	ssyncset.done $0x0  }
0xa1: {  	[sflag:s22] =	ssyncadd.s32 s5;
	_ =	sdelay $0x1  }
0xa2: {  	s23 =	simm.s32 $0x1B8B  }
0xa3: {  	_ =	swait.ge [sflag:s23], $0x1  }
0xa4: {  	[sflag:s23] =	ssyncset.done $0x0  }
0xa5: {  	s25 =	simm.s32 $0x1B8E;
	s24 =	sld [smem:$0x3FFE];
	[sflag:s23] =	ssyncadd.s32 $0xFFFFFFFF  }
0xa6: {  	s26 =	simm.s32 $execute0_lowered;
	[smem:$0x3FD2] =	sst s25  }
0xa7: {  	s6 =	sshll.u32 s26, $0x1;
	_ =	strace $0x80000046;
	[dreg:$0x1] =	wrdreg $0xFFFFFFFF  }
0xa8: {  	s28 =	simm.s32 $_size_execute0_lowered;
	s4 =	sadd.s32 s4, s6;
	[dreg:$0x0] =	wrdreg $0x0  }
0xa9: {  	s6 =	sshll.u32 s28, $0x1;
	[dreg:$0x2] =	wrdreg s4  }
0xaa: {  	[dreg:$0x3] =	wrdreg s6  }
0xab: {  	[dreg:$0x4] =	wrdreg $0xC0  }
0xac: {  	_ =	task [dreg:s8], $0x5FFFF  }
0xad: {  	[dreg:$0x1] =	wrdreg $0xFFFFFFFF  }
0xae: {  	[dreg:$0x0] =	wrdreg $0x60  }
0xaf: {  	[dreg:$0x2] =	wrdreg s2  }
0xb0: {  	[dreg:$0x3] =	wrdreg s24  }
0xb1: {  	[dreg:$0x4] =	wrdreg s18  }
0xb2: {  	[dreg:$0x5] =	wrdreg $0x0  }
0xb3: {  	[dreg:$0x6] =	wrdreg $0x9  }
0xb4: {  	_ =	task.clear_ibuf [dreg:s8], $0x7FFFF;
	_ =	strace $0x90000046  }
0xb5: {  	s29 =	simm.s32 $0x9;
	_ =	strace $0x80000048  }
0xb6: {  	_ =	swait.ge [sflag:s29], $0x1  }
0xb7: {  	[sflag:s29] =	ssyncadd.s32 $0xFFFFFFFF  }
0xb8: {  	_ =	strace $0x90000048  }
0xb9: {  	_ =	sfence  }
0xba: {  	s30 =	sld [smem:$0x0];
	_ =	sdelay $0x2  }
0xbb: {  	s31 =	sshll.u32 s1, $0xD;
	s1 =	sshrl.u32 s1, $0x2  }
0xbc: {  	s3 =	sand.u32 $0x4000, s31;
	s1 =	sadd.s32 s1, s30  }
0xbd: {  	s0 =	sor.u32 s3, s0;
	s1 =	sshll.u32 s1, $0x11  }
0xbe: {  	s0 =	sor.u32 s1, s0  }
0xbf: {  	s0 =	sadd.s32 $0x8F2B, s0  }
0xc0: {  	[sflag:s0] =	ssyncadd.remote.s32 $0x1  }
0xc1: {  	_ =	sfence.sel $0xFFFF  }
0xc2: {  	[dreg:$0x0] =	wrdreg $0xFFFFFFFF;
	(pc) =	sbr.abs _section_cstart, $3  }
0xc3: {  	[dreg:$0x1] =	wrdreg $0xFFFFFFFF  }
0xc4: {  	_ =	task.clear_ibuf [dreg:s8], $0x2FFFF;
	_ =	strace $0x9FFFFFFF  }
0xc5: {  	(tm) =	ssettm $0x7FFFFFFF  }
tec
execute0_lowered:
.L_overlay_start_1:
0x0: {  	(tag) =	ssettag $0x1  }
0x1: {  	s0 =	rddreg [dreg:$0x0]  }
0x2: {  	s1 =	rddreg [dreg:$0x1]  }
0x3: {  	s4 =	rddreg [dreg:$0x2];
	s3 =	srdreg.scid  }
0x4: {  	s6 =	stileid.u32;
	s2 =	rddreg [dreg:$0x3];
	s28 =	simm.s32 $0x5  }
0x5: {  	s29 =	simm.s32 $0x1;
	s30 =	simm.s32 $0x1D300;
	s14 =	smul.u32 $0x270, s6  }
0x6: {  	s31 =	simm.s32 $0x2;
	s8 =	sand.u32 $0x1, s3;
	s12 =	smul.u32 $0x4E000, s6  }
0x7: {  	s5 =	sshll.u32 s6, $0x1;
	s3 =	simm.s32 $0x0;
	s11 =	smul.u32 $0x138800, s8  }
0x8: {  	s22 =	sadd.s32 $0x16A00, s1;
	s7 =	sor.u32 s8, s5;
	s15 =	smul.u32 $0x2710, s8  }
0x9: {  	[smem:$0x7FF] =	sst s3;
	s23 =	ssub.s32 $0x2, s8;
	s8 =	smul.u32 $0x27100, s8  }
0xa: {  	p0 =	sne.s32 s6, $0x0;
	s5 =	smul.u32 $0xA00, s7;
	_ =	strace $0x80000047  }
0xb: {  	[dreg:$0x5] =	wrdreg s22;
	s10 =	sshrl.u32 s23, $0x1;
	s25 =	smul.u32 $0x4E2, s7  }
0xc: {  	s7 =	sadd.s32 $0x138000, s2;
	s26 =	sadd.s32 $0x18, s14;
	s12 =	sshrl.u32 s12, $0x2  }
0xd: {  	s10 =	ssub.s32 s23, s10;
	s24 =	sshrl.u32 s11, $0x3;
	s4 =	sadd.s32 s4, s25  }
0xe: {  	s11 =	sadd.s32 s12, s2;
	s10 =	smax.u32 s10, $0x1;
	[dreg:$0x8] =	wrdreg s4  }
0xf: {  	s22 =	smul.u32 $0x2700, s6;
	s16 =	sadd.s32 $0x3000, s11;
	[dreg:$0x9] =	wrdreg s10  }
0x10: {  	s13 =	sshll.u32 s26, $0x7;
	s17 =	sadd.s32 $0x3C00, s11;
	[dreg:$0xb] =	wrdreg s16  }
0x11: {  	s21 =	sadd.s32 s15, s14;
	s18 =	sadd.s32 $0x4800, s11;
	[dreg:$0xc] =	wrdreg s17  }
0x12: {  	s9 =	sadd.s32 s5, s1;
	s19 =	sadd.s32 $0x5400, s11;
	[dreg:$0xd] =	wrdreg s18  }
0x13: {  	s1 =	sadd.s32 $0x16C00, s1;
	s20 =	sadd.s32 $0x6000, s11;
	[dreg:$0xe] =	wrdreg s19  }
0x14: {  	s12 =	sadd.s32 s13, s2;
	s6 =	sadd.s32 $0x8400, s11;
	[dreg:$0xf] =	wrdreg s20  }
0x15: {  	s5 =	sadd.s32 $0x2A00, s9;
	s9 =	sadd.s32 $0x2A20, s9;
	[dreg:$0x14] =	wrdreg s6  }
0x16: {  	s13 =	sadd.s32 $0x1800, s11;
	s4 =	sadd.s32 $0x2400, s11;
	[dreg:$0x6] =	wrdreg s9  }
0x17: {  	s8 =	sadd.s32 s8, s1;
	s10 =	sadd.s32 $0xA800, s11;
	[dreg:$0xa] =	wrdreg s4  }
0x18: {  	s16 =	sadd.s32 $0xC000, s11;
	s17 =	sadd.s32 $0xCC00, s11;
	[dreg:$0x17] =	wrdreg s10  }
0x19: {  	s18 =	sadd.s32 $0xD800, s11;
	s19 =	sadd.s32 $0xE400, s11;
	[dreg:$0x19] =	wrdreg s16  }
0x1a: {  	s20 =	sadd.s32 $0xF000, s11;
	s6 =	simm.s32 $0x4;
	[dreg:$0x1a] =	wrdreg s17  }
0x1b: {  	s9 =	sadd.s32 s1, s24;
	s4 =	sshll.u32 s21, $0x4;
	[dreg:$0x1b] =	wrdreg s18  }
0x1c: {  	s24 =	sadd.s32 $0x6C00, s11;
	s25 =	sadd.s32 s22, s8;
	[dreg:$0x1c] =	wrdreg s19  }
0x1d: {  	s8 =	sadd.s32 $0x9000, s11;
	[dreg:$0x1d] =	wrdreg s20;
	s21 =	sadd.s32 $0xFC00, s11  }
0x1e: {  	s22 =	sadd.s32 $0x10800, s11;
	s18 =	simm.s32 $0x13900;
	[dreg:$0x12] =	wrdreg s24  }
0x1f: {  	s19 =	simm.s32 $0x6;
	s20 =	simm.s32 $0x13980;
	[dreg:$0x15] =	wrdreg s8  }
0x20: {  	s9 =	sadd.s32 $0x27000, s9;
	s14 =	sadd.s32 s1, s4;
	[dreg:$0x1e] =	wrdreg s21  }
0x21: {  	s25 =	sadd.s32 $0x300, s25;
	[dreg:$0x1f] =	wrdreg s22;
	s24 =	sadd.s32 $0x12000, s11  }
0x22: {  	s21 =	simm.s32 $0x80;
	s22 =	simm.s32 $0x13B00;
	[dreg:$0x7] =	wrdreg s9  }
0x23: {  	s4 =	simm.s32 $0x3;
	s8 =	simm.s32 $0x1C700;
	[smem:$0x7FC] =	sst s24  }
0x24: {  	s9 =	sadd.s32 s15, s26;
	s26 =	sadd.s32 $0x7800, s11;
	[dreg:$0x10] =	wrdreg s14  }
0x25: {  	s15 =	sadd.s32 $0xB400, s11;
	s17 =	sadd.s32 $0x480, s14;
	[dreg:$0x13] =	wrdreg s26  }
0x26: {  	s23 =	sshll.u32 s9, $0x4;
	s9 =	sadd.s32 $0x9C00, s11;
	[dreg:$0x18] =	wrdreg s15  }
0x27: {  	s24 =	simm.s32 $0x17B00;
	s26 =	sadd.s32 $0x12C00, s11;
	[dreg:$0x16] =	wrdreg s9  }
0x28: {  	s1 =	sadd.s32 s1, s23;
	s23 =	sadd.s32 $0x11400, s11;
	[smem:$0x7FD] =	sst s26  }
0x29: {  	s26 =	simm.s32 $0x1BB00;
	s9 =	simm.s32 $0x0;
	[dreg:$0x11] =	wrdreg s1  }
0x2a: {  	v0 =	vimm.f32 $0.0e+00;
	v1 =	vimm.f32 $1.000000000e+00;
	[smem:$0x7FB] =	sst s23;
	s23 =	simm.s32 $0x13A00;
	s1 =	simm.s32 $0x13A80  }
.LBB2_1:
0x2b: {  	[tilespmem:s18], [sflag:$0x6] =	stream.linear.gather [hbm4b:s5+s3], $0x100, $0x38;
	[tilespmem:$0x1FA20] =	vst v63  }
0x2c: {  	_ =	swait.ge [sflag:s19], $0x100  }
0x2d: {  	[sflag:s19] =	ssyncset.done $0x0  }
0x2e: {  	[sflag:s19] =	ssyncadd.s32 $0xFFFFFF00  }
0x2f: {  	[tilespmem:s22], [sflag:$0x1] =	stream.indirect.gather [hbm4b:s0+s21], $0x80, s18, s21, $0xb8;
	[tilespmem:$0x1FA20] =	vst v63  }
0x30: {  	s10 =	rddreg [dreg:$0x6]  }
0x31: {  	[tilespmem:s23], [sflag:$0x6] =	stream.linear.gather [hbm4b:s10+s3], $0x100, $0x38;
	[tilespmem:$0x1FA20] =	vst v63  }
0x32: {  	_ =	swait.ge [sflag:s19], $0x100  }
0x33: {  	[sflag:s19] =	ssyncset.done $0x0  }
0x34: {  	[sflag:s19] =	ssyncadd.s32 $0xFFFFFF00  }
0x35: {  	[tilespmem:s24], [sflag:$0x2] =	stream.indirect.gather [hbm4b:s0+s21], $0x80, s23, s21, $0xb8;
	[tilespmem:$0x1FA20] =	vst v63  }
0x36: {  	s14 =	rddreg [dreg:$0x5]  }
0x37: {  	[tilespmem:s26], [sflag:$0x6] =	stream.linear.gather [hbm4b:s14+s3], $0xC00, $0x38;
	[tilespmem:$0x1FA20] =	vst v63  }
0x38: {  	_ =	swait.ge [sflag:s19], $0xC00  }
0x39: {  	[sflag:s19] =	ssyncset.done $0x0  }
0x3a: {  	[sflag:s19] =	ssyncadd.s32 $0xFFFFF400  }
0x3b: {  	[spmem:s11] =	stream.linear.scatter [tilespmem:s26], [sflag:$0x5], $0xC00, $0x38;
	[tilespmem:$0x1FA20] =	vst v63  }
0x3c: {  	_ = 	snop  }
0x3d: {  	[spmem:s12] =	stream.linear.scatter [tilespmem:s26], [sflag:$0x5], $0xC00, $0x38;
	[tilespmem:$0x1FA20] =	vst v63  }
0x3e: {  	s15 =	rddreg [dreg:$0xa]  }
0x3f: {  	[spmem:s13] =	stream.linear.scatter [tilespmem:s26], [sflag:$0x5], $0xC00, $0x38;
	[tilespmem:$0x1FA20] =	vst v63  }
0x40: {  	s16 =	rddreg [dreg:$0xb]  }
0x41: {  	[spmem:s15] =	stream.linear.scatter [tilespmem:s26], [sflag:$0x5], $0xC00, $0x38;
	[tilespmem:$0x1FA20] =	vst v63  }
0x42: {  	s14 =	rddreg [dreg:$0xc]  }
0x43: {  	[spmem:s16] =	stream.linear.scatter [tilespmem:s26], [sflag:$0x5], $0xC00, $0x38;
	[tilespmem:$0x1FA20] =	vst v63  }
0x44: {  	s15 =	rddreg [dreg:$0xd]  }
0x45: {  	[spmem:s14] =	stream.linear.scatter [tilespmem:s26], [sflag:$0x5], $0xC00, $0x38;
	[tilespmem:$0x1FA20] =	vst v63  }
0x46: {  	s16 =	rddreg [dreg:$0xe]  }
0x47: {  	[spmem:s15] =	stream.linear.scatter [tilespmem:s26], [sflag:$0x5], $0xC00, $0x38;
	[tilespmem:$0x1FA20] =	vst v63  }
0x48: {  	s14 =	rddreg [dreg:$0xf]  }
0x49: {  	[spmem:s16] =	stream.linear.scatter [tilespmem:s26], [sflag:$0x5], $0xC00, $0x38;
	[tilespmem:$0x1FA20] =	vst v63  }
0x4a: {  	s15 =	rddreg [dreg:$0x12]  }
0x4b: {  	[spmem:s14] =	stream.linear.scatter [tilespmem:s26], [sflag:$0x5], $0xC00, $0x38;
	[tilespmem:$0x1FA20] =	vst v63  }
0x4c: {  	s16 =	rddreg [dreg:$0x13]  }
0x4d: {  	[spmem:s15] =	stream.linear.scatter [tilespmem:s26], [sflag:$0x5], $0xC00, $0x38;
	[tilespmem:$0x1FA20] =	vst v63  }
0x4e: {  	s14 =	rddreg [dreg:$0x14]  }
0x4f: {  	[spmem:s16] =	stream.linear.scatter [tilespmem:s26], [sflag:$0x5], $0xC00, $0x38;
	[tilespmem:$0x1FA20] =	vst v63  }
0x50: {  	s15 =	rddreg [dreg:$0x15]  }
0x51: {  	[spmem:s14] =	stream.linear.scatter [tilespmem:s26], [sflag:$0x5], $0xC00, $0x38;
	[tilespmem:$0x1FA20] =	vst v63  }
0x52: {  	s16 =	rddreg [dreg:$0x16]  }
0x53: {  	[spmem:s15] =	stream.linear.scatter [tilespmem:s26], [sflag:$0x5], $0xC00, $0x38;
	[tilespmem:$0x1FA20] =	vst v63  }
0x54: {  	s14 =	rddreg [dreg:$0x17]  }
0x55: {  	[spmem:s16] =	stream.linear.scatter [tilespmem:s26], [sflag:$0x5], $0xC00, $0x38;
	[tilespmem:$0x1FA20] =	vst v63  }
0x56: {  	s15 =	rddreg [dreg:$0x18]  }
0x57: {  	[spmem:s14] =	stream.linear.scatter [tilespmem:s26], [sflag:$0x5], $0xC00, $0x38;
	[tilespmem:$0x1FA20] =	vst v63  }
0x58: {  	s16 =	rddreg [dreg:$0x19]  }
0x59: {  	[spmem:s15] =	stream.linear.scatter [tilespmem:s26], [sflag:$0x5], $0xC00, $0x38;
	[tilespmem:$0x1FA20] =	vst v63  }
0x5a: {  	s14 =	rddreg [dreg:$0x1a]  }
0x5b: {  	[spmem:s16] =	stream.linear.scatter [tilespmem:s26], [sflag:$0x5], $0xC00, $0x38;
	[tilespmem:$0x1FA20] =	vst v63  }
0x5c: {  	s15 =	rddreg [dreg:$0x1b]  }
0x5d: {  	[spmem:s14] =	stream.linear.scatter [tilespmem:s26], [sflag:$0x5], $0xC00, $0x38;
	[tilespmem:$0x1FA20] =	vst v63  }
0x5e: {  	s16 =	rddreg [dreg:$0x1c]  }
0x5f: {  	[spmem:s15] =	stream.linear.scatter [tilespmem:s26], [sflag:$0x5], $0xC00, $0x38;
	[tilespmem:$0x1FA20] =	vst v63  }
0x60: {  	s14 =	rddreg [dreg:$0x1d]  }
0x61: {  	[spmem:s16] =	stream.linear.scatter [tilespmem:s26], [sflag:$0x5], $0xC00, $0x38;
	[tilespmem:$0x1FA20] =	vst v63  }
0x62: {  	s15 =	rddreg [dreg:$0x1e]  }
0x63: {  	[spmem:s14] =	stream.linear.scatter [tilespmem:s26], [sflag:$0x5], $0xC00, $0x38;
	[tilespmem:$0x1FA20] =	vst v63  }
0x64: {  	s16 =	rddreg [dreg:$0x1f]  }
0x65: {  	[spmem:s15] =	stream.linear.scatter [tilespmem:s26], [sflag:$0x5], $0xC00, $0x38;
	[tilespmem:$0x1FA20] =	vst v63  }
0x66: {  	s14 =	sld [smem:$0x7FB]  }
0x67: {  	[spmem:s16] =	stream.linear.scatter [tilespmem:s26], [sflag:$0x5], $0xC00, $0x38;
	[tilespmem:$0x1FA20] =	vst v63  }
0x68: {  	s15 =	sld [smem:$0x7FC]  }
0x69: {  	[spmem:s14] =	stream.linear.scatter [tilespmem:s26], [sflag:$0x5], $0xC00, $0x38;
	[tilespmem:$0x1FA20] =	vst v63  }
0x6a: {  	s16 =	sld [smem:$0x7FD]  }
0x6b: {  	[spmem:s15] =	stream.linear.scatter [tilespmem:s26], [sflag:$0x5], $0xC00, $0x38;
	[tilespmem:$0x1FA20] =	vst v63  }
0x6c: {  	_ = 	snop  }
0x6d: {  	[spmem:s16] =	stream.linear.scatter [tilespmem:s26], [sflag:$0x5], $0xC00, $0x38;
	[tilespmem:$0x1FA20] =	vst v63  }
0x6e: {  	s10 =	simm.s32 @!p0 $0x1BB00  }
0x6f: {  	[spmem:s7] =	stream.linear.scatter @!p0 [tilespmem:s10], [sflag:$0x6], $0x800, $0x38;
	[tilespmem:$0x1FA20] =	vst v63  }
0x70: {  	s10 =	simm.s32 @!p0 $0x6  }
0x71: {  	_ =	swait.ge @!p0 [sflag:s10], $0x800  }
0x72: {  	[sflag:s10] =	ssyncset.done @!p0 $0x0  }
0x73: {  	s14 =	simm.s32 $0x0;
	[sflag:s10] =	ssyncadd.s32 @!p0 $0xFFFFF800;
	s10 =	simm.s32 $0x40  }
.LBB2_2:
0x74: {  	p1 =	sne.s32 s10, $0x9C40;
	[tilespmem:s14+$0x1D300] =	vst v0;
	s14 =	smov.u32 s10;
	s10 =	sadd.s32 $0x40, s10  }
.Ltmp0:
0x75: {  	(pc) =	sbr.rel @p1 .LBB2_2-.Ltmp0, $2  }
0x76: {  	_ =	sdelay $0x2  }
0x77: {  	s14 =	sshra.s32 s14, $0x2  }
0x78: {  	[tilespmem:s14+$0x1D300] =	vst v0  }
0x79: {  	_ =	swait.ge [sflag:s28], $0xC00  }
0x7a: {  	[sflag:s28] =	ssyncset.done $0x0  }
0x7b: {  	[sflag:s28] =	ssyncadd.s32 $0xFFFFF400  }
0x7c: {  	_ =	swait.ge [sflag:s28], $0xC00  }
0x7d: {  	[sflag:s28] =	ssyncset.done $0x0  }
0x7e: {  	[sflag:s28] =	ssyncadd.s32 $0xFFFFF400  }
0x7f: {  	_ =	swait.ge [sflag:s28], $0xC00  }
0x80: {  	[sflag:s28] =	ssyncset.done $0x0  }
0x81: {  	[sflag:s28] =	ssyncadd.s32 $0xFFFFF400  }
0x82: {  	_ =	swait.ge [sflag:s28], $0xC00  }
0x83: {  	[sflag:s28] =	ssyncset.done $0x0  }
0x84: {  	[sflag:s28] =	ssyncadd.s32 $0xFFFFF400  }
0x85: {  	_ =	swait.ge [sflag:s28], $0xC00  }
0x86: {  	[sflag:s28] =	ssyncset.done $0x0  }
0x87: {  	[sflag:s28] =	ssyncadd.s32 $0xFFFFF400  }
0x88: {  	_ =	swait.ge [sflag:s28], $0xC00  }
0x89: {  	[sflag:s28] =	ssyncset.done $0x0  }
0x8a: {  	[sflag:s28] =	ssyncadd.s32 $0xFFFFF400  }
0x8b: {  	_ =	swait.ge [sflag:s28], $0xC00  }
0x8c: {  	[sflag:s28] =	ssyncset.done $0x0  }
0x8d: {  	[sflag:s28] =	ssyncadd.s32 $0xFFFFF400  }
0x8e: {  	_ =	swait.ge [sflag:s28], $0xC00  }
0x8f: {  	[sflag:s28] =	ssyncset.done $0x0  }
0x90: {  	[sflag:s28] =	ssyncadd.s32 $0xFFFFF400  }
0x91: {  	_ =	swait.ge [sflag:s28], $0xC00  }
0x92: {  	[sflag:s28] =	ssyncset.done $0x0  }
0x93: {  	[sflag:s28] =	ssyncadd.s32 $0xFFFFF400  }
0x94: {  	_ =	swait.ge [sflag:s28], $0xC00  }
0x95: {  	[sflag:s28] =	ssyncset.done $0x0  }
0x96: {  	[sflag:s28] =	ssyncadd.s32 $0xFFFFF400  }
0x97: {  	_ =	swait.ge [sflag:s28], $0xC00  }
0x98: {  	[sflag:s28] =	ssyncset.done $0x0  }
0x99: {  	[sflag:s28] =	ssyncadd.s32 $0xFFFFF400  }
0x9a: {  	_ =	swait.ge [sflag:s28], $0xC00  }
0x9b: {  	[sflag:s28] =	ssyncset.done $0x0  }
0x9c: {  	[sflag:s28] =	ssyncadd.s32 $0xFFFFF400  }
0x9d: {  	_ =	swait.ge [sflag:s28], $0xC00  }
0x9e: {  	[sflag:s28] =	ssyncset.done $0x0  }
0x9f: {  	[sflag:s28] =	ssyncadd.s32 $0xFFFFF400  }
0xa0: {  	_ =	swait.ge [sflag:s28], $0xC00  }
0xa1: {  	[sflag:s28] =	ssyncset.done $0x0  }
0xa2: {  	[sflag:s28] =	ssyncadd.s32 $0xFFFFF400  }
0xa3: {  	_ =	swait.ge [sflag:s28], $0xC00  }
0xa4: {  	[sflag:s28] =	ssyncset.done $0x0  }
0xa5: {  	[sflag:s28] =	ssyncadd.s32 $0xFFFFF400  }
0xa6: {  	_ =	swait.ge [sflag:s28], $0xC00  }
0xa7: {  	[sflag:s28] =	ssyncset.done $0x0  }
0xa8: {  	[sflag:s28] =	ssyncadd.s32 $0xFFFFF400  }
0xa9: {  	_ =	swait.ge [sflag:s28], $0xC00  }
0xaa: {  	[sflag:s28] =	ssyncset.done $0x0  }
0xab: {  	[sflag:s28] =	ssyncadd.s32 $0xFFFFF400  }
0xac: {  	_ =	swait.ge [sflag:s28], $0xC00  }
0xad: {  	[sflag:s28] =	ssyncset.done $0x0  }
0xae: {  	[sflag:s28] =	ssyncadd.s32 $0xFFFFF400  }
0xaf: {  	_ =	swait.ge [sflag:s28], $0xC00  }
0xb0: {  	[sflag:s28] =	ssyncset.done $0x0  }
0xb1: {  	[sflag:s28] =	ssyncadd.s32 $0xFFFFF400  }
0xb2: {  	_ =	swait.ge [sflag:s28], $0xC00  }
0xb3: {  	[sflag:s28] =	ssyncset.done $0x0  }
0xb4: {  	[sflag:s28] =	ssyncadd.s32 $0xFFFFF400  }
0xb5: {  	_ =	swait.ge [sflag:s28], $0xC00  }
0xb6: {  	[sflag:s28] =	ssyncset.done $0x0  }
0xb7: {  	[sflag:s28] =	ssyncadd.s32 $0xFFFFF400  }
0xb8: {  	_ =	swait.ge [sflag:s28], $0xC00  }
0xb9: {  	[sflag:s28] =	ssyncset.done $0x0  }
0xba: {  	[sflag:s28] =	ssyncadd.s32 $0xFFFFF400  }
0xbb: {  	_ =	swait.ge [sflag:s28], $0xC00  }
0xbc: {  	[sflag:s28] =	ssyncset.done $0x0  }
0xbd: {  	[sflag:s28] =	ssyncadd.s32 $0xFFFFF400  }
0xbe: {  	_ =	swait.ge [sflag:s28], $0xC00  }
0xbf: {  	[sflag:s28] =	ssyncset.done $0x0  }
0xc0: {  	[sflag:s28] =	ssyncadd.s32 $0xFFFFF400  }
0xc1: {  	_ =	swait.ge [sflag:s28], $0xC00  }
0xc2: {  	[sflag:s28] =	ssyncset.done $0x0  }
0xc3: {  	[sflag:s28] =	ssyncadd.s32 $0xFFFFF400  }
0xc4: {  	_ =	swait.ge [sflag:s28], $0xC00  }
0xc5: {  	[sflag:s28] =	ssyncset.done $0x0  }
0xc6: {  	[sflag:s28] =	ssyncadd.s32 $0xFFFFF400  }
0xc7: {  	s10 =	simm.s32 $0xFFFFF640;
	[bflag:$0x0] =	sbarrier.arrive $0xFFFF  }
.LBB2_4:
0xc8: {  	_ =	swait.ge [sflag:s29], $0x4000  }
0xc9: {  	[sflag:s29] =	ssyncset.done $0x0  }
0xca: {  	[sflag:s29] =	ssyncadd.s32 $0xFFFFC000  }
0xcb: {  	[spmem:s2] =	stream.indirect.scatter.add.f32 [tilespmem:s22], [sflag:$0x6], $0x80, s20, s21, $0xb8;
	[tilespmem:$0x1FA20] =	vst v63  }
0xcc: {  	_ =	swait.ge [sflag:s19], $0x4000  }
0xcd: {  	[sflag:s19] =	ssyncset.done $0x0  }
0xce: {  	[sflag:s19] =	ssyncadd.s32 $0xFFFFC000  }
0xcf: {  	v2 =	vld [tilespmem:$0x13980];
	_ =	sdelay $0x7  }
0xd0: {  	[tilespmem:v2+s30+$0x0] =	vst.idx.add.f32.msk $0xffff, v1  }
0xd1: {  	v2 =	vld [tilespmem:$0x13990];
	_ =	sdelay $0x7  }
0xd2: {  	[tilespmem:v2+s30+$0x0] =	vst.idx.add.f32.msk $0xffff, v1  }
0xd3: {  	v2 =	vld [tilespmem:$0x139A0];
	_ =	sdelay $0x7  }
0xd4: {  	[tilespmem:v2+s30+$0x0] =	vst.idx.add.f32.msk $0xffff, v1  }
0xd5: {  	v2 =	vld [tilespmem:$0x139B0];
	_ =	sdelay $0x7  }
0xd6: {  	[tilespmem:v2+s30+$0x0] =	vst.idx.add.f32.msk $0xffff, v1  }
0xd7: {  	v2 =	vld [tilespmem:$0x139C0];
	_ =	sdelay $0x7  }
0xd8: {  	[tilespmem:v2+s30+$0x0] =	vst.idx.add.f32.msk $0xffff, v1  }
0xd9: {  	v2 =	vld [tilespmem:$0x139D0];
	_ =	sdelay $0x7  }
0xda: {  	[tilespmem:v2+s30+$0x0] =	vst.idx.add.f32.msk $0xffff, v1  }
0xdb: {  	v2 =	vld [tilespmem:$0x139E0];
	_ =	sdelay $0x7  }
0xdc: {  	[tilespmem:v2+s30+$0x0] =	vst.idx.add.f32.msk $0xffff, v1  }
0xdd: {  	v2 =	vld [tilespmem:$0x139F0];
	_ =	sdelay $0x6  }
0xde: {  	s14 =	sadd.s32 s10, s5  }
0xdf: {  	s15 =	sadd.s32 $0xA00, s14;
	[tilespmem:v2+s30+$0x0] =	vst.idx.add.f32.msk $0xffff, v1  }
0xe0: {  	[tilespmem:s18], [sflag:$0x3] =	stream.linear.gather [hbm4b:s15+s3], $0x100, $0x38;
	[tilespmem:$0x1FA20] =	vst v63  }
0xe1: {  	_ =	swait.ge [sflag:s31], $0x4000  }
0xe2: {  	[sflag:s31] =	ssyncset.done $0x0  }
0xe3: {  	[sflag:s31] =	ssyncadd.s32 $0xFFFFC000  }
0xe4: {  	[spmem:s2] =	stream.indirect.scatter.add.f32 [tilespmem:s24], [sflag:$0x6], $0x80, s1, s21, $0xb8;
	[tilespmem:$0x1FA20] =	vst v63  }
0xe5: {  	_ =	swait.ge [sflag:s19], $0x4000  }
0xe6: {  	[sflag:s19] =	ssyncset.done $0x0  }
0xe7: {  	[sflag:s19] =	ssyncadd.s32 $0xFFFFC000  }
0xe8: {  	v2 =	vld [tilespmem:$0x13A80];
	_ =	sdelay $0x7  }
0xe9: {  	[tilespmem:v2+s30+$0x0] =	vst.idx.add.f32.msk $0xffff, v1  }
0xea: {  	v2 =	vld [tilespmem:$0x13A90];
	_ =	sdelay $0x7  }
0xeb: {  	[tilespmem:v2+s30+$0x0] =	vst.idx.add.f32.msk $0xffff, v1  }
0xec: {  	v2 =	vld [tilespmem:$0x13AA0];
	_ =	sdelay $0x7  }
0xed: {  	[tilespmem:v2+s30+$0x0] =	vst.idx.add.f32.msk $0xffff, v1  }
0xee: {  	v2 =	vld [tilespmem:$0x13AB0];
	_ =	sdelay $0x7  }
0xef: {  	[tilespmem:v2+s30+$0x0] =	vst.idx.add.f32.msk $0xffff, v1  }
0xf0: {  	v2 =	vld [tilespmem:$0x13AC0];
	_ =	sdelay $0x7  }
0xf1: {  	[tilespmem:v2+s30+$0x0] =	vst.idx.add.f32.msk $0xffff, v1  }
0xf2: {  	v2 =	vld [tilespmem:$0x13AD0];
	_ =	sdelay $0x7  }
0xf3: {  	[tilespmem:v2+s30+$0x0] =	vst.idx.add.f32.msk $0xffff, v1  }
0xf4: {  	v2 =	vld [tilespmem:$0x13AE0];
	_ =	sdelay $0x7  }
0xf5: {  	[tilespmem:v2+s30+$0x0] =	vst.idx.add.f32.msk $0xffff, v1  }
0xf6: {  	v2 =	vld [tilespmem:$0x13AF0];
	_ =	sdelay $0x7  }
0xf7: {  	[tilespmem:v2+s30+$0x0] =	vst.idx.add.f32.msk $0xffff, v1  }
0xf8: {  	_ =	swait.ge [sflag:s4], $0x100  }
0xf9: {  	[sflag:s4] =	ssyncset.done $0x0  }
0xfa: {  	[sflag:s4] =	ssyncadd.s32 $0xFFFFFF00  }
0xfb: {  	[tilespmem:s22], [sflag:$0x1] =	stream.indirect.gather [hbm4b:s0+s21], $0x80, s18, s21, $0xb8;
	[tilespmem:$0x1FA20] =	vst v63  }
0xfc: {  	p1 =	sne.s32 s10, $0xFFFFFFC0;
	s14 =	sadd.s32 $0xA20, s14  }
0xfd: {  	[tilespmem:s23], [sflag:$0x4] =	stream.linear.gather [hbm4b:s14+s3], $0x100, $0x38;
	[tilespmem:$0x1FA20] =	vst v63  }
.Ltmp1:
0xfe: {  	_ = 	snop;
	(pc) =	sbr.rel @p1 .LBB2_4-.Ltmp1, $4  }
0xff: {  	_ =	swait.ge [sflag:s6], $0x100  }
0x100: {  	[sflag:s6] =	ssyncset.done $0x0  }
0x101: {  	s10 =	sadd.s32 $0x40, s10;
	[sflag:s6] =	ssyncadd.s32 $0xFFFFFF00  }
0x102: {  	[tilespmem:s24], [sflag:$0x2] =	stream.indirect.gather [hbm4b:s0+s21], $0x80, s23, s21, $0xb8;
	[tilespmem:$0x1FA20] =	vst v63  }
0x103: {  	_ =	swait.ge [sflag:s29], $0x4000  }
0x104: {  	[sflag:s29] =	ssyncset.done $0x0  }
0x105: {  	[sflag:s29] =	ssyncadd.s32 $0xFFFFC000  }
0x106: {  	[spmem:s2] =	stream.indirect.scatter.add.f32 [tilespmem:s22], [sflag:$0x6], $0x80, s20, s21, $0xb8;
	[tilespmem:$0x1FA20] =	vst v63  }
0x107: {  	_ =	swait.ge [sflag:s19], $0x4000  }
0x108: {  	[sflag:s19] =	ssyncset.done $0x0  }
0x109: {  	[sflag:s19] =	ssyncadd.s32 $0xFFFFC000  }
0x10a: {  	v2 =	vld [tilespmem:$0x13980];
	_ =	sdelay $0x7  }
0x10b: {  	[tilespmem:v2+s30+$0x0] =	vst.idx.add.f32.msk $0xffff, v1  }
0x10c: {  	v2 =	vld [tilespmem:$0x13990];
	_ =	sdelay $0x7  }
0x10d: {  	[tilespmem:v2+s30+$0x0] =	vst.idx.add.f32.msk $0xffff, v1  }
0x10e: {  	v2 =	vld [tilespmem:$0x139A0];
	_ =	sdelay $0x7  }
0x10f: {  	[tilespmem:v2+s30+$0x0] =	vst.idx.add.f32.msk $0xffff, v1  }
0x110: {  	v2 =	vld [tilespmem:$0x139B0];
	_ =	sdelay $0x7  }
0x111: {  	[tilespmem:v2+s30+$0x0] =	vst.idx.add.f32.msk $0xffff, v1  }
0x112: {  	v2 =	vld [tilespmem:$0x139C0];
	_ =	sdelay $0x7  }
0x113: {  	[tilespmem:v2+s30+$0x0] =	vst.idx.add.f32.msk $0xffff, v1  }
0x114: {  	v2 =	vld [tilespmem:$0x139D0];
	_ =	sdelay $0x7  }
0x115: {  	[tilespmem:v2+s30+$0x0] =	vst.idx.add.f32.msk $0xffff, v1  }
0x116: {  	v2 =	vld [tilespmem:$0x139E0];
	_ =	sdelay $0x7  }
0x117: {  	[tilespmem:v2+s30+$0x0] =	vst.idx.add.f32.msk $0xffff, v1  }
0x118: {  	v2 =	vld [tilespmem:$0x139F0];
	_ =	sdelay $0x7  }
0x119: {  	[tilespmem:v2+s30+$0x0] =	vst.idx.add.f32.msk $0xffff, v1  }
0x11a: {  	_ =	swait.ge [sflag:s31], $0x4000  }
0x11b: {  	[sflag:s31] =	ssyncset.done $0x0  }
0x11c: {  	[sflag:s31] =	ssyncadd.s32 $0xFFFFC000  }
0x11d: {  	[spmem:s2] =	stream.indirect.scatter.add.f32 [tilespmem:s24], [sflag:$0x6], $0x80, s1, s21, $0xb8;
	[tilespmem:$0x1FA20] =	vst v63  }
0x11e: {  	_ =	swait.ge [sflag:s19], $0x4000  }
0x11f: {  	[sflag:s19] =	ssyncset.done $0x0  }
0x120: {  	[sflag:s19] =	ssyncadd.s32 $0xFFFFC000  }
0x121: {  	v2 =	vld [tilespmem:$0x13A80];
	_ =	sdelay $0x7  }
0x122: {  	[tilespmem:v2+s30+$0x0] =	vst.idx.add.f32.msk $0xffff, v1  }
0x123: {  	v2 =	vld [tilespmem:$0x13A90];
	_ =	sdelay $0x7  }
0x124: {  	[tilespmem:v2+s30+$0x0] =	vst.idx.add.f32.msk $0xffff, v1  }
0x125: {  	v2 =	vld [tilespmem:$0x13AA0];
	_ =	sdelay $0x7  }
0x126: {  	[tilespmem:v2+s30+$0x0] =	vst.idx.add.f32.msk $0xffff, v1  }
0x127: {  	v2 =	vld [tilespmem:$0x13AB0];
	_ =	sdelay $0x7  }
0x128: {  	[tilespmem:v2+s30+$0x0] =	vst.idx.add.f32.msk $0xffff, v1  }
0x129: {  	v2 =	vld [tilespmem:$0x13AC0];
	_ =	sdelay $0x7  }
0x12a: {  	[tilespmem:v2+s30+$0x0] =	vst.idx.add.f32.msk $0xffff, v1  }
0x12b: {  	v2 =	vld [tilespmem:$0x13AD0];
	_ =	sdelay $0x7  }
0x12c: {  	[tilespmem:v2+s30+$0x0] =	vst.idx.add.f32.msk $0xffff, v1  }
0x12d: {  	v2 =	vld [tilespmem:$0x13AE0];
	_ =	sdelay $0x7  }
0x12e: {  	[tilespmem:v2+s30+$0x0] =	vst.idx.add.f32.msk $0xffff, v1  }
0x12f: {  	v2 =	vld [tilespmem:$0x13AF0];
	_ =	sdelay $0x7  }
0x130: {  	[tilespmem:v2+s30+$0x0] =	vst.idx.add.f32.msk $0xffff, v1  }
0x131: {  	[bflag:$0x0] =	sbarrier.arrive $0xFFFF  }
0x132: {  	[tilespmem:s26], [sflag:$0x6] =	stream.linear.gather [spmem:s11], $0xC00, $0x38;
	[tilespmem:$0x1FA20] =	vst v63  }
0x133: {  	_ =	swait.ge [sflag:s19], $0xC00  }
0x134: {  	[sflag:s19] =	ssyncset.done $0x0  }
0x135: {  	s10 =	simm.s32 $0x0;
	s14 =	rddreg [dreg:$0x10];
	[sflag:s19] =	ssyncadd.s32 $0xFFFFF400  }
0x136: {  	[hbm4b:s14+s10] =	stream.linear.scatter [tilespmem:s26], [sflag:$0x5], $0xC00, $0x38;
	[tilespmem:$0x1FA20] =	vst v63  }
0x137: {  	_ = 	snop  }
0x138: {  	[tilespmem:s8], [sflag:$0x6] =	stream.linear.gather [spmem:s12], $0xC00, $0x38;
	[tilespmem:$0x1FA20] =	vst v63  }
0x139: {  	_ =	swait.ge [sflag:s19], $0xC00  }
0x13a: {  	[sflag:s19] =	ssyncset.done $0x0  }
0x13b: {  	[sflag:s19] =	ssyncadd.s32 $0xFFFFF400  }
0x13c: {  	_ =	swait.ge [sflag:s28], $0xC00  }
0x13d: {  	[sflag:s28] =	ssyncset.done $0x0  }
0x13e: {  	s16 =	rddreg [dreg:$0x11];
	[sflag:s28] =	ssyncadd.s32 $0xFFFFF400  }
0x13f: {  	[hbm4b:s16+s10] =	stream.linear.scatter [tilespmem:s8], [sflag:$0x5], $0xC00, $0x38;
	[tilespmem:$0x1FA20] =	vst v63  }
0x140: {  	_ =	swait.ge [sflag:s28], $0xC00  }
0x141: {  	[sflag:s28] =	ssyncset.done $0x0  }
0x142: {  	[sflag:s28] =	ssyncadd.s32 $0xFFFFF400  }
0x143: {  	[tilespmem:s26], [sflag:$0x6] =	stream.linear.gather [spmem:s13], $0xC00, $0x38;
	[tilespmem:$0x1FA20] =	vst v63  }
0x144: {  	_ =	swait.ge [sflag:s19], $0xC00  }
0x145: {  	[sflag:s19] =	ssyncset.done $0x0  }
0x146: {  	s15 =	sadd.s32 $0x0, s25;
	[sflag:s19] =	ssyncadd.s32 $0xFFFFF400  }
0x147: {  	[hbm4b:s15+s3] =	stream.linear.scatter [tilespmem:s26], [sflag:$0x5], $0xC00, $0x38;
	[tilespmem:$0x1FA20] =	vst v63  }
0x148: {  	s16 =	sadd.s32 $0xC00, s13  }
0x149: {  	[tilespmem:s8], [sflag:$0x6] =	stream.linear.gather [spmem:s16], $0xC00, $0x38;
	[tilespmem:$0x1FA20] =	vst v63  }
0x14a: {  	_ =	swait.ge [sflag:s19], $0xC00  }
0x14b: {  	[sflag:s19] =	ssyncset.done $0x0  }
0x14c: {  	[sflag:s19] =	ssyncadd.s32 $0xFFFFF400  }
0x14d: {  	_ =	swait.ge [sflag:s28], $0xC00  }
0x14e: {  	s14 =	sadd.s32 $0x1800, s13;
	[sflag:s28] =	ssyncset.done $0x0  }
0x14f: {  	s10 =	simm.s32 $0x300;
	s15 =	sadd.s32 $0x0, s17;
	[sflag:s28] =	ssyncadd.s32 $0xFFFFF400  }
.LBB2_6:
0x150: {  	[hbm4b:s15+s3] =	stream.linear.scatter [tilespmem:s8], [sflag:$0x5], $0xC00, $0x38;
	[tilespmem:$0x1FA20] =	vst v63  }
0x151: {  	s15 =	smov.u32 s10  }
0x152: {  	p1 =	sne.s32 s10, $0x2100;
	s10 =	sadd.s32 $0x300, s10;
	_ =	swait.ge [sflag:s28], $0xC00  }
0x153: {  	[sflag:s28] =	ssyncset.done $0x0  }
0x154: {  	[sflag:s28] =	ssyncadd.s32 $0xFFFFF400  }
0x155: {  	[tilespmem:s26], [sflag:$0x6] =	stream.linear.gather [spmem:s14], $0xC00, $0x38;
	[tilespmem:$0x1FA20] =	vst v63  }
0x156: {  	_ =	swait.ge [sflag:s19], $0xC00  }
0x157: {  	[sflag:s19] =	ssyncset.done $0x0  }
0x158: {  	s16 =	sadd.s32 s15, s25;
	[sflag:s19] =	ssyncadd.s32 $0xFFFFF400  }
0x159: {  	[hbm4b:s16+s3] =	stream.linear.scatter [tilespmem:s26], [sflag:$0x5], $0xC00, $0x38;
	[tilespmem:$0x1FA20] =	vst v63  }
0x15a: {  	s16 =	sadd.s32 $0xC00, s14  }
0x15b: {  	[tilespmem:s8], [sflag:$0x6] =	stream.linear.gather [spmem:s16], $0xC00, $0x38;
	[tilespmem:$0x1FA20] =	vst v63  }
0x15c: {  	_ =	swait.ge [sflag:s19], $0xC00  }
.Ltmp2:
0x15d: {  	[sflag:s19] =	ssyncset.done $0x0;
	(pc) =	sbr.rel @p1 .LBB2_6-.Ltmp2, $4  }
0x15e: {  	[sflag:s19] =	ssyncadd.s32 $0xFFFFF400  }
0x15f: {  	_ =	swait.ge [sflag:s28], $0xC00  }
0x160: {  	[sflag:s28] =	ssyncset.done $0x0  }
0x161: {  	s15 =	sadd.s32 s15, s17;
	s14 =	sadd.s32 $0x1800, s14;
	[sflag:s28] =	ssyncadd.s32 $0xFFFFF400  }
0x162: {  	[hbm4b:s15+s3] =	stream.linear.scatter [tilespmem:s8], [sflag:$0x5], $0xC00, $0x38;
	[tilespmem:$0x1FA20] =	vst v63  }
0x163: {  	_ =	swait.ge [sflag:s28], $0xC00  }
0x164: {  	[sflag:s28] =	ssyncset.done $0x0  }
0x165: {  	s10 =	simm.s32 @!p0 $0x1BB00;
	s14 =	simm.s32 @!p0 $0x6;
	[sflag:s28] =	ssyncadd.s32 $0xFFFFF400  }
0x166: {  	[tilespmem:s10], [sflag:$0x6] =	stream.linear.gather @!p0 [spmem:s7], $0x800, $0x38;
	[tilespmem:$0x1FA20] =	vst v63  }
0x167: {  	_ =	swait.ge @!p0 [sflag:s14], $0x800  }
0x168: {  	[sflag:s14] =	ssyncset.done @!p0 $0x0  }
0x169: {  	s15 =	simm.s32 @!p0 $0x0;
	s16 =	rddreg [dreg:$0x7];
	[sflag:s14] =	ssyncadd.s32 @!p0 $0xFFFFF800  }
0x16a: {  	[hbm4b:s16+s15] =	stream.linear.scatter @!p0 [tilespmem:s10], [sflag:$0x6], $0x800, $0x38;
	[tilespmem:$0x1FA20] =	vst v63  }
0x16b: {  	_ =	swait.ge @!p0 [sflag:s14], $0x800  }
0x16c: {  	[sflag:s14] =	ssyncset.done @!p0 $0x0  }
0x16d: {  	s15 =	rddreg [dreg:$0x8];
	[sflag:s14] =	ssyncadd.s32 @!p0 $0xFFFFF800  }
0x16e: {  	[hbm4b:s15+s3] =	stream.linear.scatter [tilespmem:s30], [sflag:$0x6], $0x2710, $0x38;
	[tilespmem:$0x1FA20] =	vst v63  }
0x16f: {  	_ =	swait.ge [sflag:s19], $0x2710  }
0x170: {  	s9 =	sadd.s32 $0x1, s9;
	s16 =	rddreg [dreg:$0x9]  }
0x171: {  	p1 =	sne.s32 s9, s16  }
.Ltmp3:
0x172: {  	_ = 	snop;
	(pc) =	sbr.rel @p1 .LBB2_1-.Ltmp3, $3  }
0x173: {  	_ =	sdelay $0x1  }
0x174: {  	[sflag:s19] =	ssyncset.done $0x0  }
0x175: {  	[sflag:s19] =	ssyncadd.s32 $0xFFFFD8F0  }
0x176: {  	_ =	sfence.sel $0x180000  }
0x177: {  	[bflag:$0x0] =	sbarrier.arrive $0xFFFF  }
0x178: {  	_ =	strace $0x90000047  }
0x179: {  	[bflag:$0x2] =	sbarrier.arrive $0xFFFF  }
0x17a: {  	s0 =	rddreg [dreg:$0x4]  }
0x17b: {  	s0 =	sadd.s32 @!p0 $0x100000, s0  }
0x17c: {  	[sflag:s0] =	ssyncadd.tile.s32 @!p0 $0x1;
	_ =	shalt  }
.Lfunc_end2:
_tile_overlayer_lowered:
.L_overlay_start_2:
0x17d: {  	(tag) =	ssettag $0x2  }
0x17e: {  	s0 =	rddreg [dreg:$0x0];
	s2 =	stileid.u32  }
0x17f: {  	s1 =	rddreg [dreg:$0x1];
	p0 =	sne.s32 s2, $0x0  }
0x180: {  	s3 =	rddreg [dreg:$0x2];
	[bflag:$0x3] =	sbarrier.arrive $0xFFFF;
	s2 =	simm.s32 @!p0 $0x1C06  }
0x181: {  	[timem:s3], [sflag:s2] =	dma.local @!p0 [hbm:s0], s1  }
0x182: {  	s0 =	simm.s32 @!p0 $0x6  }
0x183: {  	_ =	swait.ge @!p0 [sflag:s0], s1  }
0x184: {  	s1 =	ssub.s32 @!p0 $0x0, s1;
	[sflag:s0] =	ssyncset.done @!p0 $0x0  }
0x185: {  	[sflag:s0] =	ssyncadd.s32 @!p0 s1  }
0x186: {  	[bflag:$0x3] =	sbarrier.arrive $0xFFFF  }
0x187: {  	_ =	shalt  }

// kernel: kernel.9.cloned.1.call-start
scs
__scs_entry_jumppad:
0x0: {  	(pc) =	sbr.rel $0x88, $3  }
0x1: {  	(tag) =	ssettag $0x0;
	lr =	simm.s32 $0x1  }
0x2: {  	[smem:$0x3F9B] =	sst lr;
	_ =	strace $0xD0000000  }
0x3: {  	_ = 	snop  }
0x4: {  	_ = 	snop  }
0x5: {  	_ = 	snop  }
0x6: {  	_ = 	snop  }
0x7: {  	_ = 	snop  }
__scs_overlays_trampoline_lowered:
0x8: {  	[smem:$0x3FAA] =	sst s0  }
0x9: {  	[smem:$0x3FAB] =	sst s1  }
0xa: {  	[smem:$0x3FAC] =	sst s2  }
0xb: {  	[smem:$0x3FAD] =	sst s3  }
0xc: {  	[smem:$0x3FAE] =	sst s4  }
0xd: {  	[smem:$0x3FAF] =	sst s5  }
0xe: {  	[smem:$0x3FB0] =	sst s6  }
0xf: {  	[smem:$0x3FB1] =	sst s7  }
0x10: {  	[smem:$0x3FB2] =	sst s8  }
0x11: {  	[smem:$0x3FB3] =	sst s9;
	s0 =	simm.s32 @!p0 $0x0  }
0x12: {  	s1 =	sld [smem:$0x3F99];
	s0 =	simm.s32 @p0 $0x1  }
0x13: {  	[smem:$0x3FB4] =	sst s0;
	s0 =	simm.s32 @!p1 $0x0  }
0x14: {  	s2 =	sld [smem:$0x3F98];
	s0 =	simm.s32 @p1 $0x1  }
0x15: {  	[smem:$0x3FB5] =	sst s0;
	s0 =	simm.s32 @!p2 $0x0  }
0x16: {  	s3 =	sld [smem:$0x3FDB];
	s0 =	simm.s32 @p2 $0x1  }
0x17: {  	s4 =	simm.s32 $0x1BF5;
	[smem:$0x3FB7] =	sst s0  }
0x18: {  	s0 =	sld [smem:$0x3F9A];
	_ =	swait.ge [sflag:s4], $0x0  }
0x19: {  	s7 =	sld [smem:$0x3F9B]  }
0x1a: {  	s8 =	sadd.s32 $0xFFFFE003, lr  }
0x1b: {  	s9 =	sadd.s32 $0xFFFFFEF7, lr;
	s5 =	simm.s32 $0xFFFFFFFF;
	p2 =	slt.u32 s8, $0xFFFFF086  }
0x1c: {  	p1 =	slt.u32 s9, $0xF7A;
	s5 =	simm.s32 @!p2 $0x0  }
0x1d: {  	s5 =	simm.s32 @p1 $0x1;
	p0 =	seq.s32 s7, s2  }
0x1e: {  	s7 =	smul.u32 @!p0 $0xF7A, s2;
	p2 =	seq.s32 @!p0 s5, $0x0  }
0x1f: {  	s9 =	smul.u32 $0xF7A, s1;
	s8 =	simm.s32 @!p0 $0x1BF5;
	p2 =	por !p2, p0  }
0x20: {  	[sflag:s8] =	ssyncset.s32 @!p0 $0xFFFFF086;
	s6 =	sadd.s32 @!p0 s3, s7;
	s7 =	simm.s32 @!p0 $0x108  }
0x21: {  	s3 =	sadd.s32 s3, s9;
	s6 =	sadd.s32 @!p0 $0x88, s6;
	s7 =	simm.s32 @p2 $0x1082  }
0x22: {  	[simem:s7], [sflag:s8] =	dma.local @!p0 [hbm:s6], $0xF7A  }
0x23: {  	s9 =	sor.u32 $0xD0000000, s2;
	s6 =	simm.s32 $0x108;
	_ =	swait.ge @!p0 [sflag:s8], $0x0  }
0x24: {  	s3 =	sadd.s32 $0x88, s3;
	s6 =	simm.s32 @!p1 $0x1082;
	[sflag:s4] =	ssyncset.s32 $0xFFFFF086  }
0x25: {  	[simem:s6], [sflag:s4] =	dma.local [hbm:s3], $0xF7A  }
0x26: {  	[smem:$0x3F9B] =	sst s1;
	(tag) =	ssettag s2;
	_ =	strace s9  }
0x27: {  	s1 =	sld [smem:$0x3FAB]  }
0x28: {  	s2 =	sld [smem:$0x3FAC]  }
0x29: {  	s4 =	sld [smem:$0x3FAE]  }
0x2a: {  	p0 =	seq.s32 s5, $0x0;
	s5 =	sld [smem:$0x3FAF]  }
0x2b: {  	s6 =	sld [smem:$0x3FB0]  }
0x2c: {  	s7 =	sld [smem:$0x3FB1]  }
0x2d: {  	s3 =	simm.s32 $0x108;
	s8 =	sld [smem:$0x3FB2]  }
0x2e: {  	s3 =	simm.s32 @!p0 $0x1082;
	s9 =	sld [smem:$0x3FB3]  }
0x2f: {  	lr =	sadd.s32 s0, s3;
	s0 =	sld [smem:$0x3FAA]  }
0x30: {  	s3 =	sld [smem:$0x3FAD]  }
0x31: {  	[smem:$0x3FB6] =	sst s10  }
0x32: {  	s10 =	sld [smem:$0x3FB4];
	_ =	sdelay $0x3  }
0x33: {  	p0 =	seq.s32 s10, $0x1;
	s10 =	sld [smem:$0x3FB6];
	_ =	sdelay $0x3  }
0x34: {  	[smem:$0x3FB6] =	sst s10  }
0x35: {  	s10 =	sld [smem:$0x3FB5];
	_ =	sdelay $0x3  }
0x36: {  	p1 =	seq.s32 s10, $0x1;
	s10 =	sld [smem:$0x3FB6];
	_ =	sdelay $0x3  }
0x37: {  	[smem:$0x3FB6] =	sst s10  }
0x38: {  	s10 =	sld [smem:$0x3FB7]  }
0x39: {  	_ = 	snop;
	(pc) =	sbr.ind lr, $3  }
0x3a: {  	_ = 	snop  }
0x3b: {  	_ = 	snop  }
0x3c: {  	p2 =	seq.s32 s10, $0x1;
	s10 =	sld [smem:$0x3FB6]  }
0x3d: {  	_ =	shalt  }
0x3e: {  	_ =	shalt  }
0x3f: {  	_ =	shalt  }
0x40: {  	_ =	shalt  }
0x41: {  	_ =	shalt  }
0x42: {  	_ =	shalt  }
0x43: {  	_ =	shalt  }
0x44: {  	_ =	shalt  }
0x45: {  	_ =	shalt  }
0x46: {  	_ =	shalt  }
0x47: {  	_ =	shalt  }
0x48: {  	_ =	shalt  }
0x49: {  	_ =	shalt  }
0x4a: {  	_ =	shalt  }
0x4b: {  	_ =	shalt  }
0x4c: {  	_ =	shalt  }
0x4d: {  	_ =	shalt  }
0x4e: {  	_ =	shalt  }
0x4f: {  	_ =	shalt  }
0x50: {  	_ =	shalt  }
0x51: {  	_ =	shalt  }
0x52: {  	_ =	shalt  }
0x53: {  	_ =	shalt  }
0x54: {  	_ =	shalt  }
0x55: {  	_ =	shalt  }
0x56: {  	_ =	shalt  }
0x57: {  	_ =	shalt  }
0x58: {  	_ =	shalt  }
0x59: {  	_ =	shalt  }
0x5a: {  	_ =	shalt  }
0x5b: {  	_ =	shalt  }
0x5c: {  	_ =	shalt  }
0x5d: {  	_ =	shalt  }
0x5e: {  	_ =	shalt  }
0x5f: {  	_ =	shalt  }
0x60: {  	_ =	shalt  }
0x61: {  	_ =	shalt  }
0x62: {  	_ =	shalt  }
0x63: {  	_ =	shalt  }
0x64: {  	_ =	shalt  }
0x65: {  	_ =	shalt  }
0x66: {  	_ =	shalt  }
0x67: {  	_ =	shalt  }
0x68: {  	_ =	shalt  }
0x69: {  	_ =	shalt  }
0x6a: {  	_ =	shalt  }
0x6b: {  	_ =	shalt  }
0x6c: {  	_ =	shalt  }
0x6d: {  	_ =	shalt  }
0x6e: {  	_ =	shalt  }
0x6f: {  	_ =	shalt  }
0x70: {  	_ =	shalt  }
0x71: {  	_ =	shalt  }
0x72: {  	_ =	shalt  }
0x73: {  	_ =	shalt  }
0x74: {  	_ =	shalt  }
0x75: {  	_ =	shalt  }
0x76: {  	_ =	shalt  }
0x77: {  	_ =	shalt  }
0x78: {  	_ =	shalt  }
0x79: {  	_ =	shalt  }
0x7a: {  	_ =	shalt  }
0x7b: {  	_ =	shalt  }
0x7c: {  	_ =	shalt  }
0x7d: {  	_ =	shalt  }
0x7e: {  	_ =	shalt  }
0x7f: {  	_ =	shalt  }
0x80: {  	_ =	shalt  }
0x81: {  	_ =	shalt  }
0x82: {  	_ =	shalt  }
0x83: {  	_ =	shalt  }
0x84: {  	_ =	shalt  }
0x85: {  	_ =	shalt  }
0x86: {  	_ =	shalt  }
0x87: {  	_ =	shalt  }
.Lfunc_end0:
.L_simem_size_0:
called_computation.1_lowered:
.L_overlay_start_0:
0x88: {  	s2 =	sld [smem:$0x3FD9]  }
0x89: {  	s3 =	sld [smem:$0x3FFE];
	_ =	sdelay $0x1  }
0x8a: {  	s1 =	srdreg.scid  }
0x8b: {  	s0 =	sand.u32 $0x1, s1  }
0x8c: {  	s17 =	sshll.u32 s0, $0xA;
	s2 =	sadd.s32 s3, s2  }
0x8d: {  	s2 =	sadd.s32 s2, s17  }
0x8e: {  	[smem:$0x3FC2] =	sst s2  }
0x8f: {  	_ = 	snop  }
0x90: {  	s2 =	sld [smem:$0x3FD0];
	(tm) =	ssettm $0x1  }
0x91: {  	s18 =	sld [smem:$0x3FFB];
	_ =	sdelay $0x3  }
0x92: {  	_ =	strace s18  }
0x93: {  	s3 =	sld [smem:$0x3FFC];
	_ =	sdelay $0x3  }
0x94: {  	_ =	strace s3  }
0x95: {  	s3 =	sld [smem:$0x3FFD];
	_ =	sdelay $0x3  }
0x96: {  	_ =	strace s3  }
0x97: {  	_ =	strace $0x8FFFFFFF  }
0x98: {  	s19 =	sld [smem:$0x3FDB];
	_ =	sdelay $0x1  }
0x99: {  	s4 =	simm.s32 $_scs_section_size  }
0x9a: {  	s5 =	simm.s32 $_size__tile_overlayer_lowered;
	s6 =	simm.s32 $_tile_overlayer_lowered  }
0x9b: {  	s22 =	simm.s32 $0x1BFF;
	s21 =	sshll.u32 s6, $0x1;
	s3 =	sadd.s32 s4, s19  }
0x9c: {  	s7 =	simm.s32 $0x0;
	s20 =	sshll.u32 s5, $0x1;
	s5 =	sadd.s32 s21, s3  }
0x9d: {  	[timem:s7], [sflag:s22] =	dma.local [hbm:s5], s20  }
0x9e: {  	_ =	swait.ge [sflag:s22], s20  }
0x9f: {  	s4 =	ssub.s32 $0x0, s20;
	[sflag:s22] =	ssyncset.done $0x0  }
0xa0: {  	[sflag:s22] =	ssyncadd.s32 s4;
	_ =	sdelay $0x1  }
0xa1: {  	s23 =	simm.s32 $0x1B8B  }
0xa2: {  	_ =	swait.ge [sflag:s23], $0x1  }
0xa3: {  	[sflag:s23] =	ssyncset.done $0x0  }
0xa4: {  	s25 =	simm.s32 $0x1B8E;
	s24 =	sld [smem:$0x3FFE];
	[sflag:s23] =	ssyncadd.s32 $0xFFFFFFFF  }
0xa5: {  	s26 =	simm.s32 $execute0_lowered;
	[smem:$0x3FD2] =	sst s25  }
0xa6: {  	s5 =	sshll.u32 s26, $0x1;
	_ =	strace $0x80000049;
	[dreg:$0x1] =	wrdreg $0xFFFFFFFF  }
0xa7: {  	s28 =	simm.s32 $_size_execute0_lowered;
	s3 =	sadd.s32 s3, s5;
	[dreg:$0x0] =	wrdreg $0x0  }
0xa8: {  	s5 =	sshll.u32 s28, $0x1;
	[dreg:$0x2] =	wrdreg s3  }
0xa9: {  	[dreg:$0x3] =	wrdreg s5  }
0xaa: {  	[dreg:$0x4] =	wrdreg $0xC0  }
0xab: {  	_ =	task [dreg:s7], $0x5FFFF  }
0xac: {  	[dreg:$0x1] =	wrdreg $0xFFFFFFFF  }
0xad: {  	[dreg:$0x0] =	wrdreg $0x60  }
0xae: {  	[dreg:$0x2] =	wrdreg s2  }
0xaf: {  	[dreg:$0x3] =	wrdreg s24  }
0xb0: {  	[dreg:$0x4] =	wrdreg $0x0  }
0xb1: {  	[dreg:$0x5] =	wrdreg $0x9  }
0xb2: {  	_ =	task.clear_ibuf [dreg:s7], $0x6FFFF;
	_ =	strace $0x90000049  }
0xb3: {  	s29 =	simm.s32 $0x9;
	_ =	strace $0x8000004B  }
0xb4: {  	_ =	swait.ge [sflag:s29], $0x1  }
0xb5: {  	[sflag:s29] =	ssyncadd.s32 $0xFFFFFFFF  }
0xb6: {  	_ =	strace $0x9000004B  }
0xb7: {  	_ =	sfence  }
0xb8: {  	s30 =	sld [smem:$0x0];
	_ =	sdelay $0x2  }
0xb9: {  	s31 =	sshll.u32 s1, $0xD;
	s1 =	sshrl.u32 s1, $0x2  }
0xba: {  	s3 =	sand.u32 $0x4000, s31;
	s1 =	sadd.s32 s1, s30  }
0xbb: {  	s0 =	sor.u32 s3, s0;
	s1 =	sshll.u32 s1, $0x11  }
0xbc: {  	s0 =	sor.u32 s1, s0  }
0xbd: {  	s0 =	sadd.s32 $0x8F2B, s0  }
0xbe: {  	[sflag:s0] =	ssyncadd.remote.s32 $0x1  }
0xbf: {  	_ =	sfence.sel $0xFFFF  }
0xc0: {  	[dreg:$0x0] =	wrdreg $0xFFFFFFFF;
	(pc) =	sbr.abs _section_cstart, $3  }
0xc1: {  	[dreg:$0x1] =	wrdreg $0xFFFFFFFF  }
0xc2: {  	_ =	task.clear_ibuf [dreg:s7], $0x2FFFF;
	_ =	strace $0x9FFFFFFF  }
0xc3: {  	(tm) =	ssettm $0x7FFFFFFF  }
tec
execute0_lowered:
.L_overlay_start_1:
0x0: {  	(tag) =	ssettag $0x1  }
0x1: {  	s0 =	rddreg [dreg:$0x0]  }
0x2: {  	s1 =	rddreg [dreg:$0x1];
	s3 =	srdreg.scid  }
0x3: {  	s4 =	stileid.u32;
	s2 =	rddreg [dreg:$0x2]  }
0x4: {  	s28 =	simm.s32 $0x1;
	s29 =	simm.s32 $0x13980;
	s30 =	simm.s32 $0x13A80  }
0x5: {  	s31 =	simm.s32 $0x3;
	s6 =	sand.u32 $0x1, s3;
	s5 =	sshll.u32 s4, $0x1  }
0x6: {  	s3 =	simm.s32 $0x0;
	s23 =	sadd.s32 $0x16A00, s1;
	s13 =	smul.u32 $0x270, s4  }
0x7: {  	s10 =	smul.u32 $0x4E000, s4;
	p0 =	sne.s32 s4, $0x0;
	s24 =	ssub.s32 $0x2, s6  }
0x8: {  	s5 =	sor.u32 s6, s5;
	[smem:$0x7FF] =	sst s3;
	s8 =	sshrl.u32 s24, $0x1  }
0x9: {  	_ =	strace $0x8000004A;
	s25 =	sshrl.u32 s10, $0x2;
	s8 =	ssub.s32 s24, s8  }
0xa: {  	[dreg:$0x4] =	wrdreg s23;
	s10 =	sadd.s32 s25, s2;
	s8 =	smax.u32 s8, $0x1  }
0xb: {  	s9 =	smul.u32 $0x138800, s6;
	s16 =	sadd.s32 $0x3000, s10;
	[dreg:$0x7] =	wrdreg s8  }
0xc: {  	s14 =	smul.u32 $0x2710, s6;
	s17 =	sadd.s32 $0x3C00, s10;
	[dreg:$0x9] =	wrdreg s16  }
0xd: {  	s6 =	smul.u32 $0x27100, s6;
	s18 =	sadd.s32 $0x4800, s10;
	[dreg:$0xa] =	wrdreg s17  }
0xe: {  	s5 =	smul.u32 $0xA00, s5;
	s19 =	sadd.s32 $0x5400, s10;
	[dreg:$0xb] =	wrdreg s18  }
0xf: {  	s15 =	sadd.s32 $0x18, s13;
	s20 =	sadd.s32 $0x6000, s10;
	[dreg:$0xc] =	wrdreg s19  }
0x10: {  	s9 =	sshrl.u32 s9, $0x3;
	s21 =	sadd.s32 $0x6C00, s10;
	[dreg:$0xd] =	wrdreg s20  }
0x11: {  	s26 =	sshll.u32 s15, $0x7;
	s25 =	sadd.s32 $0x7800, s10;
	[dreg:$0xe] =	wrdreg s21  }
0x12: {  	s11 =	sadd.s32 s26, s2;
	s26 =	sadd.s32 $0x8400, s10;
	[dreg:$0x10] =	wrdreg s25  }
0x13: {  	s22 =	sadd.s32 s14, s13;
	s13 =	sadd.s32 $0x9C00, s10;
	[dreg:$0x11] =	wrdreg s26  }
0x14: {  	s23 =	sadd.s32 s14, s15;
	s14 =	sadd.s32 $0xA800, s10;
	[dreg:$0x13] =	wrdreg s13  }
0x15: {  	s7 =	sadd.s32 s5, s1;
	s15 =	sadd.s32 $0xB400, s10;
	[dreg:$0x14] =	wrdreg s14  }
0x16: {  	s5 =	sadd.s32 $0x2A00, s7;
	s7 =	sadd.s32 $0x2A20, s7;
	[dreg:$0x15] =	wrdreg s15  }
0x17: {  	s24 =	smul.u32 $0x2700, s4;
	s16 =	sadd.s32 $0xC000, s10;
	[dreg:$0x5] =	wrdreg s7  }
0x18: {  	s4 =	simm.s32 $0x1C700;
	s17 =	sadd.s32 $0xCC00, s10;
	[dreg:$0x16] =	wrdreg s16  }
0x19: {  	s1 =	sadd.s32 $0x16C00, s1;
	s18 =	sadd.s32 $0xD800, s10;
	[dreg:$0x17] =	wrdreg s17  }
0x1a: {  	s12 =	sadd.s32 $0x1800, s10;
	s19 =	sadd.s32 $0xE400, s10;
	[dreg:$0x18] =	wrdreg s18  }
0x1b: {  	s9 =	sadd.s32 s1, s9;
	s20 =	sadd.s32 $0xF000, s10;
	[dreg:$0x19] =	wrdreg s19  }
0x1c: {  	s8 =	sshll.u32 s22, $0x4;
	s21 =	sadd.s32 $0xFC00, s10;
	[dreg:$0x1a] =	wrdreg s20  }
0x1d: {  	s22 =	sadd.s32 $0x10800, s10;
	s26 =	sadd.s32 $0x12C00, s10;
	[dreg:$0x1b] =	wrdreg s21  }
0x1e: {  	s7 =	sadd.s32 $0x138000, s2;
	s9 =	sadd.s32 $0x27000, s9;
	[dreg:$0x1c] =	wrdreg s22  }
0x1f: {  	s8 =	sadd.s32 s1, s8;
	[dreg:$0x1f] =	wrdreg s26;
	s17 =	simm.s32 $0x13900  }
0x20: {  	s18 =	simm.s32 $0x6;
	s19 =	simm.s32 $0x80;
	s21 =	simm.s32 $0x13B00  }
0x21: {  	s22 =	simm.s32 $0x13A00;
	s26 =	simm.s32 $0x5;
	s20 =	simm.s32 $0x2  }
0x22: {  	[dreg:$0x6] =	wrdreg s9;
	s9 =	sadd.s32 $0x2400, s10;
	s15 =	smov.u32 s8  }
0x23: {  	s16 =	sadd.s32 $0x480, s8;
	[dreg:$0x8] =	wrdreg s9;
	s9 =	sshll.u32 s23, $0x4  }
0x24: {  	s23 =	sadd.s32 $0x11400, s10;
	s9 =	sadd.s32 s1, s9;
	s1 =	sadd.s32 s6, s1  }
0x25: {  	[dreg:$0x1d] =	wrdreg s23;
	s23 =	simm.s32 $0x17B00;
	s6 =	simm.s32 $0x0  }
0x26: {  	[dreg:$0xf] =	wrdreg s9;
	s1 =	sadd.s32 s24, s1;
	s9 =	sadd.s32 $0x9000, s10  }
0x27: {  	s24 =	sadd.s32 $0x12000, s10;
	[dreg:$0x12] =	wrdreg s9;
	s25 =	sadd.s32 $0x300, s1  }
0x28: {  	[dreg:$0x1e] =	wrdreg s24;
	s24 =	simm.s32 $0x1BB00;
	s1 =	simm.s32 $0x4  }
.LBB2_1:
0x29: {  	[tilespmem:s17], [sflag:$0x6] =	stream.linear.gather [hbm4b:s5+s3], $0x100, $0x38;
	[tilespmem:$0x1D300] =	vst v63  }
0x2a: {  	_ =	swait.ge [sflag:s18], $0x100  }
0x2b: {  	[sflag:s18] =	ssyncset.done $0x0  }
0x2c: {  	[sflag:s18] =	ssyncadd.s32 $0xFFFFFF00  }
0x2d: {  	[tilespmem:s21], [sflag:$0x1] =	stream.indirect.gather [hbm4b:s0+s19], $0x80, s17, s19, $0xb8;
	[tilespmem:$0x1D300] =	vst v63  }
0x2e: {  	s8 =	rddreg [dreg:$0x5]  }
0x2f: {  	[tilespmem:s22], [sflag:$0x6] =	stream.linear.gather [hbm4b:s8+s3], $0x100, $0x38;
	[tilespmem:$0x1D300] =	vst v63  }
0x30: {  	_ =	swait.ge [sflag:s18], $0x100  }
0x31: {  	[sflag:s18] =	ssyncset.done $0x0  }
0x32: {  	[sflag:s18] =	ssyncadd.s32 $0xFFFFFF00  }
0x33: {  	[tilespmem:s23], [sflag:$0x2] =	stream.indirect.gather [hbm4b:s0+s19], $0x80, s22, s19, $0xb8;
	[tilespmem:$0x1D300] =	vst v63  }
0x34: {  	s14 =	rddreg [dreg:$0x4]  }
0x35: {  	[tilespmem:s24], [sflag:$0x6] =	stream.linear.gather [hbm4b:s14+s3], $0xC00, $0x38;
	[tilespmem:$0x1D300] =	vst v63  }
0x36: {  	_ =	swait.ge [sflag:s18], $0xC00  }
0x37: {  	[sflag:s18] =	ssyncset.done $0x0  }
0x38: {  	[sflag:s18] =	ssyncadd.s32 $0xFFFFF400  }
0x39: {  	[spmem:s10] =	stream.linear.scatter [tilespmem:s24], [sflag:$0x5], $0xC00, $0x38;
	[tilespmem:$0x1D300] =	vst v63  }
0x3a: {  	_ = 	snop  }
0x3b: {  	[spmem:s11] =	stream.linear.scatter [tilespmem:s24], [sflag:$0x5], $0xC00, $0x38;
	[tilespmem:$0x1D300] =	vst v63  }
0x3c: {  	_ = 	snop  }
0x3d: {  	[spmem:s12] =	stream.linear.scatter [tilespmem:s24], [sflag:$0x5], $0xC00, $0x38;
	[tilespmem:$0x1D300] =	vst v63  }
0x3e: {  	s9 =	rddreg [dreg:$0x8]  }
0x3f: {  	[spmem:s9] =	stream.linear.scatter [tilespmem:s24], [sflag:$0x5], $0xC00, $0x38;
	[tilespmem:$0x1D300] =	vst v63  }
0x40: {  	s13 =	rddreg [dreg:$0x9]  }
0x41: {  	[spmem:s13] =	stream.linear.scatter [tilespmem:s24], [sflag:$0x5], $0xC00, $0x38;
	[tilespmem:$0x1D300] =	vst v63  }
0x42: {  	s14 =	rddreg [dreg:$0xa]  }
0x43: {  	[spmem:s14] =	stream.linear.scatter [tilespmem:s24], [sflag:$0x5], $0xC00, $0x38;
	[tilespmem:$0x1D300] =	vst v63  }
0x44: {  	s9 =	rddreg [dreg:$0xb]  }
0x45: {  	[spmem:s9] =	stream.linear.scatter [tilespmem:s24], [sflag:$0x5], $0xC00, $0x38;
	[tilespmem:$0x1D300] =	vst v63  }
0x46: {  	s13 =	rddreg [dreg:$0xc]  }
0x47: {  	[spmem:s13] =	stream.linear.scatter [tilespmem:s24], [sflag:$0x5], $0xC00, $0x38;
	[tilespmem:$0x1D300] =	vst v63  }
0x48: {  	s14 =	rddreg [dreg:$0xd]  }
0x49: {  	[spmem:s14] =	stream.linear.scatter [tilespmem:s24], [sflag:$0x5], $0xC00, $0x38;
	[tilespmem:$0x1D300] =	vst v63  }
0x4a: {  	s9 =	rddreg [dreg:$0xe]  }
0x4b: {  	[spmem:s9] =	stream.linear.scatter [tilespmem:s24], [sflag:$0x5], $0xC00, $0x38;
	[tilespmem:$0x1D300] =	vst v63  }
0x4c: {  	s13 =	rddreg [dreg:$0x10]  }
0x4d: {  	[spmem:s13] =	stream.linear.scatter [tilespmem:s24], [sflag:$0x5], $0xC00, $0x38;
	[tilespmem:$0x1D300] =	vst v63  }
0x4e: {  	s14 =	rddreg [dreg:$0x11]  }
0x4f: {  	[spmem:s14] =	stream.linear.scatter [tilespmem:s24], [sflag:$0x5], $0xC00, $0x38;
	[tilespmem:$0x1D300] =	vst v63  }
0x50: {  	s9 =	rddreg [dreg:$0x12]  }
0x51: {  	[spmem:s9] =	stream.linear.scatter [tilespmem:s24], [sflag:$0x5], $0xC00, $0x38;
	[tilespmem:$0x1D300] =	vst v63  }
0x52: {  	s13 =	rddreg [dreg:$0x13]  }
0x53: {  	[spmem:s13] =	stream.linear.scatter [tilespmem:s24], [sflag:$0x5], $0xC00, $0x38;
	[tilespmem:$0x1D300] =	vst v63  }
0x54: {  	s14 =	rddreg [dreg:$0x14]  }
0x55: {  	[spmem:s14] =	stream.linear.scatter [tilespmem:s24], [sflag:$0x5], $0xC00, $0x38;
	[tilespmem:$0x1D300] =	vst v63  }
0x56: {  	s9 =	rddreg [dreg:$0x15]  }
0x57: {  	[spmem:s9] =	stream.linear.scatter [tilespmem:s24], [sflag:$0x5], $0xC00, $0x38;
	[tilespmem:$0x1D300] =	vst v63  }
0x58: {  	s13 =	rddreg [dreg:$0x16]  }
0x59: {  	[spmem:s13] =	stream.linear.scatter [tilespmem:s24], [sflag:$0x5], $0xC00, $0x38;
	[tilespmem:$0x1D300] =	vst v63  }
0x5a: {  	s14 =	rddreg [dreg:$0x17]  }
0x5b: {  	[spmem:s14] =	stream.linear.scatter [tilespmem:s24], [sflag:$0x5], $0xC00, $0x38;
	[tilespmem:$0x1D300] =	vst v63  }
0x5c: {  	s9 =	rddreg [dreg:$0x18]  }
0x5d: {  	[spmem:s9] =	stream.linear.scatter [tilespmem:s24], [sflag:$0x5], $0xC00, $0x38;
	[tilespmem:$0x1D300] =	vst v63  }
0x5e: {  	s13 =	rddreg [dreg:$0x19]  }
0x5f: {  	[spmem:s13] =	stream.linear.scatter [tilespmem:s24], [sflag:$0x5], $0xC00, $0x38;
	[tilespmem:$0x1D300] =	vst v63  }
0x60: {  	s14 =	rddreg [dreg:$0x1a]  }
0x61: {  	[spmem:s14] =	stream.linear.scatter [tilespmem:s24], [sflag:$0x5], $0xC00, $0x38;
	[tilespmem:$0x1D300] =	vst v63  }
0x62: {  	s9 =	rddreg [dreg:$0x1b]  }
0x63: {  	[spmem:s9] =	stream.linear.scatter [tilespmem:s24], [sflag:$0x5], $0xC00, $0x38;
	[tilespmem:$0x1D300] =	vst v63  }
0x64: {  	s13 =	rddreg [dreg:$0x1c]  }
0x65: {  	[spmem:s13] =	stream.linear.scatter [tilespmem:s24], [sflag:$0x5], $0xC00, $0x38;
	[tilespmem:$0x1D300] =	vst v63  }
0x66: {  	s14 =	rddreg [dreg:$0x1d]  }
0x67: {  	[spmem:s14] =	stream.linear.scatter [tilespmem:s24], [sflag:$0x5], $0xC00, $0x38;
	[tilespmem:$0x1D300] =	vst v63  }
0x68: {  	s9 =	rddreg [dreg:$0x1e]  }
0x69: {  	[spmem:s9] =	stream.linear.scatter [tilespmem:s24], [sflag:$0x5], $0xC00, $0x38;
	[tilespmem:$0x1D300] =	vst v63  }
0x6a: {  	s13 =	rddreg [dreg:$0x1f]  }
0x6b: {  	[spmem:s13] =	stream.linear.scatter [tilespmem:s24], [sflag:$0x5], $0xC00, $0x38;
	[tilespmem:$0x1D300] =	vst v63  }
0x6c: {  	s8 =	simm.s32 @!p0 $0x1BB00  }
0x6d: {  	[spmem:s7] =	stream.linear.scatter @!p0 [tilespmem:s8], [sflag:$0x6], $0x800, $0x38;
	[tilespmem:$0x1D300] =	vst v63  }
0x6e: {  	s8 =	simm.s32 @!p0 $0x6  }
0x6f: {  	_ =	swait.ge @!p0 [sflag:s8], $0x800  }
0x70: {  	[sflag:s8] =	ssyncset.done @!p0 $0x0  }
0x71: {  	[sflag:s8] =	ssyncadd.s32 @!p0 $0xFFFFF800  }
0x72: {  	_ =	swait.ge [sflag:s26], $0xC00  }
0x73: {  	[sflag:s26] =	ssyncset.done $0x0  }
0x74: {  	[sflag:s26] =	ssyncadd.s32 $0xFFFFF400  }
0x75: {  	_ =	swait.ge [sflag:s26], $0xC00  }
0x76: {  	[sflag:s26] =	ssyncset.done $0x0  }
0x77: {  	[sflag:s26] =	ssyncadd.s32 $0xFFFFF400  }
0x78: {  	_ =	swait.ge [sflag:s26], $0xC00  }
0x79: {  	[sflag:s26] =	ssyncset.done $0x0  }
0x7a: {  	[sflag:s26] =	ssyncadd.s32 $0xFFFFF400  }
0x7b: {  	_ =	swait.ge [sflag:s26], $0xC00  }
0x7c: {  	[sflag:s26] =	ssyncset.done $0x0  }
0x7d: {  	[sflag:s26] =	ssyncadd.s32 $0xFFFFF400  }
0x7e: {  	_ =	swait.ge [sflag:s26], $0xC00  }
0x7f: {  	[sflag:s26] =	ssyncset.done $0x0  }
0x80: {  	[sflag:s26] =	ssyncadd.s32 $0xFFFFF400  }
0x81: {  	_ =	swait.ge [sflag:s26], $0xC00  }
0x82: {  	[sflag:s26] =	ssyncset.done $0x0  }
0x83: {  	[sflag:s26] =	ssyncadd.s32 $0xFFFFF400  }
0x84: {  	_ =	swait.ge [sflag:s26], $0xC00  }
0x85: {  	[sflag:s26] =	ssyncset.done $0x0  }
0x86: {  	[sflag:s26] =	ssyncadd.s32 $0xFFFFF400  }
0x87: {  	_ =	swait.ge [sflag:s26], $0xC00  }
0x88: {  	[sflag:s26] =	ssyncset.done $0x0  }
0x89: {  	[sflag:s26] =	ssyncadd.s32 $0xFFFFF400  }
0x8a: {  	_ =	swait.ge [sflag:s26], $0xC00  }
0x8b: {  	[sflag:s26] =	ssyncset.done $0x0  }
0x8c: {  	[sflag:s26] =	ssyncadd.s32 $0xFFFFF400  }
0x8d: {  	_ =	swait.ge [sflag:s26], $0xC00  }
0x8e: {  	[sflag:s26] =	ssyncset.done $0x0  }
0x8f: {  	[sflag:s26] =	ssyncadd.s32 $0xFFFFF400  }
0x90: {  	_ =	swait.ge [sflag:s26], $0xC00  }
0x91: {  	[sflag:s26] =	ssyncset.done $0x0  }
0x92: {  	[sflag:s26] =	ssyncadd.s32 $0xFFFFF400  }
0x93: {  	_ =	swait.ge [sflag:s26], $0xC00  }
0x94: {  	[sflag:s26] =	ssyncset.done $0x0  }
0x95: {  	[sflag:s26] =	ssyncadd.s32 $0xFFFFF400  }
0x96: {  	_ =	swait.ge [sflag:s26], $0xC00  }
0x97: {  	[sflag:s26] =	ssyncset.done $0x0  }
0x98: {  	[sflag:s26] =	ssyncadd.s32 $0xFFFFF400  }
0x99: {  	_ =	swait.ge [sflag:s26], $0xC00  }
0x9a: {  	[sflag:s26] =	ssyncset.done $0x0  }
0x9b: {  	[sflag:s26] =	ssyncadd.s32 $0xFFFFF400  }
0x9c: {  	_ =	swait.ge [sflag:s26], $0xC00  }
0x9d: {  	[sflag:s26] =	ssyncset.done $0x0  }
0x9e: {  	[sflag:s26] =	ssyncadd.s32 $0xFFFFF400  }
0x9f: {  	_ =	swait.ge [sflag:s26], $0xC00  }
0xa0: {  	[sflag:s26] =	ssyncset.done $0x0  }
0xa1: {  	[sflag:s26] =	ssyncadd.s32 $0xFFFFF400  }
0xa2: {  	_ =	swait.ge [sflag:s26], $0xC00  }
0xa3: {  	[sflag:s26] =	ssyncset.done $0x0  }
0xa4: {  	[sflag:s26] =	ssyncadd.s32 $0xFFFFF400  }
0xa5: {  	_ =	swait.ge [sflag:s26], $0xC00  }
0xa6: {  	[sflag:s26] =	ssyncset.done $0x0  }
0xa7: {  	[sflag:s26] =	ssyncadd.s32 $0xFFFFF400  }
0xa8: {  	_ =	swait.ge [sflag:s26], $0xC00  }
0xa9: {  	[sflag:s26] =	ssyncset.done $0x0  }
0xaa: {  	[sflag:s26] =	ssyncadd.s32 $0xFFFFF400  }
0xab: {  	_ =	swait.ge [sflag:s26], $0xC00  }
0xac: {  	[sflag:s26] =	ssyncset.done $0x0  }
0xad: {  	[sflag:s26] =	ssyncadd.s32 $0xFFFFF400  }
0xae: {  	_ =	swait.ge [sflag:s26], $0xC00  }
0xaf: {  	[sflag:s26] =	ssyncset.done $0x0  }
0xb0: {  	[sflag:s26] =	ssyncadd.s32 $0xFFFFF400  }
0xb1: {  	_ =	swait.ge [sflag:s26], $0xC00  }
0xb2: {  	[sflag:s26] =	ssyncset.done $0x0  }
0xb3: {  	[sflag:s26] =	ssyncadd.s32 $0xFFFFF400  }
0xb4: {  	_ =	swait.ge [sflag:s26], $0xC00  }
0xb5: {  	[sflag:s26] =	ssyncset.done $0x0  }
0xb6: {  	[sflag:s26] =	ssyncadd.s32 $0xFFFFF400  }
0xb7: {  	_ =	swait.ge [sflag:s26], $0xC00  }
0xb8: {  	[sflag:s26] =	ssyncset.done $0x0  }
0xb9: {  	[sflag:s26] =	ssyncadd.s32 $0xFFFFF400  }
0xba: {  	_ =	swait.ge [sflag:s26], $0xC00  }
0xbb: {  	[sflag:s26] =	ssyncset.done $0x0  }
0xbc: {  	[sflag:s26] =	ssyncadd.s32 $0xFFFFF400  }
0xbd: {  	_ =	swait.ge [sflag:s26], $0xC00  }
0xbe: {  	[sflag:s26] =	ssyncset.done $0x0  }
0xbf: {  	[sflag:s26] =	ssyncadd.s32 $0xFFFFF400  }
0xc0: {  	[bflag:$0x0] =	sbarrier.arrive $0xFFFF  }
0xc1: {  	_ =	swait.ge [sflag:s28], $0x4000  }
0xc2: {  	[sflag:s28] =	ssyncset.done $0x0  }
0xc3: {  	[sflag:s28] =	ssyncadd.s32 $0xFFFFC000  }
0xc4: {  	[spmem:s2] =	stream.indirect.scatter.add.f32 [tilespmem:s21], [sflag:$0x6], $0x80, s29, s19, $0xb8;
	[tilespmem:$0x1D300] =	vst v63  }
0xc5: {  	_ =	swait.ge [sflag:s18], $0x4000  }
0xc6: {  	s14 =	sadd.s32 $0xFFFFF640, s5;
	[sflag:s18] =	ssyncset.done $0x0  }
0xc7: {  	s9 =	sadd.s32 $0xA00, s14;
	[sflag:s18] =	ssyncadd.s32 $0xFFFFC000  }
0xc8: {  	[tilespmem:s17], [sflag:$0x3] =	stream.linear.gather [hbm4b:s9+s3], $0x100, $0x38;
	[tilespmem:$0x1D300] =	vst v63  }
0xc9: {  	_ =	swait.ge [sflag:s20], $0x4000  }
0xca: {  	[sflag:s20] =	ssyncset.done $0x0  }
0xcb: {  	[sflag:s20] =	ssyncadd.s32 $0xFFFFC000  }
0xcc: {  	[spmem:s2] =	stream.indirect.scatter.add.f32 [tilespmem:s23], [sflag:$0x6], $0x80, s30, s19, $0xb8;
	[tilespmem:$0x1D300] =	vst v63  }
0xcd: {  	_ =	swait.ge [sflag:s18], $0x4000  }
0xce: {  	[sflag:s18] =	ssyncset.done $0x0  }
0xcf: {  	[sflag:s18] =	ssyncadd.s32 $0xFFFFC000  }
0xd0: {  	_ =	swait.ge [sflag:s31], $0x100  }
0xd1: {  	[sflag:s31] =	ssyncset.done $0x0  }
0xd2: {  	[sflag:s31] =	ssyncadd.s32 $0xFFFFFF00  }
0xd3: {  	[tilespmem:s21], [sflag:$0x1] =	stream.indirect.gather [hbm4b:s0+s19], $0x80, s17, s19, $0xb8;
	[tilespmem:$0x1D300] =	vst v63  }
0xd4: {  	s8 =	sadd.s32 $0xA20, s14  }
0xd5: {  	[tilespmem:s22], [sflag:$0x4] =	stream.linear.gather [hbm4b:s8+s3], $0x100, $0x38;
	[tilespmem:$0x1D300] =	vst v63  }
0xd6: {  	_ =	swait.ge [sflag:s1], $0x100  }
0xd7: {  	[sflag:s1] =	ssyncset.done $0x0  }
0xd8: {  	s8 =	simm.s32 $0xFFFFF680;
	[sflag:s1] =	ssyncadd.s32 $0xFFFFFF00  }
.LBB2_2:
0xd9: {  	[tilespmem:s23], [sflag:$0x2] =	stream.indirect.gather [hbm4b:s0+s19], $0x80, s22, s19, $0xb8;
	[tilespmem:$0x1D300] =	vst v63  }
0xda: {  	s9 =	smov.u32 s8  }
0xdb: {  	p1 =	sne.s32 s8, $0xFFFFFFC0;
	s8 =	sadd.s32 $0x40, s8;
	_ =	swait.ge [sflag:s28], $0x4000  }
0xdc: {  	[sflag:s28] =	ssyncset.done $0x0  }
0xdd: {  	[sflag:s28] =	ssyncadd.s32 $0xFFFFC000  }
0xde: {  	[spmem:s2] =	stream.indirect.scatter.add.f32 [tilespmem:s21], [sflag:$0x6], $0x80, s29, s19, $0xb8;
	[tilespmem:$0x1D300] =	vst v63  }
0xdf: {  	_ =	swait.ge [sflag:s18], $0x4000  }
0xe0: {  	s9 =	sadd.s32 s9, s5;
	[sflag:s18] =	ssyncset.done $0x0  }
0xe1: {  	s13 =	sadd.s32 $0xA00, s9;
	[sflag:s18] =	ssyncadd.s32 $0xFFFFC000  }
0xe2: {  	[tilespmem:s17], [sflag:$0x3] =	stream.linear.gather [hbm4b:s13+s3], $0x100, $0x38;
	[tilespmem:$0x1D300] =	vst v63  }
0xe3: {  	_ =	swait.ge [sflag:s20], $0x4000  }
0xe4: {  	[sflag:s20] =	ssyncset.done $0x0  }
0xe5: {  	[sflag:s20] =	ssyncadd.s32 $0xFFFFC000  }
0xe6: {  	[spmem:s2] =	stream.indirect.scatter.add.f32 [tilespmem:s23], [sflag:$0x6], $0x80, s30, s19, $0xb8;
	[tilespmem:$0x1D300] =	vst v63  }
0xe7: {  	_ =	swait.ge [sflag:s18], $0x4000  }
0xe8: {  	[sflag:s18] =	ssyncset.done $0x0  }
0xe9: {  	[sflag:s18] =	ssyncadd.s32 $0xFFFFC000  }
0xea: {  	_ =	swait.ge [sflag:s31], $0x100  }
0xeb: {  	[sflag:s31] =	ssyncset.done $0x0  }
0xec: {  	[sflag:s31] =	ssyncadd.s32 $0xFFFFFF00  }
0xed: {  	[tilespmem:s21], [sflag:$0x1] =	stream.indirect.gather [hbm4b:s0+s19], $0x80, s17, s19, $0xb8;
	[tilespmem:$0x1D300] =	vst v63  }
.Ltmp0:
0xee: {  	s9 =	sadd.s32 $0xA20, s9;
	(pc) =	sbr.rel @p1 .LBB2_2-.Ltmp0, $4  }
0xef: {  	[tilespmem:s22], [sflag:$0x4] =	stream.linear.gather [hbm4b:s9+s3], $0x100, $0x38;
	[tilespmem:$0x1D300] =	vst v63  }
0xf0: {  	_ =	swait.ge [sflag:s1], $0x100  }
0xf1: {  	[sflag:s1] =	ssyncset.done $0x0  }
0xf2: {  	[sflag:s1] =	ssyncadd.s32 $0xFFFFFF00  }
0xf3: {  	[tilespmem:s23], [sflag:$0x2] =	stream.indirect.gather [hbm4b:s0+s19], $0x80, s22, s19, $0xb8;
	[tilespmem:$0x1D300] =	vst v63  }
0xf4: {  	_ =	swait.ge [sflag:s28], $0x4000  }
0xf5: {  	[sflag:s28] =	ssyncset.done $0x0  }
0xf6: {  	[sflag:s28] =	ssyncadd.s32 $0xFFFFC000  }
0xf7: {  	[spmem:s2] =	stream.indirect.scatter.add.f32 [tilespmem:s21], [sflag:$0x6], $0x80, s29, s19, $0xb8;
	[tilespmem:$0x1D300] =	vst v63  }
0xf8: {  	_ =	swait.ge [sflag:s18], $0x4000  }
0xf9: {  	[sflag:s18] =	ssyncset.done $0x0  }
0xfa: {  	[sflag:s18] =	ssyncadd.s32 $0xFFFFC000  }
0xfb: {  	_ =	swait.ge [sflag:s20], $0x4000  }
0xfc: {  	[sflag:s20] =	ssyncset.done $0x0  }
0xfd: {  	[sflag:s20] =	ssyncadd.s32 $0xFFFFC000  }
0xfe: {  	[spmem:s2] =	stream.indirect.scatter.add.f32 [tilespmem:s23], [sflag:$0x6], $0x80, s30, s19, $0xb8;
	[tilespmem:$0x1D300] =	vst v63  }
0xff: {  	_ =	swait.ge [sflag:s18], $0x4000  }
0x100: {  	[sflag:s18] =	ssyncset.done $0x0  }
0x101: {  	[sflag:s18] =	ssyncadd.s32 $0xFFFFC000  }
0x102: {  	[bflag:$0x0] =	sbarrier.arrive $0xFFFF  }
0x103: {  	[tilespmem:s24], [sflag:$0x6] =	stream.linear.gather [spmem:s10], $0xC00, $0x38;
	[tilespmem:$0x1D300] =	vst v63  }
0x104: {  	_ =	swait.ge [sflag:s18], $0xC00  }
0x105: {  	[sflag:s18] =	ssyncset.done $0x0  }
0x106: {  	s8 =	simm.s32 $0x0;
	[sflag:s18] =	ssyncadd.s32 $0xFFFFF400  }
0x107: {  	[hbm4b:s15+s8] =	stream.linear.scatter [tilespmem:s24], [sflag:$0x5], $0xC00, $0x38;
	[tilespmem:$0x1D300] =	vst v63  }
0x108: {  	_ = 	snop  }
0x109: {  	[tilespmem:s4], [sflag:$0x6] =	stream.linear.gather [spmem:s11], $0xC00, $0x38;
	[tilespmem:$0x1D300] =	vst v63  }
0x10a: {  	_ =	swait.ge [sflag:s18], $0xC00  }
0x10b: {  	[sflag:s18] =	ssyncset.done $0x0  }
0x10c: {  	[sflag:s18] =	ssyncadd.s32 $0xFFFFF400  }
0x10d: {  	_ =	swait.ge [sflag:s26], $0xC00  }
0x10e: {  	[sflag:s26] =	ssyncset.done $0x0  }
0x10f: {  	s9 =	rddreg [dreg:$0xf];
	[sflag:s26] =	ssyncadd.s32 $0xFFFFF400  }
0x110: {  	[hbm4b:s9+s8] =	stream.linear.scatter [tilespmem:s4], [sflag:$0x5], $0xC00, $0x38;
	[tilespmem:$0x1D300] =	vst v63  }
0x111: {  	_ =	swait.ge [sflag:s26], $0xC00  }
0x112: {  	[sflag:s26] =	ssyncset.done $0x0  }
0x113: {  	[sflag:s26] =	ssyncadd.s32 $0xFFFFF400  }
0x114: {  	[tilespmem:s24], [sflag:$0x6] =	stream.linear.gather [spmem:s12], $0xC00, $0x38;
	[tilespmem:$0x1D300] =	vst v63  }
0x115: {  	_ =	swait.ge [sflag:s18], $0xC00  }
0x116: {  	[sflag:s18] =	ssyncset.done $0x0  }
0x117: {  	s13 =	sadd.s32 $0x0, s25;
	[sflag:s18] =	ssyncadd.s32 $0xFFFFF400  }
0x118: {  	[hbm4b:s13+s3] =	stream.linear.scatter [tilespmem:s24], [sflag:$0x5], $0xC00, $0x38;
	[tilespmem:$0x1D300] =	vst v63  }
0x119: {  	s14 =	sadd.s32 $0xC00, s12  }
0x11a: {  	[tilespmem:s4], [sflag:$0x6] =	stream.linear.gather [spmem:s14], $0xC00, $0x38;
	[tilespmem:$0x1D300] =	vst v63  }
0x11b: {  	_ =	swait.ge [sflag:s18], $0xC00  }
0x11c: {  	[sflag:s18] =	ssyncset.done $0x0  }
0x11d: {  	[sflag:s18] =	ssyncadd.s32 $0xFFFFF400  }
0x11e: {  	_ =	swait.ge [sflag:s26], $0xC00  }
0x11f: {  	s8 =	simm.s32 $0x300;
	[sflag:s26] =	ssyncset.done $0x0  }
0x120: {  	s9 =	sadd.s32 $0x1800, s12;
	s13 =	sadd.s32 $0x0, s16;
	[sflag:s26] =	ssyncadd.s32 $0xFFFFF400  }
.LBB2_4:
0x121: {  	[hbm4b:s13+s3] =	stream.linear.scatter [tilespmem:s4], [sflag:$0x5], $0xC00, $0x38;
	[tilespmem:$0x1D300] =	vst v63  }
0x122: {  	s13 =	smov.u32 s8  }
0x123: {  	p1 =	sne.s32 s8, $0x2100;
	s8 =	sadd.s32 $0x300, s8;
	_ =	swait.ge [sflag:s26], $0xC00  }
0x124: {  	[sflag:s26] =	ssyncset.done $0x0  }
0x125: {  	[sflag:s26] =	ssyncadd.s32 $0xFFFFF400  }
0x126: {  	[tilespmem:s24], [sflag:$0x6] =	stream.linear.gather [spmem:s9], $0xC00, $0x38;
	[tilespmem:$0x1D300] =	vst v63  }
0x127: {  	_ =	swait.ge [sflag:s18], $0xC00  }
0x128: {  	[sflag:s18] =	ssyncset.done $0x0  }
0x129: {  	s14 =	sadd.s32 s13, s25;
	[sflag:s18] =	ssyncadd.s32 $0xFFFFF400  }
0x12a: {  	[hbm4b:s14+s3] =	stream.linear.scatter [tilespmem:s24], [sflag:$0x5], $0xC00, $0x38;
	[tilespmem:$0x1D300] =	vst v63  }
0x12b: {  	s14 =	sadd.s32 $0xC00, s9  }
0x12c: {  	[tilespmem:s4], [sflag:$0x6] =	stream.linear.gather [spmem:s14], $0xC00, $0x38;
	[tilespmem:$0x1D300] =	vst v63  }
0x12d: {  	_ =	swait.ge [sflag:s18], $0xC00  }
.Ltmp1:
0x12e: {  	[sflag:s18] =	ssyncset.done $0x0;
	(pc) =	sbr.rel @p1 .LBB2_4-.Ltmp1, $4  }
0x12f: {  	[sflag:s18] =	ssyncadd.s32 $0xFFFFF400  }
0x130: {  	_ =	swait.ge [sflag:s26], $0xC00  }
0x131: {  	[sflag:s26] =	ssyncset.done $0x0  }
0x132: {  	s13 =	sadd.s32 s13, s16;
	s9 =	sadd.s32 $0x1800, s9;
	[sflag:s26] =	ssyncadd.s32 $0xFFFFF400  }
0x133: {  	[hbm4b:s13+s3] =	stream.linear.scatter [tilespmem:s4], [sflag:$0x5], $0xC00, $0x38;
	[tilespmem:$0x1D300] =	vst v63  }
0x134: {  	_ =	swait.ge [sflag:s26], $0xC00  }
0x135: {  	[sflag:s26] =	ssyncset.done $0x0  }
0x136: {  	s8 =	simm.s32 @!p0 $0x1BB00;
	s9 =	simm.s32 @!p0 $0x6;
	[sflag:s26] =	ssyncadd.s32 $0xFFFFF400  }
0x137: {  	[tilespmem:s8], [sflag:$0x6] =	stream.linear.gather @!p0 [spmem:s7], $0x800, $0x38;
	[tilespmem:$0x1D300] =	vst v63  }
0x138: {  	_ =	swait.ge @!p0 [sflag:s9], $0x800  }
0x139: {  	[sflag:s9] =	ssyncset.done @!p0 $0x0  }
0x13a: {  	s13 =	simm.s32 @!p0 $0x0;
	s14 =	rddreg [dreg:$0x6];
	[sflag:s9] =	ssyncadd.s32 @!p0 $0xFFFFF800  }
0x13b: {  	[hbm4b:s14+s13] =	stream.linear.scatter @!p0 [tilespmem:s8], [sflag:$0x6], $0x800, $0x38;
	[tilespmem:$0x1D300] =	vst v63  }
0x13c: {  	_ =	swait.ge @!p0 [sflag:s9], $0x800  }
0x13d: {  	s6 =	sadd.s32 $0x1, s6;
	s14 =	rddreg [dreg:$0x7]  }
0x13e: {  	p1 =	sne.s32 s6, s14  }
.Ltmp2:
0x13f: {  	_ = 	snop;
	(pc) =	sbr.rel @p1 .LBB2_1-.Ltmp2, $3  }
0x140: {  	_ =	sdelay $0x1  }
0x141: {  	[sflag:s9] =	ssyncset.done @!p0 $0x0  }
0x142: {  	[sflag:s9] =	ssyncadd.s32 @!p0 $0xFFFFF800  }
0x143: {  	_ =	sfence.sel $0x180000  }
0x144: {  	[bflag:$0x0] =	sbarrier.arrive $0xFFFF  }
0x145: {  	_ =	strace $0x9000004A  }
0x146: {  	[bflag:$0x2] =	sbarrier.arrive $0xFFFF  }
0x147: {  	s0 =	rddreg [dreg:$0x3]  }
0x148: {  	s0 =	sadd.s32 @!p0 $0x100000, s0  }
0x149: {  	[sflag:s0] =	ssyncadd.tile.s32 @!p0 $0x1;
	_ =	shalt  }
.Lfunc_end2:
_tile_overlayer_lowered:
.L_overlay_start_2:
0x14a: {  	(tag) =	ssettag $0x2  }
0x14b: {  	s0 =	rddreg [dreg:$0x0];
	s2 =	stileid.u32  }
0x14c: {  	s1 =	rddreg [dreg:$0x1];
	p0 =	sne.s32 s2, $0x0  }
0x14d: {  	s3 =	rddreg [dreg:$0x2];
	[bflag:$0x3] =	sbarrier.arrive $0xFFFF;
	s2 =	simm.s32 @!p0 $0x1C06  }
0x14e: {  	[timem:s3], [sflag:s2] =	dma.local @!p0 [hbm:s0], s1  }
0x14f: {  	s0 =	simm.s32 @!p0 $0x6  }
0x150: {  	_ =	swait.ge @!p0 [sflag:s0], s1  }
0x151: {  	s1 =	ssub.s32 @!p0 $0x0, s1;
	[sflag:s0] =	ssyncset.done @!p0 $0x0  }
0x152: {  	[sflag:s0] =	ssyncadd.s32 @!p0 s1  }
0x153: {  	[bflag:$0x3] =	sbarrier.arrive $0xFFFF  }
0x154: {  	_ =	shalt  }

</sc_bundles>
